<compile_context>
chip_gen: v7x
topology: tpu7x:2x2x1
jax: 0.10.2.dev20260603
libtpu: 0.0.44.dev20260713+nightly
codegen_flags: <defaults>
</compile_context>

<pallas_src>
import functools

import jax
import jax.numpy as jnp
import numpy as _np
from jax import lax
from jax.experimental import pallas as pl
from jax.experimental.pallas import tpu as pltpu
from jax.experimental.pallas import tpu_sc as plsc

N = 10000
E = 320000
D_FEAT = 128
D_HID = 128
H = 32
NCLS = 4

NW = 32
EPW = E // NW
C = 80
NCHUNK = EPW // C
G = C // 16

_HI = jax.lax.Precision.HIGHEST

_ROT_IDX = (_np.arange(H)[:, None] + _np.arange(16)[None, :]) % H



_RB = 2000


def _tables_body(nf, nh, we1, be1, we2, be2, wn1, bn1, wn2, bn2, wn3, bn3,
                 a_out, b_out, pred_out, wf_s, wh_s, consts_s):
    i = pl.program_id(0)

    @pl.when(i == 0)
    def _prep():
        mean = jnp.sum(nh[...], axis=0, keepdims=True) * (1.0 / N)
        w12 = jnp.dot(we1[...], we2[...], precision=_HI)
        b12 = jnp.dot(be1[...], we2[...], precision=_HI) + be2[...]
        wn12 = jnp.dot(wn1[...], wn2[...], precision=_HI)
        bn12 = jnp.dot(bn1[...], wn2[...], precision=_HI) + bn2[...]
        wf_s[...] = jnp.concatenate(
            [w12[0:128], w12[384:512], wn12[0:128]], axis=1)
        wh_s[...] = jnp.concatenate(
            [w12[128:256], w12[512:640], wn12[128:256]], axis=1)
        const_a = jnp.dot(mean, w12[256:384], precision=_HI) + b12
        const_b = jnp.dot(mean, w12[640:768], precision=_HI)
        const_n = jnp.dot(mean, wn12[256:384], precision=_HI) + bn12
        consts_s[...] = jnp.concatenate([const_a, const_b, const_n], axis=1)

    nh_blk = nh[pl.ds(i * _RB, _RB), :]
    p = (jnp.dot(nf[...], wf_s[...], precision=_HI)
         + jnp.dot(nh_blk, wh_s[...], precision=_HI) + consts_s[...])
    a_out[...] = p[:, 0:32]
    b_out[...] = p[:, 32:64]
    hn = jnp.maximum(p[:, 64:96], 0.0)
    pred_out[...] = jnp.dot(hn, wn3[...], precision=_HI) + bn3[...]


def _edge_body(a_hbm, b_hbm, ei_hbm, w3t_hbm, out_hbm,
               idx_v, rows_s, rows_d, w3t_v, out_v, sem_a, sem_b):
    cid = lax.axis_index("c")
    sid = lax.axis_index("s")
    wid = sid * 2 + cid
    base = pl.multiple_of(wid * EPW, 8)

    pltpu.sync_copy(w3t_hbm, w3t_v)
    pltpu.sync_copy(ei_hbm.at[:, pl.ds(base, EPW)], idx_v)
    b3row = w3t_v[32, :]
    iota = lax.iota(jnp.int32, 16)

    def start_gathers(jj, s):
        soff = s * C
        pltpu.async_copy(a_hbm.at[idx_v.at[0, pl.ds(jj * C, C)]],
                         rows_s.at[pl.ds(soff, C)], sem_a)
        pltpu.async_copy(b_hbm.at[idx_v.at[1, pl.ds(jj * C, C)]],
                         rows_d.at[pl.ds(soff, C)], sem_b)

    def wait_gathers(s):
        soff = s * C
        pltpu.make_async_copy(a_hbm.at[idx_v.at[0, pl.ds(0, C)]],
                              rows_s.at[pl.ds(soff, C)], sem_a).wait()
        pltpu.make_async_copy(b_hbm.at[idx_v.at[1, pl.ds(0, C)]],
                              rows_d.at[pl.ds(soff, C)], sem_b).wait()

    start_gathers(0, 0)

    def chunk(j, carry):
        s = lax.rem(j, 2)
        wait_gathers(s)

        @pl.when(j + 1 < NCHUNK)
        def _():
            start_gathers(j + 1, 1 - s)

        row_idx = [iota + (g * 16) + s * C for g in range(G)]
        accs = [b3row for _ in range(G)]
        for k in range(H):
            w3row = w3t_v[k, :]
            col = jnp.bitwise_and(iota + k, H - 1)
            for g in range(G):
                hs = plsc.load_gather(rows_s, [row_idx[g], col])
                hd = plsc.load_gather(rows_d, [row_idx[g], col])
                accs[g] = accs[g] + jnp.maximum(hs + hd, 0.0) * w3row
        for g in range(G):
            out_v[pl.ds(j * C + g * 16, 16)] = accs[g]
        return carry

    lax.fori_loop(0, NCHUNK, chunk, 0, unroll=False)
    pltpu.sync_copy(out_v, out_hbm.at[pl.ds(base, EPW)])


@jax.jit
def kernel(node_features, node_hidden_rep, edge_index,
           We1, be1, We2, be2, We3, be3,
           Wn1, bn1, Wn2, bn2, Wn3, bn3):
    a, b, pred = pl.pallas_call(
        _tables_body,
        grid=(N // _RB,),
        in_specs=[
            pl.BlockSpec((_RB, 128), lambda i: (i, 0)),
            pl.BlockSpec((N, 128), lambda i: (0, 0)),
            pl.BlockSpec((768, H), lambda i: (0, 0)),
            pl.BlockSpec((1, H), lambda i: (0, 0)),
            pl.BlockSpec((H, H), lambda i: (0, 0)),
            pl.BlockSpec((1, H), lambda i: (0, 0)),
            pl.BlockSpec((384, H), lambda i: (0, 0)),
            pl.BlockSpec((1, H), lambda i: (0, 0)),
            pl.BlockSpec((H, H), lambda i: (0, 0)),
            pl.BlockSpec((1, H), lambda i: (0, 0)),
            pl.BlockSpec((H, NCLS), lambda i: (0, 0)),
            pl.BlockSpec((1, NCLS), lambda i: (0, 0)),
        ],
        out_specs=[
            pl.BlockSpec((_RB, H), lambda i: (i, 0)),
            pl.BlockSpec((_RB, H), lambda i: (i, 0)),
            pl.BlockSpec((_RB, NCLS), lambda i: (i, 0)),
        ],
        out_shape=[
            jax.ShapeDtypeStruct((N, H), jnp.float32),
            jax.ShapeDtypeStruct((N, H), jnp.float32),
            jax.ShapeDtypeStruct((N, NCLS), jnp.float32),
        ],
        scratch_shapes=[
            pltpu.VMEM((128, 96), jnp.float32),
            pltpu.VMEM((128, 96), jnp.float32),
            pltpu.VMEM((1, 96), jnp.float32),
        ],
    )(node_features, node_hidden_rep,
      We1, be1.reshape(1, H), We2, be2.reshape(1, H),
      Wn1, bn1.reshape(1, H), Wn2, bn2.reshape(1, H),
      Wn3, bn3.reshape(1, NCLS))

    w3rot = We3.reshape(H)[_ROT_IDX]
    w3t = jnp.concatenate(
        [w3rot, jnp.broadcast_to(be3.reshape(1, 1), (1, 16))], axis=0)

    mesh = plsc.VectorSubcoreMesh(core_axis_name="c", subcore_axis_name="s")
    scores = pl.kernel(
        _edge_body,
        out_type=jax.ShapeDtypeStruct((E,), jnp.float32),
        mesh=mesh,
        compiler_params=pltpu.CompilerParams(needs_layout_passes=False,
                                             use_tc_tiling_on_sc=False),
        scratch_types=[
            pltpu.VMEM((2, EPW), jnp.int32),
            pltpu.VMEM((2 * C, H), jnp.float32),
            pltpu.VMEM((2 * C, H), jnp.float32),
            pltpu.VMEM((33, 16), jnp.float32),
            pltpu.VMEM((EPW,), jnp.float32),
            pltpu.SemaphoreType.DMA,
            pltpu.SemaphoreType.DMA,
        ],
    )(a, b, edge_index.astype(jnp.int32), w3t)

    return pred, scores.reshape(E, 1)

# --- scband reference (transcript-rebuilt; emitter-appended) ---
"""Pipeline reference for scband-jet-classifier-57234734186740 (READ-ONLY COPY).

The authoritative reference and input builder live on the scoring server;
editing this copy changes nothing except your own understanding.
"""

import jax, jax.numpy as jnp
import numpy as np

N = 10000
E = 320000
D_FEAT = 128
D_HID = 128
NODE_IN = D_FEAT + D_HID + D_HID  # 384: node features + hidden rep + mean hidden rep
EDGE_IN = 2 * NODE_IN             # 768: concat of src and dst node data
H = 32
NCLS = 4


def _mlp3(x, W1, b1, W2, b2, W3, b3):
    # build_layers pattern with features=[32,32]:
    # Linear(in,32) -> Linear(32,32) -> ReLU -> Linear(32,out)
    h = x @ W1 + b1
    h = h @ W2 + b2
    h = jax.nn.relu(h)
    return h @ W3 + b3


def setup_inputs(seed: int = 0) -> dict:
    key = jax.random.key(seed)
    ks = jax.random.split(key, 16)
    node_features = jax.random.normal(ks[0], (N, D_FEAT), dtype=jnp.float32)
    node_hidden_rep = jax.random.normal(ks[1], (N, D_HID), dtype=jnp.float32)
    edge_index = jax.random.randint(ks[2], (2, E), 0, N)

    def lin(k, fan_in, fan_out):
        kw, kb = jax.random.split(k)
        s = 1.0 / np.sqrt(fan_in)
        W = jax.random.uniform(kw, (fan_in, fan_out), jnp.float32, -s, s)
        b = jax.random.uniform(kb, (fan_out,), jnp.float32, -s, s)
        return W, b

    We1, be1 = lin(ks[3], EDGE_IN, H)
    We2, be2 = lin(ks[4], H, H)
    We3, be3 = lin(ks[5], H, 1)
    Wn1, bn1 = lin(ks[6], NODE_IN, H)
    Wn2, bn2 = lin(ks[7], H, H)
    Wn3, bn3 = lin(ks[8], H, NCLS)

    return {
        "node_features": node_features,
        "node_hidden_rep": node_hidden_rep,
        "edge_index": edge_index,
        "We1": We1, "be1": be1, "We2": We2, "be2": be2, "We3": We3, "be3": be3,
        "Wn1": Wn1, "bn1": bn1, "Wn2": Wn2, "bn2": bn2, "Wn3": Wn3, "bn3": bn3,
    }


def reference(node_features, node_hidden_rep, edge_index,
              We1, be1, We2, be2, We3, be3,
              Wn1, bn1, Wn2, bn2, Wn3, bn3):
    # dgl.broadcast_nodes(g, dgl.mean_nodes(g, 'node hidden rep')) for a single graph
    mean_hidden = jnp.mean(node_hidden_rep, axis=0, keepdims=True)
    mean_b = jnp.broadcast_to(mean_hidden, node_hidden_rep.shape)

    # node_data = cat([node features, node hidden rep, mean node hidden rep])
    node_data = jnp.concatenate([node_features, node_hidden_rep, mean_b], axis=1)

    # g.apply_edges(classify_edges): edge classifier on concat(src node data, dst node data)
    src = edge_index[0]
    dst = edge_index[1]
    edge_input = jnp.concatenate(
        [jnp.take(node_data, src, axis=0), jnp.take(node_data, dst, axis=0)], axis=1)
    edge_score = _mlp3(edge_input, We1, be1, We2, be2, We3, be3)  # [E, 1]

    # node prediction
    node_pred = _mlp3(node_data, Wn1, bn1, Wn2, bn2, Wn3, bn3)  # [N, n_classes]
    return (node_pred, edge_score)

if __name__ == "__main__":
    import jax
    _d = setup_inputs()
    print(jax.jit(kernel)(*tuple(_d.values())))

</pallas_src>

<mosaic_0001>
#map = affine_map<(d0, d1) -> (0, 0)>
#map1 = affine_map<(d0, d1) -> (0)>
module attributes {stable_mosaic.version = 14 : i64} {
  func.func @_edge_body(%arg0: i32, %arg1: i32, %arg2: memref<10000x32xf32, #tpu.memory_space<hbm>>, %arg3: memref<10000x32xf32, #tpu.memory_space<hbm>>, %arg4: memref<2x320000xi32, #tpu.memory_space<hbm>>, %arg5: memref<33x16xf32, #tpu.memory_space<hbm>>, %arg6: memref<320000xf32, #tpu.memory_space<hbm>>, %arg7: memref<2x10000xi32, #tpu.memory_space<vmem>>, %arg8: memref<160x32xf32, #tpu.memory_space<vmem>>, %arg9: memref<160x32xf32, #tpu.memory_space<vmem>>, %arg10: memref<33x16xf32, #tpu.memory_space<vmem>>, %arg11: memref<10000xf32, #tpu.memory_space<vmem>>, %arg12: memref<!tpu.dma_semaphore, #tpu.memory_space<semaphore_mem>>, %arg13: memref<!tpu.dma_semaphore, #tpu.memory_space<semaphore_mem>>) attributes {dimension_semantics = [#tpu.dimension_semantics<core_parallel>, #tpu.dimension_semantics<subcore_parallel>], iteration_bounds = array<i64: 2, 16>, scalar_prefetch = 0 : i64, scratch_operands = 7 : i64, tpu.core_type = #tpu.core_type<sc_vector_subcore>, window_params = [{transform_indices = #map}, {transform_indices = #map}, {transform_indices = #map}, {transform_indices = #map}, {transform_indices = #map1}]} {
    %mul3A = arith.constant 2 : i32
    %mul3A_0 = arith.muli %arg1, %mul3A : i32
    %add3A = arith.addi %mul3A_0, %arg0 : i32
    %mul3A_1 = arith.constant 10000 : i32
    %mul3A_2 = arith.muli %add3A, %mul3A_1 : i32
    %multiple_of3A = tpu.assume_multiple %mul3A_2, 8 : i32
    "tpu.region"() ({
      %run_scoped3A = tpu.sem_alloc : memref<!tpu.dma_semaphore, #tpu.memory_space<semaphore_mem>>
      tpu.enqueue_dma source(%arg5 : memref<33x16xf32, #tpu.memory_space<hbm>>) target(%arg10 : memref<33x16xf32, #tpu.memory_space<vmem>>) target_semaphore(%run_scoped3A : memref<!tpu.dma_semaphore, #tpu.memory_space<semaphore_mem>>)
      tpu.wait_dma2 semaphore(%run_scoped3A : memref<!tpu.dma_semaphore, #tpu.memory_space<semaphore_mem>>) src(%arg5 : memref<33x16xf32, #tpu.memory_space<hbm>>) dst(%arg10 : memref<33x16xf32, #tpu.memory_space<vmem>>)
      tpu.yield
    }) : () -> ()
    "tpu.region"() ({
      %run_scoped3A = tpu.sem_alloc : memref<!tpu.dma_semaphore, #tpu.memory_space<semaphore_mem>>
      %dma_start3A_30 = arith.constant 0 : i32
      %dma_start3A_31 = tpu.memref_slice %arg4[%dma_start3A_30, %multiple_of3A] : memref<2x320000xi32, #tpu.memory_space<hbm>> -> memref<2x10000xi32, #tpu.memory_space<hbm>>
      %dma_start3A_32 = arith.constant 0 : i32
      %dma_start3A_33 = tpu.memref_slice %arg4[%dma_start3A_32, %multiple_of3A] : memref<2x320000xi32, #tpu.memory_space<hbm>> -> memref<2x10000xi32, #tpu.memory_space<hbm>>
      tpu.enqueue_dma source(%dma_start3A_33 : memref<2x10000xi32, #tpu.memory_space<hbm>>) target(%arg7 : memref<2x10000xi32, #tpu.memory_space<vmem>>) target_semaphore(%run_scoped3A : memref<!tpu.dma_semaphore, #tpu.memory_space<semaphore_mem>>)
      %dma_wait3A = arith.constant 0 : i32
      %dma_wait3A_34 = tpu.memref_slice %arg4[%dma_wait3A, %multiple_of3A] : memref<2x320000xi32, #tpu.memory_space<hbm>> -> memref<2x10000xi32, #tpu.memory_space<hbm>>
      %dma_wait3A_35 = arith.constant 0 : i32
      %dma_wait3A_36 = tpu.memref_slice %arg4[%dma_wait3A_35, %multiple_of3A] : memref<2x320000xi32, #tpu.memory_space<hbm>> -> memref<2x10000xi32, #tpu.memory_space<hbm>>
      tpu.wait_dma2 semaphore(%run_scoped3A : memref<!tpu.dma_semaphore, #tpu.memory_space<semaphore_mem>>) src(%dma_wait3A_36 : memref<2x10000xi32, #tpu.memory_space<hbm>>) dst(%arg7 : memref<2x10000xi32, #tpu.memory_space<vmem>>)
      tpu.yield
    }) : () -> ()
    %get3A = arith.constant 32 : i32
    %get3A_3 = arith.index_cast %get3A : i32 to index
    %get3A_4 = arith.constant 0 : index
    %get3A_5 = tpu.vector_load %arg10[%get3A_3, %get3A_4] {strides = array<i32>} : memref<33x16xf32, #tpu.memory_space<vmem>>, vector<16xf32>,
    %iota3A = tpu.iota {dimensions = array<i32: 0>} : vector<16xi32>
    %dma_start3A = arith.constant 0 : i32
    %dma_start3A_6 = arith.constant 0 : i32
    %dma_start3A_7 = arith.constant 0 : i32
    %dma_start3A_8 = tpu.memref_slice %arg8[%dma_start3A_6, %dma_start3A_7] : memref<160x32xf32, #tpu.memory_space<vmem>> -> memref<80x32xf32, #tpu.memory_space<vmem>>
    %dma_start3A_9 = arith.constant 0 : i32
    %dma_start3A_10 = tpu.memref_slice %arg7[%dma_start3A, %dma_start3A_9] : memref<2x10000xi32, #tpu.memory_space<vmem>> -> memref<1x80xi32, #tpu.memory_space<vmem>>
    %dma_start3A_11 = tpu.memref_squeeze %dma_start3A_10 : memref<1x80xi32, #tpu.memory_space<vmem>> -> memref<80xi32, #tpu.memory_space<vmem>>
    %dma_start3A_12 = arith.constant 0 : i32
    %dma_start3A_13 = arith.constant 0 : i32
    %dma_start3A_14 = tpu.memref_slice %arg2[%dma_start3A_12, %dma_start3A_13] : memref<10000x32xf32, #tpu.memory_space<hbm>> -> memref<10000x32xf32, #tpu.memory_space<hbm>>
    tpu.enqueue_indirect_dma source(%dma_start3A_14 : memref<10000x32xf32, #tpu.memory_space<hbm>>) target(%dma_start3A_8 : memref<80x32xf32, #tpu.memory_space<vmem>>) offsets(%dma_start3A_11 : memref<80xi32, #tpu.memory_space<vmem>>) semaphore(%arg12 : memref<!tpu.dma_semaphore, #tpu.memory_space<semaphore_mem>>)
    %dma_start3A_15 = arith.constant 1 : i32
    %dma_start3A_16 = arith.constant 0 : i32
    %dma_start3A_17 = arith.constant 0 : i32
    %dma_start3A_18 = tpu.memref_slice %arg9[%dma_start3A_16, %dma_start3A_17] : memref<160x32xf32, #tpu.memory_space<vmem>> -> memref<80x32xf32, #tpu.memory_space<vmem>>
    %dma_start3A_19 = arith.constant 0 : i32
    %dma_start3A_20 = tpu.memref_slice %arg7[%dma_start3A_15, %dma_start3A_19] : memref<2x10000xi32, #tpu.memory_space<vmem>> -> memref<1x80xi32, #tpu.memory_space<vmem>>
    %dma_start3A_21 = tpu.memref_squeeze %dma_start3A_20 : memref<1x80xi32, #tpu.memory_space<vmem>> -> memref<80xi32, #tpu.memory_space<vmem>>
    %dma_start3A_22 = arith.constant 0 : i32
    %dma_start3A_23 = arith.constant 0 : i32
    %dma_start3A_24 = tpu.memref_slice %arg3[%dma_start3A_22, %dma_start3A_23] : memref<10000x32xf32, #tpu.memory_space<hbm>> -> memref<10000x32xf32, #tpu.memory_space<hbm>>
    tpu.enqueue_indirect_dma source(%dma_start3A_24 : memref<10000x32xf32, #tpu.memory_space<hbm>>) target(%dma_start3A_18 : memref<80x32xf32, #tpu.memory_space<vmem>>) offsets(%dma_start3A_21 : memref<80xi32, #tpu.memory_space<vmem>>) semaphore(%arg13 : memref<!tpu.dma_semaphore, #tpu.memory_space<semaphore_mem>>)
    %scan3A = arith.constant 0 : i32
    %scan3A_25 = arith.constant 0 : i32
    %scan3A_26 = arith.constant 125 : i32
    %scan3A_27 = arith.addi %scan3A_25, %scan3A_26 : i32
    %scan3A_28 = arith.constant 1 : i32
    scf.for %scan3A_30 = %scan3A_25 to %scan3A_27 step %scan3A_28  : i32 {
      %rem3A = arith.constant 2 : i32
      %rem3A_31 = arith.remsi %scan3A_30, %rem3A : i32
      %mul3A_32 = arith.constant 80 : i32
      %mul3A_33 = arith.muli %rem3A_31, %mul3A_32 : i32
      %dma_wait3A = arith.constant 0 : i32
      %dma_wait3A_34 = arith.constant 0 : i32
      %dma_wait3A_35 = tpu.memref_slice %arg8[%mul3A_33, %dma_wait3A_34] : memref<160x32xf32, #tpu.memory_space<vmem>> -> memref<80x32xf32, #tpu.memory_space<vmem>>
      %dma_wait3A_36 = arith.constant 0 : i32
      %dma_wait3A_37 = tpu.memref_slice %arg7[%dma_wait3A, %dma_wait3A_36] : memref<2x10000xi32, #tpu.memory_space<vmem>> -> memref<1x80xi32, #tpu.memory_space<vmem>>
      %dma_wait3A_38 = tpu.memref_squeeze %dma_wait3A_37 : memref<1x80xi32, #tpu.memory_space<vmem>> -> memref<80xi32, #tpu.memory_space<vmem>>
      %dma_wait3A_39 = arith.constant 0 : i32
      %dma_wait3A_40 = arith.constant 0 : i32
      %dma_wait3A_41 = tpu.memref_slice %arg2[%dma_wait3A_39, %dma_wait3A_40] : memref<10000x32xf32, #tpu.memory_space<hbm>> -> memref<10000x32xf32, #tpu.memory_space<hbm>>
      tpu.wait_indirect_dma semaphore(%arg12 : memref<!tpu.dma_semaphore, #tpu.memory_space<semaphore_mem>>) src(%dma_wait3A_41 : memref<10000x32xf32, #tpu.memory_space<hbm>>) dst(%dma_wait3A_35 : memref<80x32xf32, #tpu.memory_space<vmem>>)
      %dma_wait3A_42 = arith.constant 1 : i32
      %dma_wait3A_43 = arith.constant 0 : i32
      %dma_wait3A_44 = tpu.memref_slice %arg9[%mul3A_33, %dma_wait3A_43] : memref<160x32xf32, #tpu.memory_space<vmem>> -> memref<80x32xf32, #tpu.memory_space<vmem>>
      %dma_wait3A_45 = arith.constant 0 : i32
      %dma_wait3A_46 = tpu.memref_slice %arg7[%dma_wait3A_42, %dma_wait3A_45] : memref<2x10000xi32, #tpu.memory_space<vmem>> -> memref<1x80xi32, #tpu.memory_space<vmem>>
      %dma_wait3A_47 = tpu.memref_squeeze %dma_wait3A_46 : memref<1x80xi32, #tpu.memory_space<vmem>> -> memref<80xi32, #tpu.memory_space<vmem>>
      %dma_wait3A_48 = arith.constant 0 : i32
      %dma_wait3A_49 = arith.constant 0 : i32
      %dma_wait3A_50 = tpu.memref_slice %arg3[%dma_wait3A_48, %dma_wait3A_49] : memref<10000x32xf32, #tpu.memory_space<hbm>> -> memref<10000x32xf32, #tpu.memory_space<hbm>>
      tpu.wait_indirect_dma semaphore(%arg13 : memref<!tpu.dma_semaphore, #tpu.memory_space<semaphore_mem>>) src(%dma_wait3A_50 : memref<10000x32xf32, #tpu.memory_space<hbm>>) dst(%dma_wait3A_44 : memref<80x32xf32, #tpu.memory_space<vmem>>)
      %add3A_51 = arith.constant 1 : i32
      %add3A_52 = arith.addi %scan3A_30, %add3A_51 : i32
      %lt3A = arith.constant 125 : i32
      %lt3A_53 = arith.cmpi slt, %add3A_52, %lt3A : i32
      %convert_element_type3A = arith.extui %lt3A_53 : i1 to i32
      %cond3A = arith.constant 0 : i32
      %cond3A_54 = arith.cmpi ne, %convert_element_type3A, %cond3A : i32
      scf.if %cond3A_54 {
        %add3A_1716 = arith.constant 1 : i32
        %add3A_1717 = arith.addi %scan3A_30, %add3A_1716 : i32
        %sub3A = arith.constant 1 : i32
        %sub3A_1718 = arith.subi %sub3A, %rem3A_31 : i32
        %mul3A_1719 = arith.constant 80 : i32
        %mul3A_1720 = arith.muli %sub3A_1718, %mul3A_1719 : i32
        %mul3A_1721 = arith.constant 80 : i32
        %mul3A_1722 = arith.muli %add3A_1717, %mul3A_1721 : i32
        %dma_start3A_1723 = arith.constant 0 : i32
        %dma_start3A_1724 = arith.constant 0 : i32
        %dma_start3A_1725 = tpu.memref_slice %arg8[%mul3A_1720, %dma_start3A_1724] : memref<160x32xf32, #tpu.memory_space<vmem>> -> memref<80x32xf32, #tpu.memory_space<vmem>>
        %dma_start3A_1726 = tpu.memref_slice %arg7[%dma_start3A_1723, %mul3A_1722] : memref<2x10000xi32, #tpu.memory_space<vmem>> -> memref<1x80xi32, #tpu.memory_space<vmem>>
        %dma_start3A_1727 = tpu.memref_squeeze %dma_start3A_1726 : memref<1x80xi32, #tpu.memory_space<vmem>> -> memref<80xi32, #tpu.memory_space<vmem>>
        %dma_start3A_1728 = arith.constant 0 : i32
        %dma_start3A_1729 = arith.constant 0 : i32
        %dma_start3A_1730 = tpu.memref_slice %arg2[%dma_start3A_1728, %dma_start3A_1729] : memref<10000x32xf32, #tpu.memory_space<hbm>> -> memref<10000x32xf32, #tpu.memory_space<hbm>>
        tpu.enqueue_indirect_dma source(%dma_start3A_1730 : memref<10000x32xf32, #tpu.memory_space<hbm>>) target(%dma_start3A_1725 : memref<80x32xf32, #tpu.memory_space<vmem>>) offsets(%dma_start3A_1727 : memref<80xi32, #tpu.memory_space<vmem>>) semaphore(%arg12 : memref<!tpu.dma_semaphore, #tpu.memory_space<semaphore_mem>>)
        %mul3A_1731 = arith.constant 80 : i32
        %mul3A_1732 = arith.muli %add3A_1717, %mul3A_1731 : i32
        %dma_start3A_1733 = arith.constant 1 : i32
        %dma_start3A_1734 = arith.constant 0 : i32
        %dma_start3A_1735 = tpu.memref_slice %arg9[%mul3A_1720, %dma_start3A_1734] : memref<160x32xf32, #tpu.memory_space<vmem>> -> memref<80x32xf32, #tpu.memory_space<vmem>>
        %dma_start3A_1736 = tpu.memref_slice %arg7[%dma_start3A_1733, %mul3A_1732] : memref<2x10000xi32, #tpu.memory_space<vmem>> -> memref<1x80xi32, #tpu.memory_space<vmem>>
        %dma_start3A_1737 = tpu.memref_squeeze %dma_start3A_1736 : memref<1x80xi32, #tpu.memory_space<vmem>> -> memref<80xi32, #tpu.memory_space<vmem>>
        %dma_start3A_1738 = arith.constant 0 : i32
        %dma_start3A_1739 = arith.constant 0 : i32
        %dma_start3A_1740 = tpu.memref_slice %arg3[%dma_start3A_1738, %dma_start3A_1739] : memref<10000x32xf32, #tpu.memory_space<hbm>> -> memref<10000x32xf32, #tpu.memory_space<hbm>>
        tpu.enqueue_indirect_dma source(%dma_start3A_1740 : memref<10000x32xf32, #tpu.memory_space<hbm>>) target(%dma_start3A_1735 : memref<80x32xf32, #tpu.memory_space<vmem>>) offsets(%dma_start3A_1737 : memref<80xi32, #tpu.memory_space<vmem>>) semaphore(%arg13 : memref<!tpu.dma_semaphore, #tpu.memory_space<semaphore_mem>>)
      } else {
      }
      %add3A_55 = arith.constant 0 : i32
      %add3A_56 = vector.broadcast %add3A_55 : i32 to vector<16xi32>
      %add3A_57 = arith.addi %iota3A, %add3A_56 : vector<16xi32>
      %mul3A_58 = arith.constant 80 : i32
      %mul3A_59 = arith.muli %rem3A_31, %mul3A_58 : i32
      %add3A_60 = vector.broadcast %mul3A_59 : i32 to vector<16xi32>
      %add3A_61 = arith.addi %add3A_57, %add3A_60 : vector<16xi32>
      %add3A_62 = arith.constant 16 : i32
      %add3A_63 = vector.broadcast %add3A_62 : i32 to vector<16xi32>
      %add3A_64 = arith.addi %iota3A, %add3A_63 : vector<16xi32>
      %mul3A_65 = arith.constant 80 : i32
      %mul3A_66 = arith.muli %rem3A_31, %mul3A_65 : i32
      %add3A_67 = vector.broadcast %mul3A_66 : i32 to vector<16xi32>
      %add3A_68 = arith.addi %add3A_64, %add3A_67 : vector<16xi32>
      %add3A_69 = arith.constant 32 : i32
      %add3A_70 = vector.broadcast %add3A_69 : i32 to vector<16xi32>
      %add3A_71 = arith.addi %iota3A, %add3A_70 : vector<16xi32>
      %mul3A_72 = arith.constant 80 : i32
      %mul3A_73 = arith.muli %rem3A_31, %mul3A_72 : i32
      %add3A_74 = vector.broadcast %mul3A_73 : i32 to vector<16xi32>
      %add3A_75 = arith.addi %add3A_71, %add3A_74 : vector<16xi32>
      %add3A_76 = arith.constant 48 : i32
      %add3A_77 = vector.broadcast %add3A_76 : i32 to vector<16xi32>
      %add3A_78 = arith.addi %iota3A, %add3A_77 : vector<16xi32>
      %mul3A_79 = arith.constant 80 : i32
      %mul3A_80 = arith.muli %rem3A_31, %mul3A_79 : i32
      %add3A_81 = vector.broadcast %mul3A_80 : i32 to vector<16xi32>
      %add3A_82 = arith.addi %add3A_78, %add3A_81 : vector<16xi32>
      %add3A_83 = arith.constant 64 : i32
      %add3A_84 = vector.broadcast %add3A_83 : i32 to vector<16xi32>
      %add3A_85 = arith.addi %iota3A, %add3A_84 : vector<16xi32>
      %mul3A_86 = arith.constant 80 : i32
      %mul3A_87 = arith.muli %rem3A_31, %mul3A_86 : i32
      %add3A_88 = vector.broadcast %mul3A_87 : i32 to vector<16xi32>
      %add3A_89 = arith.addi %add3A_85, %add3A_88 : vector<16xi32>
      %get3A_90 = arith.constant 0 : i32
      %get3A_91 = arith.index_cast %get3A_90 : i32 to index
      %get3A_92 = arith.constant 0 : index
      %get3A_93 = tpu.vector_load %arg10[%get3A_91, %get3A_92] {strides = array<i32>} : memref<33x16xf32, #tpu.memory_space<vmem>>, vector<16xf32>,
      %add3A_94 = arith.constant 0 : i32
      %add3A_95 = vector.broadcast %add3A_94 : i32 to vector<16xi32>
      %add3A_96 = arith.addi %iota3A, %add3A_95 : vector<16xi32>
      %and3A = arith.constant 31 : i32
      %and3A_97 = vector.broadcast %and3A : i32 to vector<16xi32>
      %and3A_98 = arith.andi %add3A_96, %and3A_97 : vector<16xi32>
      %gather3A = tpu.vector_load_idx %arg8[%add3A_61, %and3A_98] : memref<160x32xf32, #tpu.memory_space<vmem>>[vector<16xi32>, vector<16xi32>], vector<16xf32>,
      %gather3A_99 = tpu.vector_load_idx %arg9[%add3A_61, %and3A_98] : memref<160x32xf32, #tpu.memory_space<vmem>>[vector<16xi32>, vector<16xi32>], vector<16xf32>,
      %add3A_100 = arith.addf %gather3A, %gather3A_99 : vector<16xf32>
      %max3A = arith.constant 0.000000e+00 : f32
      %max3A_101 = vector.broadcast %max3A : f32 to vector<16xf32>
      %max3A_102 = arith.maximumf %add3A_100, %max3A_101 : vector<16xf32>
      %mul3A_103 = arith.mulf %max3A_102, %get3A_93 : vector<16xf32>
      %add3A_104 = arith.addf %get3A_5, %mul3A_103 : vector<16xf32>
      %gather3A_105 = tpu.vector_load_idx %arg8[%add3A_68, %and3A_98] : memref<160x32xf32, #tpu.memory_space<vmem>>[vector<16xi32>, vector<16xi32>], vector<16xf32>,
      %gather3A_106 = tpu.vector_load_idx %arg9[%add3A_68, %and3A_98] : memref<160x32xf32, #tpu.memory_space<vmem>>[vector<16xi32>, vector<16xi32>], vector<16xf32>,
      %add3A_107 = arith.addf %gather3A_105, %gather3A_106 : vector<16xf32>
      %max3A_108 = arith.constant 0.000000e+00 : f32
      %max3A_109 = vector.broadcast %max3A_108 : f32 to vector<16xf32>
      %max3A_110 = arith.maximumf %add3A_107, %max3A_109 : vector<16xf32>
      %mul3A_111 = arith.mulf %max3A_110, %get3A_93 : vector<16xf32>
      %add3A_112 = arith.addf %get3A_5, %mul3A_111 : vector<16xf32>
      %gather3A_113 = tpu.vector_load_idx %arg8[%add3A_75, %and3A_98] : memref<160x32xf32, #tpu.memory_space<vmem>>[vector<16xi32>, vector<16xi32>], vector<16xf32>,
      %gather3A_114 = tpu.vector_load_idx %arg9[%add3A_75, %and3A_98] : memref<160x32xf32, #tpu.memory_space<vmem>>[vector<16xi32>, vector<16xi32>], vector<16xf32>,
      %add3A_115 = arith.addf %gather3A_113, %gather3A_114 : vector<16xf32>
      %max3A_116 = arith.constant 0.000000e+00 : f32
      %max3A_117 = vector.broadcast %max3A_116 : f32 to vector<16xf32>
      %max3A_118 = arith.maximumf %add3A_115, %max3A_117 : vector<16xf32>
      %mul3A_119 = arith.mulf %max3A_118, %get3A_93 : vector<16xf32>
      %add3A_120 = arith.addf %get3A_5, %mul3A_119 : vector<16xf32>
      %gather3A_121 = tpu.vector_load_idx %arg8[%add3A_82, %and3A_98] : memref<160x32xf32, #tpu.memory_space<vmem>>[vector<16xi32>, vector<16xi32>], vector<16xf32>,
      %gather3A_122 = tpu.vector_load_idx %arg9[%add3A_82, %and3A_98] : memref<160x32xf32, #tpu.memory_space<vmem>>[vector<16xi32>, vector<16xi32>], vector<16xf32>,
      %add3A_123 = arith.addf %gather3A_121, %gather3A_122 : vector<16xf32>
      %max3A_124 = arith.constant 0.000000e+00 : f32
      %max3A_125 = vector.broadcast %max3A_124 : f32 to vector<16xf32>
      %max3A_126 = arith.maximumf %add3A_123, %max3A_125 : vector<16xf32>
      %mul3A_127 = arith.mulf %max3A_126, %get3A_93 : vector<16xf32>
      %add3A_128 = arith.addf %get3A_5, %mul3A_127 : vector<16xf32>
      %gather3A_129 = tpu.vector_load_idx %arg8[%add3A_89, %and3A_98] : memref<160x32xf32, #tpu.memory_space<vmem>>[vector<16xi32>, vector<16xi32>], vector<16xf32>,
      %gather3A_130 = tpu.vector_load_idx %arg9[%add3A_89, %and3A_98] : memref<160x32xf32, #tpu.memory_space<vmem>>[vector<16xi32>, vector<16xi32>], vector<16xf32>,
      %add3A_131 = arith.addf %gather3A_129, %gather3A_130 : vector<16xf32>
      %max3A_132 = arith.constant 0.000000e+00 : f32
      %max3A_133 = vector.broadcast %max3A_132 : f32 to vector<16xf32>
      %max3A_134 = arith.maximumf %add3A_131, %max3A_133 : vector<16xf32>
      %mul3A_135 = arith.mulf %max3A_134, %get3A_93 : vector<16xf32>
      %add3A_136 = arith.addf %get3A_5, %mul3A_135 : vector<16xf32>
      %get3A_137 = arith.constant 1 : i32
      %get3A_138 = arith.index_cast %get3A_137 : i32 to index
      %get3A_139 = arith.constant 0 : index
      %get3A_140 = tpu.vector_load %arg10[%get3A_138, %get3A_139] {strides = array<i32>} : memref<33x16xf32, #tpu.memory_space<vmem>>, vector<16xf32>,
      %add3A_141 = arith.constant 1 : i32
      %add3A_142 = vector.broadcast %add3A_141 : i32 to vector<16xi32>
      %add3A_143 = arith.addi %iota3A, %add3A_142 : vector<16xi32>
      %and3A_144 = arith.constant 31 : i32
      %and3A_145 = vector.broadcast %and3A_144 : i32 to vector<16xi32>
      %and3A_146 = arith.andi %add3A_143, %and3A_145 : vector<16xi32>
      %gather3A_147 = tpu.vector_load_idx %arg8[%add3A_61, %and3A_146] : memref<160x32xf32, #tpu.memory_space<vmem>>[vector<16xi32>, vector<16xi32>], vector<16xf32>,
      %gather3A_148 = tpu.vector_load_idx %arg9[%add3A_61, %and3A_146] : memref<160x32xf32, #tpu.memory_space<vmem>>[vector<16xi32>, vector<16xi32>], vector<16xf32>,
      %add3A_149 = arith.addf %gather3A_147, %gather3A_148 : vector<16xf32>
      %max3A_150 = arith.constant 0.000000e+00 : f32
      %max3A_151 = vector.broadcast %max3A_150 : f32 to vector<16xf32>
      %max3A_152 = arith.maximumf %add3A_149, %max3A_151 : vector<16xf32>
      %mul3A_153 = arith.mulf %max3A_152, %get3A_140 : vector<16xf32>
      %add3A_154 = arith.addf %add3A_104, %mul3A_153 : vector<16xf32>
      %gather3A_155 = tpu.vector_load_idx %arg8[%add3A_68, %and3A_146] : memref<160x32xf32, #tpu.memory_space<vmem>>[vector<16xi32>, vector<16xi32>], vector<16xf32>,
      %gather3A_156 = tpu.vector_load_idx %arg9[%add3A_68, %and3A_146] : memref<160x32xf32, #tpu.memory_space<vmem>>[vector<16xi32>, vector<16xi32>], vector<16xf32>,
      %add3A_157 = arith.addf %gather3A_155, %gather3A_156 : vector<16xf32>
      %max3A_158 = arith.constant 0.000000e+00 : f32
      %max3A_159 = vector.broadcast %max3A_158 : f32 to vector<16xf32>
      %max3A_160 = arith.maximumf %add3A_157, %max3A_159 : vector<16xf32>
      %mul3A_161 = arith.mulf %max3A_160, %get3A_140 : vector<16xf32>
      %add3A_162 = arith.addf %add3A_112, %mul3A_161 : vector<16xf32>
      %gather3A_163 = tpu.vector_load_idx %arg8[%add3A_75, %and3A_146] : memref<160x32xf32, #tpu.memory_space<vmem>>[vector<16xi32>, vector<16xi32>], vector<16xf32>,
      %gather3A_164 = tpu.vector_load_idx %arg9[%add3A_75, %and3A_146] : memref<160x32xf32, #tpu.memory_space<vmem>>[vector<16xi32>, vector<16xi32>], vector<16xf32>,
      %add3A_165 = arith.addf %gather3A_163, %gather3A_164 : vector<16xf32>
      %max3A_166 = arith.constant 0.000000e+00 : f32
      %max3A_167 = vector.broadcast %max3A_166 : f32 to vector<16xf32>
      %max3A_168 = arith.maximumf %add3A_165, %max3A_167 : vector<16xf32>
      %mul3A_169 = arith.mulf %max3A_168, %get3A_140 : vector<16xf32>
      %add3A_170 = arith.addf %add3A_120, %mul3A_169 : vector<16xf32>
      %gather3A_171 = tpu.vector_load_idx %arg8[%add3A_82, %and3A_146] : memref<160x32xf32, #tpu.memory_space<vmem>>[vector<16xi32>, vector<16xi32>], vector<16xf32>,
      %gather3A_172 = tpu.vector_load_idx %arg9[%add3A_82, %and3A_146] : memref<160x32xf32, #tpu.memory_space<vmem>>[vector<16xi32>, vector<16xi32>], vector<16xf32>,
      %add3A_173 = arith.addf %gather3A_171, %gather3A_172 : vector<16xf32>
      %max3A_174 = arith.constant 0.000000e+00 : f32
      %max3A_175 = vector.broadcast %max3A_174 : f32 to vector<16xf32>
      %max3A_176 = arith.maximumf %add3A_173, %max3A_175 : vector<16xf32>
      %mul3A_177 = arith.mulf %max3A_176, %get3A_140 : vector<16xf32>
      %add3A_178 = arith.addf %add3A_128, %mul3A_177 : vector<16xf32>
      %gather3A_179 = tpu.vector_load_idx %arg8[%add3A_89, %and3A_146] : memref<160x32xf32, #tpu.memory_space<vmem>>[vector<16xi32>, vector<16xi32>], vector<16xf32>,
      %gather3A_180 = tpu.vector_load_idx %arg9[%add3A_89, %and3A_146] : memref<160x32xf32, #tpu.memory_space<vmem>>[vector<16xi32>, vector<16xi32>], vector<16xf32>,
      %add3A_181 = arith.addf %gather3A_179, %gather3A_180 : vector<16xf32>
      %max3A_182 = arith.constant 0.000000e+00 : f32
      %max3A_183 = vector.broadcast %max3A_182 : f32 to vector<16xf32>
      %max3A_184 = arith.maximumf %add3A_181, %max3A_183 : vector<16xf32>
      %mul3A_185 = arith.mulf %max3A_184, %get3A_140 : vector<16xf32>
      %add3A_186 = arith.addf %add3A_136, %mul3A_185 : vector<16xf32>
      %get3A_187 = arith.constant 2 : i32
      %get3A_188 = arith.index_cast %get3A_187 : i32 to index
      %get3A_189 = arith.constant 0 : index
      %get3A_190 = tpu.vector_load %arg10[%get3A_188, %get3A_189] {strides = array<i32>} : memref<33x16xf32, #tpu.memory_space<vmem>>, vector<16xf32>,
      %add3A_191 = arith.constant 2 : i32
      %add3A_192 = vector.broadcast %add3A_191 : i32 to vector<16xi32>
      %add3A_193 = arith.addi %iota3A, %add3A_192 : vector<16xi32>
      %and3A_194 = arith.constant 31 : i32
      %and3A_195 = vector.broadcast %and3A_194 : i32 to vector<16xi32>
      %and3A_196 = arith.andi %add3A_193, %and3A_195 : vector<16xi32>
      %gather3A_197 = tpu.vector_load_idx %arg8[%add3A_61, %and3A_196] : memref<160x32xf32, #tpu.memory_space<vmem>>[vector<16xi32>, vector<16xi32>], vector<16xf32>,
      %gather3A_198 = tpu.vector_load_idx %arg9[%add3A_61, %and3A_196] : memref<160x32xf32, #tpu.memory_space<vmem>>[vector<16xi32>, vector<16xi32>], vector<16xf32>,
      %add3A_199 = arith.addf %gather3A_197, %gather3A_198 : vector<16xf32>
      %max3A_200 = arith.constant 0.000000e+00 : f32
      %max3A_201 = vector.broadcast %max3A_200 : f32 to vector<16xf32>
      %max3A_202 = arith.maximumf %add3A_199, %max3A_201 : vector<16xf32>
      %mul3A_203 = arith.mulf %max3A_202, %get3A_190 : vector<16xf32>
      %add3A_204 = arith.addf %add3A_154, %mul3A_203 : vector<16xf32>
      %gather3A_205 = tpu.vector_load_idx %arg8[%add3A_68, %and3A_196] : memref<160x32xf32, #tpu.memory_space<vmem>>[vector<16xi32>, vector<16xi32>], vector<16xf32>,
      %gather3A_206 = tpu.vector_load_idx %arg9[%add3A_68, %and3A_196] : memref<160x32xf32, #tpu.memory_space<vmem>>[vector<16xi32>, vector<16xi32>], vector<16xf32>,
      %add3A_207 = arith.addf %gather3A_205, %gather3A_206 : vector<16xf32>
      %max3A_208 = arith.constant 0.000000e+00 : f32
      %max3A_209 = vector.broadcast %max3A_208 : f32 to vector<16xf32>
      %max3A_210 = arith.maximumf %add3A_207, %max3A_209 : vector<16xf32>
      %mul3A_211 = arith.mulf %max3A_210, %get3A_190 : vector<16xf32>
      %add3A_212 = arith.addf %add3A_162, %mul3A_211 : vector<16xf32>
      %gather3A_213 = tpu.vector_load_idx %arg8[%add3A_75, %and3A_196] : memref<160x32xf32, #tpu.memory_space<vmem>>[vector<16xi32>, vector<16xi32>], vector<16xf32>,
      %gather3A_214 = tpu.vector_load_idx %arg9[%add3A_75, %and3A_196] : memref<160x32xf32, #tpu.memory_space<vmem>>[vector<16xi32>, vector<16xi32>], vector<16xf32>,
      %add3A_215 = arith.addf %gather3A_213, %gather3A_214 : vector<16xf32>
      %max3A_216 = arith.constant 0.000000e+00 : f32
      %max3A_217 = vector.broadcast %max3A_216 : f32 to vector<16xf32>
      %max3A_218 = arith.maximumf %add3A_215, %max3A_217 : vector<16xf32>
      %mul3A_219 = arith.mulf %max3A_218, %get3A_190 : vector<16xf32>
      %add3A_220 = arith.addf %add3A_170, %mul3A_219 : vector<16xf32>
      %gather3A_221 = tpu.vector_load_idx %arg8[%add3A_82, %and3A_196] : memref<160x32xf32, #tpu.memory_space<vmem>>[vector<16xi32>, vector<16xi32>], vector<16xf32>,
      %gather3A_222 = tpu.vector_load_idx %arg9[%add3A_82, %and3A_196] : memref<160x32xf32, #tpu.memory_space<vmem>>[vector<16xi32>, vector<16xi32>], vector<16xf32>,
      %add3A_223 = arith.addf %gather3A_221, %gather3A_222 : vector<16xf32>
      %max3A_224 = arith.constant 0.000000e+00 : f32
      %max3A_225 = vector.broadcast %max3A_224 : f32 to vector<16xf32>
      %max3A_226 = arith.maximumf %add3A_223, %max3A_225 : vector<16xf32>
      %mul3A_227 = arith.mulf %max3A_226, %get3A_190 : vector<16xf32>
      %add3A_228 = arith.addf %add3A_178, %mul3A_227 : vector<16xf32>
      %gather3A_229 = tpu.vector_load_idx %arg8[%add3A_89, %and3A_196] : memref<160x32xf32, #tpu.memory_space<vmem>>[vector<16xi32>, vector<16xi32>], vector<16xf32>,
      %gather3A_230 = tpu.vector_load_idx %arg9[%add3A_89, %and3A_196] : memref<160x32xf32, #tpu.memory_space<vmem>>[vector<16xi32>, vector<16xi32>], vector<16xf32>,
      %add3A_231 = arith.addf %gather3A_229, %gather3A_230 : vector<16xf32>
      %max3A_232 = arith.constant 0.000000e+00 : f32
      %max3A_233 = vector.broadcast %max3A_232 : f32 to vector<16xf32>
      %max3A_234 = arith.maximumf %add3A_231, %max3A_233 : vector<16xf32>
      %mul3A_235 = arith.mulf %max3A_234, %get3A_190 : vector<16xf32>
      %add3A_236 = arith.addf %add3A_186, %mul3A_235 : vector<16xf32>
      %get3A_237 = arith.constant 3 : i32
      %get3A_238 = arith.index_cast %get3A_237 : i32 to index
      %get3A_239 = arith.constant 0 : index
      %get3A_240 = tpu.vector_load %arg10[%get3A_238, %get3A_239] {strides = array<i32>} : memref<33x16xf32, #tpu.memory_space<vmem>>, vector<16xf32>,
      %add3A_241 = arith.constant 3 : i32
      %add3A_242 = vector.broadcast %add3A_241 : i32 to vector<16xi32>
      %add3A_243 = arith.addi %iota3A, %add3A_242 : vector<16xi32>
      %and3A_244 = arith.constant 31 : i32
      %and3A_245 = vector.broadcast %and3A_244 : i32 to vector<16xi32>
      %and3A_246 = arith.andi %add3A_243, %and3A_245 : vector<16xi32>
      %gather3A_247 = tpu.vector_load_idx %arg8[%add3A_61, %and3A_246] : memref<160x32xf32, #tpu.memory_space<vmem>>[vector<16xi32>, vector<16xi32>], vector<16xf32>,
      %gather3A_248 = tpu.vector_load_idx %arg9[%add3A_61, %and3A_246] : memref<160x32xf32, #tpu.memory_space<vmem>>[vector<16xi32>, vector<16xi32>], vector<16xf32>,
      %add3A_249 = arith.addf %gather3A_247, %gather3A_248 : vector<16xf32>
      %max3A_250 = arith.constant 0.000000e+00 : f32
      %max3A_251 = vector.broadcast %max3A_250 : f32 to vector<16xf32>
      %max3A_252 = arith.maximumf %add3A_249, %max3A_251 : vector<16xf32>
      %mul3A_253 = arith.mulf %max3A_252, %get3A_240 : vector<16xf32>
      %add3A_254 = arith.addf %add3A_204, %mul3A_253 : vector<16xf32>
      %gather3A_255 = tpu.vector_load_idx %arg8[%add3A_68, %and3A_246] : memref<160x32xf32, #tpu.memory_space<vmem>>[vector<16xi32>, vector<16xi32>], vector<16xf32>,
      %gather3A_256 = tpu.vector_load_idx %arg9[%add3A_68, %and3A_246] : memref<160x32xf32, #tpu.memory_space<vmem>>[vector<16xi32>, vector<16xi32>], vector<16xf32>,
      %add3A_257 = arith.addf %gather3A_255, %gather3A_256 : vector<16xf32>
      %max3A_258 = arith.constant 0.000000e+00 : f32
      %max3A_259 = vector.broadcast %max3A_258 : f32 to vector<16xf32>
      %max3A_260 = arith.maximumf %add3A_257, %max3A_259 : vector<16xf32>
      %mul3A_261 = arith.mulf %max3A_260, %get3A_240 : vector<16xf32>
      %add3A_262 = arith.addf %add3A_212, %mul3A_261 : vector<16xf32>
      %gather3A_263 = tpu.vector_load_idx %arg8[%add3A_75, %and3A_246] : memref<160x32xf32, #tpu.memory_space<vmem>>[vector<16xi32>, vector<16xi32>], vector<16xf32>,
      %gather3A_264 = tpu.vector_load_idx %arg9[%add3A_75, %and3A_246] : memref<160x32xf32, #tpu.memory_space<vmem>>[vector<16xi32>, vector<16xi32>], vector<16xf32>,
      %add3A_265 = arith.addf %gather3A_263, %gather3A_264 : vector<16xf32>
      %max3A_266 = arith.constant 0.000000e+00 : f32
      %max3A_267 = vector.broadcast %max3A_266 : f32 to vector<16xf32>
      %max3A_268 = arith.maximumf %add3A_265, %max3A_267 : vector<16xf32>
      %mul3A_269 = arith.mulf %max3A_268, %get3A_240 : vector<16xf32>
      %add3A_270 = arith.addf %add3A_220, %mul3A_269 : vector<16xf32>
      %gather3A_271 = tpu.vector_load_idx %arg8[%add3A_82, %and3A_246] : memref<160x32xf32, #tpu.memory_space<vmem>>[vector<16xi32>, vector<16xi32>], vector<16xf32>,
      %gather3A_272 = tpu.vector_load_idx %arg9[%add3A_82, %and3A_246] : memref<160x32xf32, #tpu.memory_space<vmem>>[vector<16xi32>, vector<16xi32>], vector<16xf32>,
      %add3A_273 = arith.addf %gather3A_271, %gather3A_272 : vector<16xf32>
      %max3A_274 = arith.constant 0.000000e+00 : f32
      %max3A_275 = vector.broadcast %max3A_274 : f32 to vector<16xf32>
      %max3A_276 = arith.maximumf %add3A_273, %max3A_275 : vector<16xf32>
      %mul3A_277 = arith.mulf %max3A_276, %get3A_240 : vector<16xf32>
      %add3A_278 = arith.addf %add3A_228, %mul3A_277 : vector<16xf32>
      %gather3A_279 = tpu.vector_load_idx %arg8[%add3A_89, %and3A_246] : memref<160x32xf32, #tpu.memory_space<vmem>>[vector<16xi32>, vector<16xi32>], vector<16xf32>,
      %gather3A_280 = tpu.vector_load_idx %arg9[%add3A_89, %and3A_246] : memref<160x32xf32, #tpu.memory_space<vmem>>[vector<16xi32>, vector<16xi32>], vector<16xf32>,
      %add3A_281 = arith.addf %gather3A_279, %gather3A_280 : vector<16xf32>
      %max3A_282 = arith.constant 0.000000e+00 : f32
      %max3A_283 = vector.broadcast %max3A_282 : f32 to vector<16xf32>
      %max3A_284 = arith.maximumf %add3A_281, %max3A_283 : vector<16xf32>
      %mul3A_285 = arith.mulf %max3A_284, %get3A_240 : vector<16xf32>
      %add3A_286 = arith.addf %add3A_236, %mul3A_285 : vector<16xf32>
      %get3A_287 = arith.constant 4 : i32
      %get3A_288 = arith.index_cast %get3A_287 : i32 to index
      %get3A_289 = arith.constant 0 : index
      %get3A_290 = tpu.vector_load %arg10[%get3A_288, %get3A_289] {strides = array<i32>} : memref<33x16xf32, #tpu.memory_space<vmem>>, vector<16xf32>,
      %add3A_291 = arith.constant 4 : i32
      %add3A_292 = vector.broadcast %add3A_291 : i32 to vector<16xi32>
      %add3A_293 = arith.addi %iota3A, %add3A_292 : vector<16xi32>
      %and3A_294 = arith.constant 31 : i32
      %and3A_295 = vector.broadcast %and3A_294 : i32 to vector<16xi32>
      %and3A_296 = arith.andi %add3A_293, %and3A_295 : vector<16xi32>
      %gather3A_297 = tpu.vector_load_idx %arg8[%add3A_61, %and3A_296] : memref<160x32xf32, #tpu.memory_space<vmem>>[vector<16xi32>, vector<16xi32>], vector<16xf32>,
      %gather3A_298 = tpu.vector_load_idx %arg9[%add3A_61, %and3A_296] : memref<160x32xf32, #tpu.memory_space<vmem>>[vector<16xi32>, vector<16xi32>], vector<16xf32>,
      %add3A_299 = arith.addf %gather3A_297, %gather3A_298 : vector<16xf32>
      %max3A_300 = arith.constant 0.000000e+00 : f32
      %max3A_301 = vector.broadcast %max3A_300 : f32 to vector<16xf32>
      %max3A_302 = arith.maximumf %add3A_299, %max3A_301 : vector<16xf32>
      %mul3A_303 = arith.mulf %max3A_302, %get3A_290 : vector<16xf32>
      %add3A_304 = arith.addf %add3A_254, %mul3A_303 : vector<16xf32>
      %gather3A_305 = tpu.vector_load_idx %arg8[%add3A_68, %and3A_296] : memref<160x32xf32, #tpu.memory_space<vmem>>[vector<16xi32>, vector<16xi32>], vector<16xf32>,
      %gather3A_306 = tpu.vector_load_idx %arg9[%add3A_68, %and3A_296] : memref<160x32xf32, #tpu.memory_space<vmem>>[vector<16xi32>, vector<16xi32>], vector<16xf32>,
      %add3A_307 = arith.addf %gather3A_305, %gather3A_306 : vector<16xf32>
      %max3A_308 = arith.constant 0.000000e+00 : f32
      %max3A_309 = vector.broadcast %max3A_308 : f32 to vector<16xf32>
      %max3A_310 = arith.maximumf %add3A_307, %max3A_309 : vector<16xf32>
      %mul3A_311 = arith.mulf %max3A_310, %get3A_290 : vector<16xf32>
      %add3A_312 = arith.addf %add3A_262, %mul3A_311 : vector<16xf32>
      %gather3A_313 = tpu.vector_load_idx %arg8[%add3A_75, %and3A_296] : memref<160x32xf32, #tpu.memory_space<vmem>>[vector<16xi32>, vector<16xi32>], vector<16xf32>,
      %gather3A_314 = tpu.vector_load_idx %arg9[%add3A_75, %and3A_296] : memref<160x32xf32, #tpu.memory_space<vmem>>[vector<16xi32>, vector<16xi32>], vector<16xf32>,
      %add3A_315 = arith.addf %gather3A_313, %gather3A_314 : vector<16xf32>
      %max3A_316 = arith.constant 0.000000e+00 : f32
      %max3A_317 = vector.broadcast %max3A_316 : f32 to vector<16xf32>
      %max3A_318 = arith.maximumf %add3A_315, %max3A_317 : vector<16xf32>
      %mul3A_319 = arith.mulf %max3A_318, %get3A_290 : vector<16xf32>
      %add3A_320 = arith.addf %add3A_270, %mul3A_319 : vector<16xf32>
      %gather3A_321 = tpu.vector_load_idx %arg8[%add3A_82, %and3A_296] : memref<160x32xf32, #tpu.memory_space<vmem>>[vector<16xi32>, vector<16xi32>], vector<16xf32>,
      %gather3A_322 = tpu.vector_load_idx %arg9[%add3A_82, %and3A_296] : memref<160x32xf32, #tpu.memory_space<vmem>>[vector<16xi32>, vector<16xi32>], vector<16xf32>,
      %add3A_323 = arith.addf %gather3A_321, %gather3A_322 : vector<16xf32>
      %max3A_324 = arith.constant 0.000000e+00 : f32
      %max3A_325 = vector.broadcast %max3A_324 : f32 to vector<16xf32>
      %max3A_326 = arith.maximumf %add3A_323, %max3A_325 : vector<16xf32>
      %mul3A_327 = arith.mulf %max3A_326, %get3A_290 : vector<16xf32>
      %add3A_328 = arith.addf %add3A_278, %mul3A_327 : vector<16xf32>
      %gather3A_329 = tpu.vector_load_idx %arg8[%add3A_89, %and3A_296] : memref<160x32xf32, #tpu.memory_space<vmem>>[vector<16xi32>, vector<16xi32>], vector<16xf32>,
      %gather3A_330 = tpu.vector_load_idx %arg9[%add3A_89, %and3A_296] : memref<160x32xf32, #tpu.memory_space<vmem>>[vector<16xi32>, vector<16xi32>], vector<16xf32>,
      %add3A_331 = arith.addf %gather3A_329, %gather3A_330 : vector<16xf32>
      %max3A_332 = arith.constant 0.000000e+00 : f32
      %max3A_333 = vector.broadcast %max3A_332 : f32 to vector<16xf32>
      %max3A_334 = arith.maximumf %add3A_331, %max3A_333 : vector<16xf32>
      %mul3A_335 = arith.mulf %max3A_334, %get3A_290 : vector<16xf32>
      %add3A_336 = arith.addf %add3A_286, %mul3A_335 : vector<16xf32>
      %get3A_337 = arith.constant 5 : i32
      %get3A_338 = arith.index_cast %get3A_337 : i32 to index
      %get3A_339 = arith.constant 0 : index
      %get3A_340 = tpu.vector_load %arg10[%get3A_338, %get3A_339] {strides = array<i32>} : memref<33x16xf32, #tpu.memory_space<vmem>>, vector<16xf32>,
      %add3A_341 = arith.constant 5 : i32
      %add3A_342 = vector.broadcast %add3A_341 : i32 to vector<16xi32>
      %add3A_343 = arith.addi %iota3A, %add3A_342 : vector<16xi32>
      %and3A_344 = arith.constant 31 : i32
      %and3A_345 = vector.broadcast %and3A_344 : i32 to vector<16xi32>
      %and3A_346 = arith.andi %add3A_343, %and3A_345 : vector<16xi32>
      %gather3A_347 = tpu.vector_load_idx %arg8[%add3A_61, %and3A_346] : memref<160x32xf32, #tpu.memory_space<vmem>>[vector<16xi32>, vector<16xi32>], vector<16xf32>,
      %gather3A_348 = tpu.vector_load_idx %arg9[%add3A_61, %and3A_346] : memref<160x32xf32, #tpu.memory_space<vmem>>[vector<16xi32>, vector<16xi32>], vector<16xf32>,
      %add3A_349 = arith.addf %gather3A_347, %gather3A_348 : vector<16xf32>
      %max3A_350 = arith.constant 0.000000e+00 : f32
      %max3A_351 = vector.broadcast %max3A_350 : f32 to vector<16xf32>
      %max3A_352 = arith.maximumf %add3A_349, %max3A_351 : vector<16xf32>
      %mul3A_353 = arith.mulf %max3A_352, %get3A_340 : vector<16xf32>
      %add3A_354 = arith.addf %add3A_304, %mul3A_353 : vector<16xf32>
      %gather3A_355 = tpu.vector_load_idx %arg8[%add3A_68, %and3A_346] : memref<160x32xf32, #tpu.memory_space<vmem>>[vector<16xi32>, vector<16xi32>], vector<16xf32>,
      %gather3A_356 = tpu.vector_load_idx %arg9[%add3A_68, %and3A_346] : memref<160x32xf32, #tpu.memory_space<vmem>>[vector<16xi32>, vector<16xi32>], vector<16xf32>,
      %add3A_357 = arith.addf %gather3A_355, %gather3A_356 : vector<16xf32>
      %max3A_358 = arith.constant 0.000000e+00 : f32
      %max3A_359 = vector.broadcast %max3A_358 : f32 to vector<16xf32>
      %max3A_360 = arith.maximumf %add3A_357, %max3A_359 : vector<16xf32>
      %mul3A_361 = arith.mulf %max3A_360, %get3A_340 : vector<16xf32>
      %add3A_362 = arith.addf %add3A_312, %mul3A_361 : vector<16xf32>
      %gather3A_363 = tpu.vector_load_idx %arg8[%add3A_75, %and3A_346] : memref<160x32xf32, #tpu.memory_space<vmem>>[vector<16xi32>, vector<16xi32>], vector<16xf32>,
      %gather3A_364 = tpu.vector_load_idx %arg9[%add3A_75, %and3A_346] : memref<160x32xf32, #tpu.memory_space<vmem>>[vector<16xi32>, vector<16xi32>], vector<16xf32>,
      %add3A_365 = arith.addf %gather3A_363, %gather3A_364 : vector<16xf32>
      %max3A_366 = arith.constant 0.000000e+00 : f32
      %max3A_367 = vector.broadcast %max3A_366 : f32 to vector<16xf32>
      %max3A_368 = arith.maximumf %add3A_365, %max3A_367 : vector<16xf32>
      %mul3A_369 = arith.mulf %max3A_368, %get3A_340 : vector<16xf32>
      %add3A_370 = arith.addf %add3A_320, %mul3A_369 : vector<16xf32>
      %gather3A_371 = tpu.vector_load_idx %arg8[%add3A_82, %and3A_346] : memref<160x32xf32, #tpu.memory_space<vmem>>[vector<16xi32>, vector<16xi32>], vector<16xf32>,
      %gather3A_372 = tpu.vector_load_idx %arg9[%add3A_82, %and3A_346] : memref<160x32xf32, #tpu.memory_space<vmem>>[vector<16xi32>, vector<16xi32>], vector<16xf32>,
      %add3A_373 = arith.addf %gather3A_371, %gather3A_372 : vector<16xf32>
      %max3A_374 = arith.constant 0.000000e+00 : f32
      %max3A_375 = vector.broadcast %max3A_374 : f32 to vector<16xf32>
      %max3A_376 = arith.maximumf %add3A_373, %max3A_375 : vector<16xf32>
      %mul3A_377 = arith.mulf %max3A_376, %get3A_340 : vector<16xf32>
      %add3A_378 = arith.addf %add3A_328, %mul3A_377 : vector<16xf32>
      %gather3A_379 = tpu.vector_load_idx %arg8[%add3A_89, %and3A_346] : memref<160x32xf32, #tpu.memory_space<vmem>>[vector<16xi32>, vector<16xi32>], vector<16xf32>,
      %gather3A_380 = tpu.vector_load_idx %arg9[%add3A_89, %and3A_346] : memref<160x32xf32, #tpu.memory_space<vmem>>[vector<16xi32>, vector<16xi32>], vector<16xf32>,
      %add3A_381 = arith.addf %gather3A_379, %gather3A_380 : vector<16xf32>
      %max3A_382 = arith.constant 0.000000e+00 : f32
      %max3A_383 = vector.broadcast %max3A_382 : f32 to vector<16xf32>
      %max3A_384 = arith.maximumf %add3A_381, %max3A_383 : vector<16xf32>
      %mul3A_385 = arith.mulf %max3A_384, %get3A_340 : vector<16xf32>
      %add3A_386 = arith.addf %add3A_336, %mul3A_385 : vector<16xf32>
      %get3A_387 = arith.constant 6 : i32
      %get3A_388 = arith.index_cast %get3A_387 : i32 to index
      %get3A_389 = arith.constant 0 : index
      %get3A_390 = tpu.vector_load %arg10[%get3A_388, %get3A_389] {strides = array<i32>} : memref<33x16xf32, #tpu.memory_space<vmem>>, vector<16xf32>,
      %add3A_391 = arith.constant 6 : i32
      %add3A_392 = vector.broadcast %add3A_391 : i32 to vector<16xi32>
      %add3A_393 = arith.addi %iota3A, %add3A_392 : vector<16xi32>
      %and3A_394 = arith.constant 31 : i32
      %and3A_395 = vector.broadcast %and3A_394 : i32 to vector<16xi32>
      %and3A_396 = arith.andi %add3A_393, %and3A_395 : vector<16xi32>
      %gather3A_397 = tpu.vector_load_idx %arg8[%add3A_61, %and3A_396] : memref<160x32xf32, #tpu.memory_space<vmem>>[vector<16xi32>, vector<16xi32>], vector<16xf32>,
      %gather3A_398 = tpu.vector_load_idx %arg9[%add3A_61, %and3A_396] : memref<160x32xf32, #tpu.memory_space<vmem>>[vector<16xi32>, vector<16xi32>], vector<16xf32>,
      %add3A_399 = arith.addf %gather3A_397, %gather3A_398 : vector<16xf32>
      %max3A_400 = arith.constant 0.000000e+00 : f32
      %max3A_401 = vector.broadcast %max3A_400 : f32 to vector<16xf32>
      %max3A_402 = arith.maximumf %add3A_399, %max3A_401 : vector<16xf32>
      %mul3A_403 = arith.mulf %max3A_402, %get3A_390 : vector<16xf32>
      %add3A_404 = arith.addf %add3A_354, %mul3A_403 : vector<16xf32>
      %gather3A_405 = tpu.vector_load_idx %arg8[%add3A_68, %and3A_396] : memref<160x32xf32, #tpu.memory_space<vmem>>[vector<16xi32>, vector<16xi32>], vector<16xf32>,
      %gather3A_406 = tpu.vector_load_idx %arg9[%add3A_68, %and3A_396] : memref<160x32xf32, #tpu.memory_space<vmem>>[vector<16xi32>, vector<16xi32>], vector<16xf32>,
      %add3A_407 = arith.addf %gather3A_405, %gather3A_406 : vector<16xf32>
      %max3A_408 = arith.constant 0.000000e+00 : f32
      %max3A_409 = vector.broadcast %max3A_408 : f32 to vector<16xf32>
      %max3A_410 = arith.maximumf %add3A_407, %max3A_409 : vector<16xf32>
      %mul3A_411 = arith.mulf %max3A_410, %get3A_390 : vector<16xf32>
      %add3A_412 = arith.addf %add3A_362, %mul3A_411 : vector<16xf32>
      %gather3A_413 = tpu.vector_load_idx %arg8[%add3A_75, %and3A_396] : memref<160x32xf32, #tpu.memory_space<vmem>>[vector<16xi32>, vector<16xi32>], vector<16xf32>,
      %gather3A_414 = tpu.vector_load_idx %arg9[%add3A_75, %and3A_396] : memref<160x32xf32, #tpu.memory_space<vmem>>[vector<16xi32>, vector<16xi32>], vector<16xf32>,
      %add3A_415 = arith.addf %gather3A_413, %gather3A_414 : vector<16xf32>
      %max3A_416 = arith.constant 0.000000e+00 : f32
      %max3A_417 = vector.broadcast %max3A_416 : f32 to vector<16xf32>
      %max3A_418 = arith.maximumf %add3A_415, %max3A_417 : vector<16xf32>
      %mul3A_419 = arith.mulf %max3A_418, %get3A_390 : vector<16xf32>
      %add3A_420 = arith.addf %add3A_370, %mul3A_419 : vector<16xf32>
      %gather3A_421 = tpu.vector_load_idx %arg8[%add3A_82, %and3A_396] : memref<160x32xf32, #tpu.memory_space<vmem>>[vector<16xi32>, vector<16xi32>], vector<16xf32>,
      %gather3A_422 = tpu.vector_load_idx %arg9[%add3A_82, %and3A_396] : memref<160x32xf32, #tpu.memory_space<vmem>>[vector<16xi32>, vector<16xi32>], vector<16xf32>,
      %add3A_423 = arith.addf %gather3A_421, %gather3A_422 : vector<16xf32>
      %max3A_424 = arith.constant 0.000000e+00 : f32
      %max3A_425 = vector.broadcast %max3A_424 : f32 to vector<16xf32>
      %max3A_426 = arith.maximumf %add3A_423, %max3A_425 : vector<16xf32>
      %mul3A_427 = arith.mulf %max3A_426, %get3A_390 : vector<16xf32>
      %add3A_428 = arith.addf %add3A_378, %mul3A_427 : vector<16xf32>
      %gather3A_429 = tpu.vector_load_idx %arg8[%add3A_89, %and3A_396] : memref<160x32xf32, #tpu.memory_space<vmem>>[vector<16xi32>, vector<16xi32>], vector<16xf32>,
      %gather3A_430 = tpu.vector_load_idx %arg9[%add3A_89, %and3A_396] : memref<160x32xf32, #tpu.memory_space<vmem>>[vector<16xi32>, vector<16xi32>], vector<16xf32>,
      %add3A_431 = arith.addf %gather3A_429, %gather3A_430 : vector<16xf32>
      %max3A_432 = arith.constant 0.000000e+00 : f32
      %max3A_433 = vector.broadcast %max3A_432 : f32 to vector<16xf32>
      %max3A_434 = arith.maximumf %add3A_431, %max3A_433 : vector<16xf32>
      %mul3A_435 = arith.mulf %max3A_434, %get3A_390 : vector<16xf32>
      %add3A_436 = arith.addf %add3A_386, %mul3A_435 : vector<16xf32>
      %get3A_437 = arith.constant 7 : i32
      %get3A_438 = arith.index_cast %get3A_437 : i32 to index
      %get3A_439 = arith.constant 0 : index
      %get3A_440 = tpu.vector_load %arg10[%get3A_438, %get3A_439] {strides = array<i32>} : memref<33x16xf32, #tpu.memory_space<vmem>>, vector<16xf32>,
      %add3A_441 = arith.constant 7 : i32
      %add3A_442 = vector.broadcast %add3A_441 : i32 to vector<16xi32>
      %add3A_443 = arith.addi %iota3A, %add3A_442 : vector<16xi32>
      %and3A_444 = arith.constant 31 : i32
      %and3A_445 = vector.broadcast %and3A_444 : i32 to vector<16xi32>
      %and3A_446 = arith.andi %add3A_443, %and3A_445 : vector<16xi32>
      %gather3A_447 = tpu.vector_load_idx %arg8[%add3A_61, %and3A_446] : memref<160x32xf32, #tpu.memory_space<vmem>>[vector<16xi32>, vector<16xi32>], vector<16xf32>,
      %gather3A_448 = tpu.vector_load_idx %arg9[%add3A_61, %and3A_446] : memref<160x32xf32, #tpu.memory_space<vmem>>[vector<16xi32>, vector<16xi32>], vector<16xf32>,
      %add3A_449 = arith.addf %gather3A_447, %gather3A_448 : vector<16xf32>
      %max3A_450 = arith.constant 0.000000e+00 : f32
      %max3A_451 = vector.broadcast %max3A_450 : f32 to vector<16xf32>
      %max3A_452 = arith.maximumf %add3A_449, %max3A_451 : vector<16xf32>
      %mul3A_453 = arith.mulf %max3A_452, %get3A_440 : vector<16xf32>
      %add3A_454 = arith.addf %add3A_404, %mul3A_453 : vector<16xf32>
      %gather3A_455 = tpu.vector_load_idx %arg8[%add3A_68, %and3A_446] : memref<160x32xf32, #tpu.memory_space<vmem>>[vector<16xi32>, vector<16xi32>], vector<16xf32>,
      %gather3A_456 = tpu.vector_load_idx %arg9[%add3A_68, %and3A_446] : memref<160x32xf32, #tpu.memory_space<vmem>>[vector<16xi32>, vector<16xi32>], vector<16xf32>,
      %add3A_457 = arith.addf %gather3A_455, %gather3A_456 : vector<16xf32>
      %max3A_458 = arith.constant 0.000000e+00 : f32
      %max3A_459 = vector.broadcast %max3A_458 : f32 to vector<16xf32>
      %max3A_460 = arith.maximumf %add3A_457, %max3A_459 : vector<16xf32>
      %mul3A_461 = arith.mulf %max3A_460, %get3A_440 : vector<16xf32>
      %add3A_462 = arith.addf %add3A_412, %mul3A_461 : vector<16xf32>
      %gather3A_463 = tpu.vector_load_idx %arg8[%add3A_75, %and3A_446] : memref<160x32xf32, #tpu.memory_space<vmem>>[vector<16xi32>, vector<16xi32>], vector<16xf32>,
      %gather3A_464 = tpu.vector_load_idx %arg9[%add3A_75, %and3A_446] : memref<160x32xf32, #tpu.memory_space<vmem>>[vector<16xi32>, vector<16xi32>], vector<16xf32>,
      %add3A_465 = arith.addf %gather3A_463, %gather3A_464 : vector<16xf32>
      %max3A_466 = arith.constant 0.000000e+00 : f32
      %max3A_467 = vector.broadcast %max3A_466 : f32 to vector<16xf32>
      %max3A_468 = arith.maximumf %add3A_465, %max3A_467 : vector<16xf32>
      %mul3A_469 = arith.mulf %max3A_468, %get3A_440 : vector<16xf32>
      %add3A_470 = arith.addf %add3A_420, %mul3A_469 : vector<16xf32>
      %gather3A_471 = tpu.vector_load_idx %arg8[%add3A_82, %and3A_446] : memref<160x32xf32, #tpu.memory_space<vmem>>[vector<16xi32>, vector<16xi32>], vector<16xf32>,
      %gather3A_472 = tpu.vector_load_idx %arg9[%add3A_82, %and3A_446] : memref<160x32xf32, #tpu.memory_space<vmem>>[vector<16xi32>, vector<16xi32>], vector<16xf32>,
      %add3A_473 = arith.addf %gather3A_471, %gather3A_472 : vector<16xf32>
      %max3A_474 = arith.constant 0.000000e+00 : f32
      %max3A_475 = vector.broadcast %max3A_474 : f32 to vector<16xf32>
      %max3A_476 = arith.maximumf %add3A_473, %max3A_475 : vector<16xf32>
      %mul3A_477 = arith.mulf %max3A_476, %get3A_440 : vector<16xf32>
      %add3A_478 = arith.addf %add3A_428, %mul3A_477 : vector<16xf32>
      %gather3A_479 = tpu.vector_load_idx %arg8[%add3A_89, %and3A_446] : memref<160x32xf32, #tpu.memory_space<vmem>>[vector<16xi32>, vector<16xi32>], vector<16xf32>,
      %gather3A_480 = tpu.vector_load_idx %arg9[%add3A_89, %and3A_446] : memref<160x32xf32, #tpu.memory_space<vmem>>[vector<16xi32>, vector<16xi32>], vector<16xf32>,
      %add3A_481 = arith.addf %gather3A_479, %gather3A_480 : vector<16xf32>
      %max3A_482 = arith.constant 0.000000e+00 : f32
      %max3A_483 = vector.broadcast %max3A_482 : f32 to vector<16xf32>
      %max3A_484 = arith.maximumf %add3A_481, %max3A_483 : vector<16xf32>
      %mul3A_485 = arith.mulf %max3A_484, %get3A_440 : vector<16xf32>
      %add3A_486 = arith.addf %add3A_436, %mul3A_485 : vector<16xf32>
      %get3A_487 = arith.constant 8 : i32
      %get3A_488 = arith.index_cast %get3A_487 : i32 to index
      %get3A_489 = arith.constant 0 : index
      %get3A_490 = tpu.vector_load %arg10[%get3A_488, %get3A_489] {strides = array<i32>} : memref<33x16xf32, #tpu.memory_space<vmem>>, vector<16xf32>,
      %add3A_491 = arith.constant 8 : i32
      %add3A_492 = vector.broadcast %add3A_491 : i32 to vector<16xi32>
      %add3A_493 = arith.addi %iota3A, %add3A_492 : vector<16xi32>
      %and3A_494 = arith.constant 31 : i32
      %and3A_495 = vector.broadcast %and3A_494 : i32 to vector<16xi32>
      %and3A_496 = arith.andi %add3A_493, %and3A_495 : vector<16xi32>
      %gather3A_497 = tpu.vector_load_idx %arg8[%add3A_61, %and3A_496] : memref<160x32xf32, #tpu.memory_space<vmem>>[vector<16xi32>, vector<16xi32>], vector<16xf32>,
      %gather3A_498 = tpu.vector_load_idx %arg9[%add3A_61, %and3A_496] : memref<160x32xf32, #tpu.memory_space<vmem>>[vector<16xi32>, vector<16xi32>], vector<16xf32>,
      %add3A_499 = arith.addf %gather3A_497, %gather3A_498 : vector<16xf32>
      %max3A_500 = arith.constant 0.000000e+00 : f32
      %max3A_501 = vector.broadcast %max3A_500 : f32 to vector<16xf32>
      %max3A_502 = arith.maximumf %add3A_499, %max3A_501 : vector<16xf32>
      %mul3A_503 = arith.mulf %max3A_502, %get3A_490 : vector<16xf32>
      %add3A_504 = arith.addf %add3A_454, %mul3A_503 : vector<16xf32>
      %gather3A_505 = tpu.vector_load_idx %arg8[%add3A_68, %and3A_496] : memref<160x32xf32, #tpu.memory_space<vmem>>[vector<16xi32>, vector<16xi32>], vector<16xf32>,
      %gather3A_506 = tpu.vector_load_idx %arg9[%add3A_68, %and3A_496] : memref<160x32xf32, #tpu.memory_space<vmem>>[vector<16xi32>, vector<16xi32>], vector<16xf32>,
      %add3A_507 = arith.addf %gather3A_505, %gather3A_506 : vector<16xf32>
      %max3A_508 = arith.constant 0.000000e+00 : f32
      %max3A_509 = vector.broadcast %max3A_508 : f32 to vector<16xf32>
      %max3A_510 = arith.maximumf %add3A_507, %max3A_509 : vector<16xf32>
      %mul3A_511 = arith.mulf %max3A_510, %get3A_490 : vector<16xf32>
      %add3A_512 = arith.addf %add3A_462, %mul3A_511 : vector<16xf32>
      %gather3A_513 = tpu.vector_load_idx %arg8[%add3A_75, %and3A_496] : memref<160x32xf32, #tpu.memory_space<vmem>>[vector<16xi32>, vector<16xi32>], vector<16xf32>,
      %gather3A_514 = tpu.vector_load_idx %arg9[%add3A_75, %and3A_496] : memref<160x32xf32, #tpu.memory_space<vmem>>[vector<16xi32>, vector<16xi32>], vector<16xf32>,
      %add3A_515 = arith.addf %gather3A_513, %gather3A_514 : vector<16xf32>
      %max3A_516 = arith.constant 0.000000e+00 : f32
      %max3A_517 = vector.broadcast %max3A_516 : f32 to vector<16xf32>
      %max3A_518 = arith.maximumf %add3A_515, %max3A_517 : vector<16xf32>
      %mul3A_519 = arith.mulf %max3A_518, %get3A_490 : vector<16xf32>
      %add3A_520 = arith.addf %add3A_470, %mul3A_519 : vector<16xf32>
      %gather3A_521 = tpu.vector_load_idx %arg8[%add3A_82, %and3A_496] : memref<160x32xf32, #tpu.memory_space<vmem>>[vector<16xi32>, vector<16xi32>], vector<16xf32>,
      %gather3A_522 = tpu.vector_load_idx %arg9[%add3A_82, %and3A_496] : memref<160x32xf32, #tpu.memory_space<vmem>>[vector<16xi32>, vector<16xi32>], vector<16xf32>,
      %add3A_523 = arith.addf %gather3A_521, %gather3A_522 : vector<16xf32>
      %max3A_524 = arith.constant 0.000000e+00 : f32
      %max3A_525 = vector.broadcast %max3A_524 : f32 to vector<16xf32>
      %max3A_526 = arith.maximumf %add3A_523, %max3A_525 : vector<16xf32>
      %mul3A_527 = arith.mulf %max3A_526, %get3A_490 : vector<16xf32>
      %add3A_528 = arith.addf %add3A_478, %mul3A_527 : vector<16xf32>
      %gather3A_529 = tpu.vector_load_idx %arg8[%add3A_89, %and3A_496] : memref<160x32xf32, #tpu.memory_space<vmem>>[vector<16xi32>, vector<16xi32>], vector<16xf32>,
      %gather3A_530 = tpu.vector_load_idx %arg9[%add3A_89, %and3A_496] : memref<160x32xf32, #tpu.memory_space<vmem>>[vector<16xi32>, vector<16xi32>], vector<16xf32>,
      %add3A_531 = arith.addf %gather3A_529, %gather3A_530 : vector<16xf32>
      %max3A_532 = arith.constant 0.000000e+00 : f32
      %max3A_533 = vector.broadcast %max3A_532 : f32 to vector<16xf32>
      %max3A_534 = arith.maximumf %add3A_531, %max3A_533 : vector<16xf32>
      %mul3A_535 = arith.mulf %max3A_534, %get3A_490 : vector<16xf32>
      %add3A_536 = arith.addf %add3A_486, %mul3A_535 : vector<16xf32>
      %get3A_537 = arith.constant 9 : i32
      %get3A_538 = arith.index_cast %get3A_537 : i32 to index
      %get3A_539 = arith.constant 0 : index
      %get3A_540 = tpu.vector_load %arg10[%get3A_538, %get3A_539] {strides = array<i32>} : memref<33x16xf32, #tpu.memory_space<vmem>>, vector<16xf32>,
      %add3A_541 = arith.constant 9 : i32
      %add3A_542 = vector.broadcast %add3A_541 : i32 to vector<16xi32>
      %add3A_543 = arith.addi %iota3A, %add3A_542 : vector<16xi32>
      %and3A_544 = arith.constant 31 : i32
      %and3A_545 = vector.broadcast %and3A_544 : i32 to vector<16xi32>
      %and3A_546 = arith.andi %add3A_543, %and3A_545 : vector<16xi32>
      %gather3A_547 = tpu.vector_load_idx %arg8[%add3A_61, %and3A_546] : memref<160x32xf32, #tpu.memory_space<vmem>>[vector<16xi32>, vector<16xi32>], vector<16xf32>,
      %gather3A_548 = tpu.vector_load_idx %arg9[%add3A_61, %and3A_546] : memref<160x32xf32, #tpu.memory_space<vmem>>[vector<16xi32>, vector<16xi32>], vector<16xf32>,
      %add3A_549 = arith.addf %gather3A_547, %gather3A_548 : vector<16xf32>
      %max3A_550 = arith.constant 0.000000e+00 : f32
      %max3A_551 = vector.broadcast %max3A_550 : f32 to vector<16xf32>
      %max3A_552 = arith.maximumf %add3A_549, %max3A_551 : vector<16xf32>
      %mul3A_553 = arith.mulf %max3A_552, %get3A_540 : vector<16xf32>
      %add3A_554 = arith.addf %add3A_504, %mul3A_553 : vector<16xf32>
      %gather3A_555 = tpu.vector_load_idx %arg8[%add3A_68, %and3A_546] : memref<160x32xf32, #tpu.memory_space<vmem>>[vector<16xi32>, vector<16xi32>], vector<16xf32>,
      %gather3A_556 = tpu.vector_load_idx %arg9[%add3A_68, %and3A_546] : memref<160x32xf32, #tpu.memory_space<vmem>>[vector<16xi32>, vector<16xi32>], vector<16xf32>,
      %add3A_557 = arith.addf %gather3A_555, %gather3A_556 : vector<16xf32>
      %max3A_558 = arith.constant 0.000000e+00 : f32
      %max3A_559 = vector.broadcast %max3A_558 : f32 to vector<16xf32>
      %max3A_560 = arith.maximumf %add3A_557, %max3A_559 : vector<16xf32>
      %mul3A_561 = arith.mulf %max3A_560, %get3A_540 : vector<16xf32>
      %add3A_562 = arith.addf %add3A_512, %mul3A_561 : vector<16xf32>
      %gather3A_563 = tpu.vector_load_idx %arg8[%add3A_75, %and3A_546] : memref<160x32xf32, #tpu.memory_space<vmem>>[vector<16xi32>, vector<16xi32>], vector<16xf32>,
      %gather3A_564 = tpu.vector_load_idx %arg9[%add3A_75, %and3A_546] : memref<160x32xf32, #tpu.memory_space<vmem>>[vector<16xi32>, vector<16xi32>], vector<16xf32>,
      %add3A_565 = arith.addf %gather3A_563, %gather3A_564 : vector<16xf32>
      %max3A_566 = arith.constant 0.000000e+00 : f32
      %max3A_567 = vector.broadcast %max3A_566 : f32 to vector<16xf32>
      %max3A_568 = arith.maximumf %add3A_565, %max3A_567 : vector<16xf32>
      %mul3A_569 = arith.mulf %max3A_568, %get3A_540 : vector<16xf32>
      %add3A_570 = arith.addf %add3A_520, %mul3A_569 : vector<16xf32>
      %gather3A_571 = tpu.vector_load_idx %arg8[%add3A_82, %and3A_546] : memref<160x32xf32, #tpu.memory_space<vmem>>[vector<16xi32>, vector<16xi32>], vector<16xf32>,
      %gather3A_572 = tpu.vector_load_idx %arg9[%add3A_82, %and3A_546] : memref<160x32xf32, #tpu.memory_space<vmem>>[vector<16xi32>, vector<16xi32>], vector<16xf32>,
      %add3A_573 = arith.addf %gather3A_571, %gather3A_572 : vector<16xf32>
      %max3A_574 = arith.constant 0.000000e+00 : f32
      %max3A_575 = vector.broadcast %max3A_574 : f32 to vector<16xf32>
      %max3A_576 = arith.maximumf %add3A_573, %max3A_575 : vector<16xf32>
      %mul3A_577 = arith.mulf %max3A_576, %get3A_540 : vector<16xf32>
      %add3A_578 = arith.addf %add3A_528, %mul3A_577 : vector<16xf32>
      %gather3A_579 = tpu.vector_load_idx %arg8[%add3A_89, %and3A_546] : memref<160x32xf32, #tpu.memory_space<vmem>>[vector<16xi32>, vector<16xi32>], vector<16xf32>,
      %gather3A_580 = tpu.vector_load_idx %arg9[%add3A_89, %and3A_546] : memref<160x32xf32, #tpu.memory_space<vmem>>[vector<16xi32>, vector<16xi32>], vector<16xf32>,
      %add3A_581 = arith.addf %gather3A_579, %gather3A_580 : vector<16xf32>
      %max3A_582 = arith.constant 0.000000e+00 : f32
      %max3A_583 = vector.broadcast %max3A_582 : f32 to vector<16xf32>
      %max3A_584 = arith.maximumf %add3A_581, %max3A_583 : vector<16xf32>
      %mul3A_585 = arith.mulf %max3A_584, %get3A_540 : vector<16xf32>
      %add3A_586 = arith.addf %add3A_536, %mul3A_585 : vector<16xf32>
      %get3A_587 = arith.constant 10 : i32
      %get3A_588 = arith.index_cast %get3A_587 : i32 to index
      %get3A_589 = arith.constant 0 : index
      %get3A_590 = tpu.vector_load %arg10[%get3A_588, %get3A_589] {strides = array<i32>} : memref<33x16xf32, #tpu.memory_space<vmem>>, vector<16xf32>,
      %add3A_591 = arith.constant 10 : i32
      %add3A_592 = vector.broadcast %add3A_591 : i32 to vector<16xi32>
      %add3A_593 = arith.addi %iota3A, %add3A_592 : vector<16xi32>
      %and3A_594 = arith.constant 31 : i32
      %and3A_595 = vector.broadcast %and3A_594 : i32 to vector<16xi32>
      %and3A_596 = arith.andi %add3A_593, %and3A_595 : vector<16xi32>
      %gather3A_597 = tpu.vector_load_idx %arg8[%add3A_61, %and3A_596] : memref<160x32xf32, #tpu.memory_space<vmem>>[vector<16xi32>, vector<16xi32>], vector<16xf32>,
      %gather3A_598 = tpu.vector_load_idx %arg9[%add3A_61, %and3A_596] : memref<160x32xf32, #tpu.memory_space<vmem>>[vector<16xi32>, vector<16xi32>], vector<16xf32>,
      %add3A_599 = arith.addf %gather3A_597, %gather3A_598 : vector<16xf32>
      %max3A_600 = arith.constant 0.000000e+00 : f32
      %max3A_601 = vector.broadcast %max3A_600 : f32 to vector<16xf32>
      %max3A_602 = arith.maximumf %add3A_599, %max3A_601 : vector<16xf32>
      %mul3A_603 = arith.mulf %max3A_602, %get3A_590 : vector<16xf32>
      %add3A_604 = arith.addf %add3A_554, %mul3A_603 : vector<16xf32>
      %gather3A_605 = tpu.vector_load_idx %arg8[%add3A_68, %and3A_596] : memref<160x32xf32, #tpu.memory_space<vmem>>[vector<16xi32>, vector<16xi32>], vector<16xf32>,
      %gather3A_606 = tpu.vector_load_idx %arg9[%add3A_68, %and3A_596] : memref<160x32xf32, #tpu.memory_space<vmem>>[vector<16xi32>, vector<16xi32>], vector<16xf32>,
      %add3A_607 = arith.addf %gather3A_605, %gather3A_606 : vector<16xf32>
      %max3A_608 = arith.constant 0.000000e+00 : f32
      %max3A_609 = vector.broadcast %max3A_608 : f32 to vector<16xf32>
      %max3A_610 = arith.maximumf %add3A_607, %max3A_609 : vector<16xf32>
      %mul3A_611 = arith.mulf %max3A_610, %get3A_590 : vector<16xf32>
      %add3A_612 = arith.addf %add3A_562, %mul3A_611 : vector<16xf32>
      %gather3A_613 = tpu.vector_load_idx %arg8[%add3A_75, %and3A_596] : memref<160x32xf32, #tpu.memory_space<vmem>>[vector<16xi32>, vector<16xi32>], vector<16xf32>,
      %gather3A_614 = tpu.vector_load_idx %arg9[%add3A_75, %and3A_596] : memref<160x32xf32, #tpu.memory_space<vmem>>[vector<16xi32>, vector<16xi32>], vector<16xf32>,
      %add3A_615 = arith.addf %gather3A_613, %gather3A_614 : vector<16xf32>
      %max3A_616 = arith.constant 0.000000e+00 : f32
      %max3A_617 = vector.broadcast %max3A_616 : f32 to vector<16xf32>
      %max3A_618 = arith.maximumf %add3A_615, %max3A_617 : vector<16xf32>
      %mul3A_619 = arith.mulf %max3A_618, %get3A_590 : vector<16xf32>
      %add3A_620 = arith.addf %add3A_570, %mul3A_619 : vector<16xf32>
      %gather3A_621 = tpu.vector_load_idx %arg8[%add3A_82, %and3A_596] : memref<160x32xf32, #tpu.memory_space<vmem>>[vector<16xi32>, vector<16xi32>], vector<16xf32>,
      %gather3A_622 = tpu.vector_load_idx %arg9[%add3A_82, %and3A_596] : memref<160x32xf32, #tpu.memory_space<vmem>>[vector<16xi32>, vector<16xi32>], vector<16xf32>,
      %add3A_623 = arith.addf %gather3A_621, %gather3A_622 : vector<16xf32>
      %max3A_624 = arith.constant 0.000000e+00 : f32
      %max3A_625 = vector.broadcast %max3A_624 : f32 to vector<16xf32>
      %max3A_626 = arith.maximumf %add3A_623, %max3A_625 : vector<16xf32>
      %mul3A_627 = arith.mulf %max3A_626, %get3A_590 : vector<16xf32>
      %add3A_628 = arith.addf %add3A_578, %mul3A_627 : vector<16xf32>
      %gather3A_629 = tpu.vector_load_idx %arg8[%add3A_89, %and3A_596] : memref<160x32xf32, #tpu.memory_space<vmem>>[vector<16xi32>, vector<16xi32>], vector<16xf32>,
      %gather3A_630 = tpu.vector_load_idx %arg9[%add3A_89, %and3A_596] : memref<160x32xf32, #tpu.memory_space<vmem>>[vector<16xi32>, vector<16xi32>], vector<16xf32>,
      %add3A_631 = arith.addf %gather3A_629, %gather3A_630 : vector<16xf32>
      %max3A_632 = arith.constant 0.000000e+00 : f32
      %max3A_633 = vector.broadcast %max3A_632 : f32 to vector<16xf32>
      %max3A_634 = arith.maximumf %add3A_631, %max3A_633 : vector<16xf32>
      %mul3A_635 = arith.mulf %max3A_634, %get3A_590 : vector<16xf32>
      %add3A_636 = arith.addf %add3A_586, %mul3A_635 : vector<16xf32>
      %get3A_637 = arith.constant 11 : i32
      %get3A_638 = arith.index_cast %get3A_637 : i32 to index
      %get3A_639 = arith.constant 0 : index
      %get3A_640 = tpu.vector_load %arg10[%get3A_638, %get3A_639] {strides = array<i32>} : memref<33x16xf32, #tpu.memory_space<vmem>>, vector<16xf32>,
      %add3A_641 = arith.constant 11 : i32
      %add3A_642 = vector.broadcast %add3A_641 : i32 to vector<16xi32>
      %add3A_643 = arith.addi %iota3A, %add3A_642 : vector<16xi32>
      %and3A_644 = arith.constant 31 : i32
      %and3A_645 = vector.broadcast %and3A_644 : i32 to vector<16xi32>
      %and3A_646 = arith.andi %add3A_643, %and3A_645 : vector<16xi32>
      %gather3A_647 = tpu.vector_load_idx %arg8[%add3A_61, %and3A_646] : memref<160x32xf32, #tpu.memory_space<vmem>>[vector<16xi32>, vector<16xi32>], vector<16xf32>,
      %gather3A_648 = tpu.vector_load_idx %arg9[%add3A_61, %and3A_646] : memref<160x32xf32, #tpu.memory_space<vmem>>[vector<16xi32>, vector<16xi32>], vector<16xf32>,
      %add3A_649 = arith.addf %gather3A_647, %gather3A_648 : vector<16xf32>
      %max3A_650 = arith.constant 0.000000e+00 : f32
      %max3A_651 = vector.broadcast %max3A_650 : f32 to vector<16xf32>
      %max3A_652 = arith.maximumf %add3A_649, %max3A_651 : vector<16xf32>
      %mul3A_653 = arith.mulf %max3A_652, %get3A_640 : vector<16xf32>
      %add3A_654 = arith.addf %add3A_604, %mul3A_653 : vector<16xf32>
      %gather3A_655 = tpu.vector_load_idx %arg8[%add3A_68, %and3A_646] : memref<160x32xf32, #tpu.memory_space<vmem>>[vector<16xi32>, vector<16xi32>], vector<16xf32>,
      %gather3A_656 = tpu.vector_load_idx %arg9[%add3A_68, %and3A_646] : memref<160x32xf32, #tpu.memory_space<vmem>>[vector<16xi32>, vector<16xi32>], vector<16xf32>,
      %add3A_657 = arith.addf %gather3A_655, %gather3A_656 : vector<16xf32>
      %max3A_658 = arith.constant 0.000000e+00 : f32
      %max3A_659 = vector.broadcast %max3A_658 : f32 to vector<16xf32>
      %max3A_660 = arith.maximumf %add3A_657, %max3A_659 : vector<16xf32>
      %mul3A_661 = arith.mulf %max3A_660, %get3A_640 : vector<16xf32>
      %add3A_662 = arith.addf %add3A_612, %mul3A_661 : vector<16xf32>
      %gather3A_663 = tpu.vector_load_idx %arg8[%add3A_75, %and3A_646] : memref<160x32xf32, #tpu.memory_space<vmem>>[vector<16xi32>, vector<16xi32>], vector<16xf32>,
      %gather3A_664 = tpu.vector_load_idx %arg9[%add3A_75, %and3A_646] : memref<160x32xf32, #tpu.memory_space<vmem>>[vector<16xi32>, vector<16xi32>], vector<16xf32>,
      %add3A_665 = arith.addf %gather3A_663, %gather3A_664 : vector<16xf32>
      %max3A_666 = arith.constant 0.000000e+00 : f32
      %max3A_667 = vector.broadcast %max3A_666 : f32 to vector<16xf32>
      %max3A_668 = arith.maximumf %add3A_665, %max3A_667 : vector<16xf32>
      %mul3A_669 = arith.mulf %max3A_668, %get3A_640 : vector<16xf32>
      %add3A_670 = arith.addf %add3A_620, %mul3A_669 : vector<16xf32>
      %gather3A_671 = tpu.vector_load_idx %arg8[%add3A_82, %and3A_646] : memref<160x32xf32, #tpu.memory_space<vmem>>[vector<16xi32>, vector<16xi32>], vector<16xf32>,
      %gather3A_672 = tpu.vector_load_idx %arg9[%add3A_82, %and3A_646] : memref<160x32xf32, #tpu.memory_space<vmem>>[vector<16xi32>, vector<16xi32>], vector<16xf32>,
      %add3A_673 = arith.addf %gather3A_671, %gather3A_672 : vector<16xf32>
      %max3A_674 = arith.constant 0.000000e+00 : f32
      %max3A_675 = vector.broadcast %max3A_674 : f32 to vector<16xf32>
      %max3A_676 = arith.maximumf %add3A_673, %max3A_675 : vector<16xf32>
      %mul3A_677 = arith.mulf %max3A_676, %get3A_640 : vector<16xf32>
      %add3A_678 = arith.addf %add3A_628, %mul3A_677 : vector<16xf32>
      %gather3A_679 = tpu.vector_load_idx %arg8[%add3A_89, %and3A_646] : memref<160x32xf32, #tpu.memory_space<vmem>>[vector<16xi32>, vector<16xi32>], vector<16xf32>,
      %gather3A_680 = tpu.vector_load_idx %arg9[%add3A_89, %and3A_646] : memref<160x32xf32, #tpu.memory_space<vmem>>[vector<16xi32>, vector<16xi32>], vector<16xf32>,
      %add3A_681 = arith.addf %gather3A_679, %gather3A_680 : vector<16xf32>
      %max3A_682 = arith.constant 0.000000e+00 : f32
      %max3A_683 = vector.broadcast %max3A_682 : f32 to vector<16xf32>
      %max3A_684 = arith.maximumf %add3A_681, %max3A_683 : vector<16xf32>
      %mul3A_685 = arith.mulf %max3A_684, %get3A_640 : vector<16xf32>
      %add3A_686 = arith.addf %add3A_636, %mul3A_685 : vector<16xf32>
      %get3A_687 = arith.constant 12 : i32
      %get3A_688 = arith.index_cast %get3A_687 : i32 to index
      %get3A_689 = arith.constant 0 : index
      %get3A_690 = tpu.vector_load %arg10[%get3A_688, %get3A_689] {strides = array<i32>} : memref<33x16xf32, #tpu.memory_space<vmem>>, vector<16xf32>,
      %add3A_691 = arith.constant 12 : i32
      %add3A_692 = vector.broadcast %add3A_691 : i32 to vector<16xi32>
      %add3A_693 = arith.addi %iota3A, %add3A_692 : vector<16xi32>
      %and3A_694 = arith.constant 31 : i32
      %and3A_695 = vector.broadcast %and3A_694 : i32 to vector<16xi32>
      %and3A_696 = arith.andi %add3A_693, %and3A_695 : vector<16xi32>
      %gather3A_697 = tpu.vector_load_idx %arg8[%add3A_61, %and3A_696] : memref<160x32xf32, #tpu.memory_space<vmem>>[vector<16xi32>, vector<16xi32>], vector<16xf32>,
      %gather3A_698 = tpu.vector_load_idx %arg9[%add3A_61, %and3A_696] : memref<160x32xf32, #tpu.memory_space<vmem>>[vector<16xi32>, vector<16xi32>], vector<16xf32>,
      %add3A_699 = arith.addf %gather3A_697, %gather3A_698 : vector<16xf32>
      %max3A_700 = arith.constant 0.000000e+00 : f32
      %max3A_701 = vector.broadcast %max3A_700 : f32 to vector<16xf32>
      %max3A_702 = arith.maximumf %add3A_699, %max3A_701 : vector<16xf32>
      %mul3A_703 = arith.mulf %max3A_702, %get3A_690 : vector<16xf32>
      %add3A_704 = arith.addf %add3A_654, %mul3A_703 : vector<16xf32>
      %gather3A_705 = tpu.vector_load_idx %arg8[%add3A_68, %and3A_696] : memref<160x32xf32, #tpu.memory_space<vmem>>[vector<16xi32>, vector<16xi32>], vector<16xf32>,
      %gather3A_706 = tpu.vector_load_idx %arg9[%add3A_68, %and3A_696] : memref<160x32xf32, #tpu.memory_space<vmem>>[vector<16xi32>, vector<16xi32>], vector<16xf32>,
      %add3A_707 = arith.addf %gather3A_705, %gather3A_706 : vector<16xf32>
      %max3A_708 = arith.constant 0.000000e+00 : f32
      %max3A_709 = vector.broadcast %max3A_708 : f32 to vector<16xf32>
      %max3A_710 = arith.maximumf %add3A_707, %max3A_709 : vector<16xf32>
      %mul3A_711 = arith.mulf %max3A_710, %get3A_690 : vector<16xf32>
      %add3A_712 = arith.addf %add3A_662, %mul3A_711 : vector<16xf32>
      %gather3A_713 = tpu.vector_load_idx %arg8[%add3A_75, %and3A_696] : memref<160x32xf32, #tpu.memory_space<vmem>>[vector<16xi32>, vector<16xi32>], vector<16xf32>,
      %gather3A_714 = tpu.vector_load_idx %arg9[%add3A_75, %and3A_696] : memref<160x32xf32, #tpu.memory_space<vmem>>[vector<16xi32>, vector<16xi32>], vector<16xf32>,
      %add3A_715 = arith.addf %gather3A_713, %gather3A_714 : vector<16xf32>
      %max3A_716 = arith.constant 0.000000e+00 : f32
      %max3A_717 = vector.broadcast %max3A_716 : f32 to vector<16xf32>
      %max3A_718 = arith.maximumf %add3A_715, %max3A_717 : vector<16xf32>
      %mul3A_719 = arith.mulf %max3A_718, %get3A_690 : vector<16xf32>
      %add3A_720 = arith.addf %add3A_670, %mul3A_719 : vector<16xf32>
      %gather3A_721 = tpu.vector_load_idx %arg8[%add3A_82, %and3A_696] : memref<160x32xf32, #tpu.memory_space<vmem>>[vector<16xi32>, vector<16xi32>], vector<16xf32>,
      %gather3A_722 = tpu.vector_load_idx %arg9[%add3A_82, %and3A_696] : memref<160x32xf32, #tpu.memory_space<vmem>>[vector<16xi32>, vector<16xi32>], vector<16xf32>,
      %add3A_723 = arith.addf %gather3A_721, %gather3A_722 : vector<16xf32>
      %max3A_724 = arith.constant 0.000000e+00 : f32
      %max3A_725 = vector.broadcast %max3A_724 : f32 to vector<16xf32>
      %max3A_726 = arith.maximumf %add3A_723, %max3A_725 : vector<16xf32>
      %mul3A_727 = arith.mulf %max3A_726, %get3A_690 : vector<16xf32>
      %add3A_728 = arith.addf %add3A_678, %mul3A_727 : vector<16xf32>
      %gather3A_729 = tpu.vector_load_idx %arg8[%add3A_89, %and3A_696] : memref<160x32xf32, #tpu.memory_space<vmem>>[vector<16xi32>, vector<16xi32>], vector<16xf32>,
      %gather3A_730 = tpu.vector_load_idx %arg9[%add3A_89, %and3A_696] : memref<160x32xf32, #tpu.memory_space<vmem>>[vector<16xi32>, vector<16xi32>], vector<16xf32>,
      %add3A_731 = arith.addf %gather3A_729, %gather3A_730 : vector<16xf32>
      %max3A_732 = arith.constant 0.000000e+00 : f32
      %max3A_733 = vector.broadcast %max3A_732 : f32 to vector<16xf32>
      %max3A_734 = arith.maximumf %add3A_731, %max3A_733 : vector<16xf32>
      %mul3A_735 = arith.mulf %max3A_734, %get3A_690 : vector<16xf32>
      %add3A_736 = arith.addf %add3A_686, %mul3A_735 : vector<16xf32>
      %get3A_737 = arith.constant 13 : i32
      %get3A_738 = arith.index_cast %get3A_737 : i32 to index
      %get3A_739 = arith.constant 0 : index
      %get3A_740 = tpu.vector_load %arg10[%get3A_738, %get3A_739] {strides = array<i32>} : memref<33x16xf32, #tpu.memory_space<vmem>>, vector<16xf32>,
      %add3A_741 = arith.constant 13 : i32
      %add3A_742 = vector.broadcast %add3A_741 : i32 to vector<16xi32>
      %add3A_743 = arith.addi %iota3A, %add3A_742 : vector<16xi32>
      %and3A_744 = arith.constant 31 : i32
      %and3A_745 = vector.broadcast %and3A_744 : i32 to vector<16xi32>
      %and3A_746 = arith.andi %add3A_743, %and3A_745 : vector<16xi32>
      %gather3A_747 = tpu.vector_load_idx %arg8[%add3A_61, %and3A_746] : memref<160x32xf32, #tpu.memory_space<vmem>>[vector<16xi32>, vector<16xi32>], vector<16xf32>,
      %gather3A_748 = tpu.vector_load_idx %arg9[%add3A_61, %and3A_746] : memref<160x32xf32, #tpu.memory_space<vmem>>[vector<16xi32>, vector<16xi32>], vector<16xf32>,
      %add3A_749 = arith.addf %gather3A_747, %gather3A_748 : vector<16xf32>
      %max3A_750 = arith.constant 0.000000e+00 : f32
      %max3A_751 = vector.broadcast %max3A_750 : f32 to vector<16xf32>
      %max3A_752 = arith.maximumf %add3A_749, %max3A_751 : vector<16xf32>
      %mul3A_753 = arith.mulf %max3A_752, %get3A_740 : vector<16xf32>
      %add3A_754 = arith.addf %add3A_704, %mul3A_753 : vector<16xf32>
      %gather3A_755 = tpu.vector_load_idx %arg8[%add3A_68, %and3A_746] : memref<160x32xf32, #tpu.memory_space<vmem>>[vector<16xi32>, vector<16xi32>], vector<16xf32>,
      %gather3A_756 = tpu.vector_load_idx %arg9[%add3A_68, %and3A_746] : memref<160x32xf32, #tpu.memory_space<vmem>>[vector<16xi32>, vector<16xi32>], vector<16xf32>,
      %add3A_757 = arith.addf %gather3A_755, %gather3A_756 : vector<16xf32>
      %max3A_758 = arith.constant 0.000000e+00 : f32
      %max3A_759 = vector.broadcast %max3A_758 : f32 to vector<16xf32>
      %max3A_760 = arith.maximumf %add3A_757, %max3A_759 : vector<16xf32>
      %mul3A_761 = arith.mulf %max3A_760, %get3A_740 : vector<16xf32>
      %add3A_762 = arith.addf %add3A_712, %mul3A_761 : vector<16xf32>
      %gather3A_763 = tpu.vector_load_idx %arg8[%add3A_75, %and3A_746] : memref<160x32xf32, #tpu.memory_space<vmem>>[vector<16xi32>, vector<16xi32>], vector<16xf32>,
      %gather3A_764 = tpu.vector_load_idx %arg9[%add3A_75, %and3A_746] : memref<160x32xf32, #tpu.memory_space<vmem>>[vector<16xi32>, vector<16xi32>], vector<16xf32>,
      %add3A_765 = arith.addf %gather3A_763, %gather3A_764 : vector<16xf32>
      %max3A_766 = arith.constant 0.000000e+00 : f32
      %max3A_767 = vector.broadcast %max3A_766 : f32 to vector<16xf32>
      %max3A_768 = arith.maximumf %add3A_765, %max3A_767 : vector<16xf32>
      %mul3A_769 = arith.mulf %max3A_768, %get3A_740 : vector<16xf32>
      %add3A_770 = arith.addf %add3A_720, %mul3A_769 : vector<16xf32>
      %gather3A_771 = tpu.vector_load_idx %arg8[%add3A_82, %and3A_746] : memref<160x32xf32, #tpu.memory_space<vmem>>[vector<16xi32>, vector<16xi32>], vector<16xf32>,
      %gather3A_772 = tpu.vector_load_idx %arg9[%add3A_82, %and3A_746] : memref<160x32xf32, #tpu.memory_space<vmem>>[vector<16xi32>, vector<16xi32>], vector<16xf32>,
      %add3A_773 = arith.addf %gather3A_771, %gather3A_772 : vector<16xf32>
      %max3A_774 = arith.constant 0.000000e+00 : f32
      %max3A_775 = vector.broadcast %max3A_774 : f32 to vector<16xf32>
      %max3A_776 = arith.maximumf %add3A_773, %max3A_775 : vector<16xf32>
      %mul3A_777 = arith.mulf %max3A_776, %get3A_740 : vector<16xf32>
      %add3A_778 = arith.addf %add3A_728, %mul3A_777 : vector<16xf32>
      %gather3A_779 = tpu.vector_load_idx %arg8[%add3A_89, %and3A_746] : memref<160x32xf32, #tpu.memory_space<vmem>>[vector<16xi32>, vector<16xi32>], vector<16xf32>,
      %gather3A_780 = tpu.vector_load_idx %arg9[%add3A_89, %and3A_746] : memref<160x32xf32, #tpu.memory_space<vmem>>[vector<16xi32>, vector<16xi32>], vector<16xf32>,
      %add3A_781 = arith.addf %gather3A_779, %gather3A_780 : vector<16xf32>
      %max3A_782 = arith.constant 0.000000e+00 : f32
      %max3A_783 = vector.broadcast %max3A_782 : f32 to vector<16xf32>
      %max3A_784 = arith.maximumf %add3A_781, %max3A_783 : vector<16xf32>
      %mul3A_785 = arith.mulf %max3A_784, %get3A_740 : vector<16xf32>
      %add3A_786 = arith.addf %add3A_736, %mul3A_785 : vector<16xf32>
      %get3A_787 = arith.constant 14 : i32
      %get3A_788 = arith.index_cast %get3A_787 : i32 to index
      %get3A_789 = arith.constant 0 : index
      %get3A_790 = tpu.vector_load %arg10[%get3A_788, %get3A_789] {strides = array<i32>} : memref<33x16xf32, #tpu.memory_space<vmem>>, vector<16xf32>,
      %add3A_791 = arith.constant 14 : i32
      %add3A_792 = vector.broadcast %add3A_791 : i32 to vector<16xi32>
      %add3A_793 = arith.addi %iota3A, %add3A_792 : vector<16xi32>
      %and3A_794 = arith.constant 31 : i32
      %and3A_795 = vector.broadcast %and3A_794 : i32 to vector<16xi32>
      %and3A_796 = arith.andi %add3A_793, %and3A_795 : vector<16xi32>
      %gather3A_797 = tpu.vector_load_idx %arg8[%add3A_61, %and3A_796] : memref<160x32xf32, #tpu.memory_space<vmem>>[vector<16xi32>, vector<16xi32>], vector<16xf32>,
      %gather3A_798 = tpu.vector_load_idx %arg9[%add3A_61, %and3A_796] : memref<160x32xf32, #tpu.memory_space<vmem>>[vector<16xi32>, vector<16xi32>], vector<16xf32>,
      %add3A_799 = arith.addf %gather3A_797, %gather3A_798 : vector<16xf32>
      %max3A_800 = arith.constant 0.000000e+00 : f32
      %max3A_801 = vector.broadcast %max3A_800 : f32 to vector<16xf32>
      %max3A_802 = arith.maximumf %add3A_799, %max3A_801 : vector<16xf32>
      %mul3A_803 = arith.mulf %max3A_802, %get3A_790 : vector<16xf32>
      %add3A_804 = arith.addf %add3A_754, %mul3A_803 : vector<16xf32>
      %gather3A_805 = tpu.vector_load_idx %arg8[%add3A_68, %and3A_796] : memref<160x32xf32, #tpu.memory_space<vmem>>[vector<16xi32>, vector<16xi32>], vector<16xf32>,
      %gather3A_806 = tpu.vector_load_idx %arg9[%add3A_68, %and3A_796] : memref<160x32xf32, #tpu.memory_space<vmem>>[vector<16xi32>, vector<16xi32>], vector<16xf32>,
      %add3A_807 = arith.addf %gather3A_805, %gather3A_806 : vector<16xf32>
      %max3A_808 = arith.constant 0.000000e+00 : f32
      %max3A_809 = vector.broadcast %max3A_808 : f32 to vector<16xf32>
      %max3A_810 = arith.maximumf %add3A_807, %max3A_809 : vector<16xf32>
      %mul3A_811 = arith.mulf %max3A_810, %get3A_790 : vector<16xf32>
      %add3A_812 = arith.addf %add3A_762, %mul3A_811 : vector<16xf32>
      %gather3A_813 = tpu.vector_load_idx %arg8[%add3A_75, %and3A_796] : memref<160x32xf32, #tpu.memory_space<vmem>>[vector<16xi32>, vector<16xi32>], vector<16xf32>,
      %gather3A_814 = tpu.vector_load_idx %arg9[%add3A_75, %and3A_796] : memref<160x32xf32, #tpu.memory_space<vmem>>[vector<16xi32>, vector<16xi32>], vector<16xf32>,
      %add3A_815 = arith.addf %gather3A_813, %gather3A_814 : vector<16xf32>
      %max3A_816 = arith.constant 0.000000e+00 : f32
      %max3A_817 = vector.broadcast %max3A_816 : f32 to vector<16xf32>
      %max3A_818 = arith.maximumf %add3A_815, %max3A_817 : vector<16xf32>
      %mul3A_819 = arith.mulf %max3A_818, %get3A_790 : vector<16xf32>
      %add3A_820 = arith.addf %add3A_770, %mul3A_819 : vector<16xf32>
      %gather3A_821 = tpu.vector_load_idx %arg8[%add3A_82, %and3A_796] : memref<160x32xf32, #tpu.memory_space<vmem>>[vector<16xi32>, vector<16xi32>], vector<16xf32>,
      %gather3A_822 = tpu.vector_load_idx %arg9[%add3A_82, %and3A_796] : memref<160x32xf32, #tpu.memory_space<vmem>>[vector<16xi32>, vector<16xi32>], vector<16xf32>,
      %add3A_823 = arith.addf %gather3A_821, %gather3A_822 : vector<16xf32>
      %max3A_824 = arith.constant 0.000000e+00 : f32
      %max3A_825 = vector.broadcast %max3A_824 : f32 to vector<16xf32>
      %max3A_826 = arith.maximumf %add3A_823, %max3A_825 : vector<16xf32>
      %mul3A_827 = arith.mulf %max3A_826, %get3A_790 : vector<16xf32>
      %add3A_828 = arith.addf %add3A_778, %mul3A_827 : vector<16xf32>
      %gather3A_829 = tpu.vector_load_idx %arg8[%add3A_89, %and3A_796] : memref<160x32xf32, #tpu.memory_space<vmem>>[vector<16xi32>, vector<16xi32>], vector<16xf32>,
      %gather3A_830 = tpu.vector_load_idx %arg9[%add3A_89, %and3A_796] : memref<160x32xf32, #tpu.memory_space<vmem>>[vector<16xi32>, vector<16xi32>], vector<16xf32>,
      %add3A_831 = arith.addf %gather3A_829, %gather3A_830 : vector<16xf32>
      %max3A_832 = arith.constant 0.000000e+00 : f32
      %max3A_833 = vector.broadcast %max3A_832 : f32 to vector<16xf32>
      %max3A_834 = arith.maximumf %add3A_831, %max3A_833 : vector<16xf32>
      %mul3A_835 = arith.mulf %max3A_834, %get3A_790 : vector<16xf32>
      %add3A_836 = arith.addf %add3A_786, %mul3A_835 : vector<16xf32>
      %get3A_837 = arith.constant 15 : i32
      %get3A_838 = arith.index_cast %get3A_837 : i32 to index
      %get3A_839 = arith.constant 0 : index
      %get3A_840 = tpu.vector_load %arg10[%get3A_838, %get3A_839] {strides = array<i32>} : memref<33x16xf32, #tpu.memory_space<vmem>>, vector<16xf32>,
      %add3A_841 = arith.constant 15 : i32
      %add3A_842 = vector.broadcast %add3A_841 : i32 to vector<16xi32>
      %add3A_843 = arith.addi %iota3A, %add3A_842 : vector<16xi32>
      %and3A_844 = arith.constant 31 : i32
      %and3A_845 = vector.broadcast %and3A_844 : i32 to vector<16xi32>
      %and3A_846 = arith.andi %add3A_843, %and3A_845 : vector<16xi32>
      %gather3A_847 = tpu.vector_load_idx %arg8[%add3A_61, %and3A_846] : memref<160x32xf32, #tpu.memory_space<vmem>>[vector<16xi32>, vector<16xi32>], vector<16xf32>,
      %gather3A_848 = tpu.vector_load_idx %arg9[%add3A_61, %and3A_846] : memref<160x32xf32, #tpu.memory_space<vmem>>[vector<16xi32>, vector<16xi32>], vector<16xf32>,
      %add3A_849 = arith.addf %gather3A_847, %gather3A_848 : vector<16xf32>
      %max3A_850 = arith.constant 0.000000e+00 : f32
      %max3A_851 = vector.broadcast %max3A_850 : f32 to vector<16xf32>
      %max3A_852 = arith.maximumf %add3A_849, %max3A_851 : vector<16xf32>
      %mul3A_853 = arith.mulf %max3A_852, %get3A_840 : vector<16xf32>
      %add3A_854 = arith.addf %add3A_804, %mul3A_853 : vector<16xf32>
      %gather3A_855 = tpu.vector_load_idx %arg8[%add3A_68, %and3A_846] : memref<160x32xf32, #tpu.memory_space<vmem>>[vector<16xi32>, vector<16xi32>], vector<16xf32>,
      %gather3A_856 = tpu.vector_load_idx %arg9[%add3A_68, %and3A_846] : memref<160x32xf32, #tpu.memory_space<vmem>>[vector<16xi32>, vector<16xi32>], vector<16xf32>,
      %add3A_857 = arith.addf %gather3A_855, %gather3A_856 : vector<16xf32>
      %max3A_858 = arith.constant 0.000000e+00 : f32
      %max3A_859 = vector.broadcast %max3A_858 : f32 to vector<16xf32>
      %max3A_860 = arith.maximumf %add3A_857, %max3A_859 : vector<16xf32>
      %mul3A_861 = arith.mulf %max3A_860, %get3A_840 : vector<16xf32>
      %add3A_862 = arith.addf %add3A_812, %mul3A_861 : vector<16xf32>
      %gather3A_863 = tpu.vector_load_idx %arg8[%add3A_75, %and3A_846] : memref<160x32xf32, #tpu.memory_space<vmem>>[vector<16xi32>, vector<16xi32>], vector<16xf32>,
      %gather3A_864 = tpu.vector_load_idx %arg9[%add3A_75, %and3A_846] : memref<160x32xf32, #tpu.memory_space<vmem>>[vector<16xi32>, vector<16xi32>], vector<16xf32>,
      %add3A_865 = arith.addf %gather3A_863, %gather3A_864 : vector<16xf32>
      %max3A_866 = arith.constant 0.000000e+00 : f32
      %max3A_867 = vector.broadcast %max3A_866 : f32 to vector<16xf32>
      %max3A_868 = arith.maximumf %add3A_865, %max3A_867 : vector<16xf32>
      %mul3A_869 = arith.mulf %max3A_868, %get3A_840 : vector<16xf32>
      %add3A_870 = arith.addf %add3A_820, %mul3A_869 : vector<16xf32>
      %gather3A_871 = tpu.vector_load_idx %arg8[%add3A_82, %and3A_846] : memref<160x32xf32, #tpu.memory_space<vmem>>[vector<16xi32>, vector<16xi32>], vector<16xf32>,
      %gather3A_872 = tpu.vector_load_idx %arg9[%add3A_82, %and3A_846] : memref<160x32xf32, #tpu.memory_space<vmem>>[vector<16xi32>, vector<16xi32>], vector<16xf32>,
      %add3A_873 = arith.addf %gather3A_871, %gather3A_872 : vector<16xf32>
      %max3A_874 = arith.constant 0.000000e+00 : f32
      %max3A_875 = vector.broadcast %max3A_874 : f32 to vector<16xf32>
      %max3A_876 = arith.maximumf %add3A_873, %max3A_875 : vector<16xf32>
      %mul3A_877 = arith.mulf %max3A_876, %get3A_840 : vector<16xf32>
      %add3A_878 = arith.addf %add3A_828, %mul3A_877 : vector<16xf32>
      %gather3A_879 = tpu.vector_load_idx %arg8[%add3A_89, %and3A_846] : memref<160x32xf32, #tpu.memory_space<vmem>>[vector<16xi32>, vector<16xi32>], vector<16xf32>,
      %gather3A_880 = tpu.vector_load_idx %arg9[%add3A_89, %and3A_846] : memref<160x32xf32, #tpu.memory_space<vmem>>[vector<16xi32>, vector<16xi32>], vector<16xf32>,
      %add3A_881 = arith.addf %gather3A_879, %gather3A_880 : vector<16xf32>
      %max3A_882 = arith.constant 0.000000e+00 : f32
      %max3A_883 = vector.broadcast %max3A_882 : f32 to vector<16xf32>
      %max3A_884 = arith.maximumf %add3A_881, %max3A_883 : vector<16xf32>
      %mul3A_885 = arith.mulf %max3A_884, %get3A_840 : vector<16xf32>
      %add3A_886 = arith.addf %add3A_836, %mul3A_885 : vector<16xf32>
      %get3A_887 = arith.constant 16 : i32
      %get3A_888 = arith.index_cast %get3A_887 : i32 to index
      %get3A_889 = arith.constant 0 : index
      %get3A_890 = tpu.vector_load %arg10[%get3A_888, %get3A_889] {strides = array<i32>} : memref<33x16xf32, #tpu.memory_space<vmem>>, vector<16xf32>,
      %add3A_891 = arith.constant 16 : i32
      %add3A_892 = vector.broadcast %add3A_891 : i32 to vector<16xi32>
      %add3A_893 = arith.addi %iota3A, %add3A_892 : vector<16xi32>
      %and3A_894 = arith.constant 31 : i32
      %and3A_895 = vector.broadcast %and3A_894 : i32 to vector<16xi32>
      %and3A_896 = arith.andi %add3A_893, %and3A_895 : vector<16xi32>
      %gather3A_897 = tpu.vector_load_idx %arg8[%add3A_61, %and3A_896] : memref<160x32xf32, #tpu.memory_space<vmem>>[vector<16xi32>, vector<16xi32>], vector<16xf32>,
      %gather3A_898 = tpu.vector_load_idx %arg9[%add3A_61, %and3A_896] : memref<160x32xf32, #tpu.memory_space<vmem>>[vector<16xi32>, vector<16xi32>], vector<16xf32>,
      %add3A_899 = arith.addf %gather3A_897, %gather3A_898 : vector<16xf32>
      %max3A_900 = arith.constant 0.000000e+00 : f32
      %max3A_901 = vector.broadcast %max3A_900 : f32 to vector<16xf32>
      %max3A_902 = arith.maximumf %add3A_899, %max3A_901 : vector<16xf32>
      %mul3A_903 = arith.mulf %max3A_902, %get3A_890 : vector<16xf32>
      %add3A_904 = arith.addf %add3A_854, %mul3A_903 : vector<16xf32>
      %gather3A_905 = tpu.vector_load_idx %arg8[%add3A_68, %and3A_896] : memref<160x32xf32, #tpu.memory_space<vmem>>[vector<16xi32>, vector<16xi32>], vector<16xf32>,
      %gather3A_906 = tpu.vector_load_idx %arg9[%add3A_68, %and3A_896] : memref<160x32xf32, #tpu.memory_space<vmem>>[vector<16xi32>, vector<16xi32>], vector<16xf32>,
      %add3A_907 = arith.addf %gather3A_905, %gather3A_906 : vector<16xf32>
      %max3A_908 = arith.constant 0.000000e+00 : f32
      %max3A_909 = vector.broadcast %max3A_908 : f32 to vector<16xf32>
      %max3A_910 = arith.maximumf %add3A_907, %max3A_909 : vector<16xf32>
      %mul3A_911 = arith.mulf %max3A_910, %get3A_890 : vector<16xf32>
      %add3A_912 = arith.addf %add3A_862, %mul3A_911 : vector<16xf32>
      %gather3A_913 = tpu.vector_load_idx %arg8[%add3A_75, %and3A_896] : memref<160x32xf32, #tpu.memory_space<vmem>>[vector<16xi32>, vector<16xi32>], vector<16xf32>,
      %gather3A_914 = tpu.vector_load_idx %arg9[%add3A_75, %and3A_896] : memref<160x32xf32, #tpu.memory_space<vmem>>[vector<16xi32>, vector<16xi32>], vector<16xf32>,
      %add3A_915 = arith.addf %gather3A_913, %gather3A_914 : vector<16xf32>
      %max3A_916 = arith.constant 0.000000e+00 : f32
      %max3A_917 = vector.broadcast %max3A_916 : f32 to vector<16xf32>
      %max3A_918 = arith.maximumf %add3A_915, %max3A_917 : vector<16xf32>
      %mul3A_919 = arith.mulf %max3A_918, %get3A_890 : vector<16xf32>
      %add3A_920 = arith.addf %add3A_870, %mul3A_919 : vector<16xf32>
      %gather3A_921 = tpu.vector_load_idx %arg8[%add3A_82, %and3A_896] : memref<160x32xf32, #tpu.memory_space<vmem>>[vector<16xi32>, vector<16xi32>], vector<16xf32>,
      %gather3A_922 = tpu.vector_load_idx %arg9[%add3A_82, %and3A_896] : memref<160x32xf32, #tpu.memory_space<vmem>>[vector<16xi32>, vector<16xi32>], vector<16xf32>,
      %add3A_923 = arith.addf %gather3A_921, %gather3A_922 : vector<16xf32>
      %max3A_924 = arith.constant 0.000000e+00 : f32
      %max3A_925 = vector.broadcast %max3A_924 : f32 to vector<16xf32>
      %max3A_926 = arith.maximumf %add3A_923, %max3A_925 : vector<16xf32>
      %mul3A_927 = arith.mulf %max3A_926, %get3A_890 : vector<16xf32>
      %add3A_928 = arith.addf %add3A_878, %mul3A_927 : vector<16xf32>
      %gather3A_929 = tpu.vector_load_idx %arg8[%add3A_89, %and3A_896] : memref<160x32xf32, #tpu.memory_space<vmem>>[vector<16xi32>, vector<16xi32>], vector<16xf32>,
      %gather3A_930 = tpu.vector_load_idx %arg9[%add3A_89, %and3A_896] : memref<160x32xf32, #tpu.memory_space<vmem>>[vector<16xi32>, vector<16xi32>], vector<16xf32>,
      %add3A_931 = arith.addf %gather3A_929, %gather3A_930 : vector<16xf32>
      %max3A_932 = arith.constant 0.000000e+00 : f32
      %max3A_933 = vector.broadcast %max3A_932 : f32 to vector<16xf32>
      %max3A_934 = arith.maximumf %add3A_931, %max3A_933 : vector<16xf32>
      %mul3A_935 = arith.mulf %max3A_934, %get3A_890 : vector<16xf32>
      %add3A_936 = arith.addf %add3A_886, %mul3A_935 : vector<16xf32>
      %get3A_937 = arith.constant 17 : i32
      %get3A_938 = arith.index_cast %get3A_937 : i32 to index
      %get3A_939 = arith.constant 0 : index
      %get3A_940 = tpu.vector_load %arg10[%get3A_938, %get3A_939] {strides = array<i32>} : memref<33x16xf32, #tpu.memory_space<vmem>>, vector<16xf32>,
      %add3A_941 = arith.constant 17 : i32
      %add3A_942 = vector.broadcast %add3A_941 : i32 to vector<16xi32>
      %add3A_943 = arith.addi %iota3A, %add3A_942 : vector<16xi32>
      %and3A_944 = arith.constant 31 : i32
      %and3A_945 = vector.broadcast %and3A_944 : i32 to vector<16xi32>
      %and3A_946 = arith.andi %add3A_943, %and3A_945 : vector<16xi32>
      %gather3A_947 = tpu.vector_load_idx %arg8[%add3A_61, %and3A_946] : memref<160x32xf32, #tpu.memory_space<vmem>>[vector<16xi32>, vector<16xi32>], vector<16xf32>,
      %gather3A_948 = tpu.vector_load_idx %arg9[%add3A_61, %and3A_946] : memref<160x32xf32, #tpu.memory_space<vmem>>[vector<16xi32>, vector<16xi32>], vector<16xf32>,
      %add3A_949 = arith.addf %gather3A_947, %gather3A_948 : vector<16xf32>
      %max3A_950 = arith.constant 0.000000e+00 : f32
      %max3A_951 = vector.broadcast %max3A_950 : f32 to vector<16xf32>
      %max3A_952 = arith.maximumf %add3A_949, %max3A_951 : vector<16xf32>
      %mul3A_953 = arith.mulf %max3A_952, %get3A_940 : vector<16xf32>
      %add3A_954 = arith.addf %add3A_904, %mul3A_953 : vector<16xf32>
      %gather3A_955 = tpu.vector_load_idx %arg8[%add3A_68, %and3A_946] : memref<160x32xf32, #tpu.memory_space<vmem>>[vector<16xi32>, vector<16xi32>], vector<16xf32>,
      %gather3A_956 = tpu.vector_load_idx %arg9[%add3A_68, %and3A_946] : memref<160x32xf32, #tpu.memory_space<vmem>>[vector<16xi32>, vector<16xi32>], vector<16xf32>,
      %add3A_957 = arith.addf %gather3A_955, %gather3A_956 : vector<16xf32>
      %max3A_958 = arith.constant 0.000000e+00 : f32
      %max3A_959 = vector.broadcast %max3A_958 : f32 to vector<16xf32>
      %max3A_960 = arith.maximumf %add3A_957, %max3A_959 : vector<16xf32>
      %mul3A_961 = arith.mulf %max3A_960, %get3A_940 : vector<16xf32>
      %add3A_962 = arith.addf %add3A_912, %mul3A_961 : vector<16xf32>
      %gather3A_963 = tpu.vector_load_idx %arg8[%add3A_75, %and3A_946] : memref<160x32xf32, #tpu.memory_space<vmem>>[vector<16xi32>, vector<16xi32>], vector<16xf32>,
      %gather3A_964 = tpu.vector_load_idx %arg9[%add3A_75, %and3A_946] : memref<160x32xf32, #tpu.memory_space<vmem>>[vector<16xi32>, vector<16xi32>], vector<16xf32>,
      %add3A_965 = arith.addf %gather3A_963, %gather3A_964 : vector<16xf32>
      %max3A_966 = arith.constant 0.000000e+00 : f32
      %max3A_967 = vector.broadcast %max3A_966 : f32 to vector<16xf32>
      %max3A_968 = arith.maximumf %add3A_965, %max3A_967 : vector<16xf32>
      %mul3A_969 = arith.mulf %max3A_968, %get3A_940 : vector<16xf32>
      %add3A_970 = arith.addf %add3A_920, %mul3A_969 : vector<16xf32>
      %gather3A_971 = tpu.vector_load_idx %arg8[%add3A_82, %and3A_946] : memref<160x32xf32, #tpu.memory_space<vmem>>[vector<16xi32>, vector<16xi32>], vector<16xf32>,
      %gather3A_972 = tpu.vector_load_idx %arg9[%add3A_82, %and3A_946] : memref<160x32xf32, #tpu.memory_space<vmem>>[vector<16xi32>, vector<16xi32>], vector<16xf32>,
      %add3A_973 = arith.addf %gather3A_971, %gather3A_972 : vector<16xf32>
      %max3A_974 = arith.constant 0.000000e+00 : f32
      %max3A_975 = vector.broadcast %max3A_974 : f32 to vector<16xf32>
      %max3A_976 = arith.maximumf %add3A_973, %max3A_975 : vector<16xf32>
      %mul3A_977 = arith.mulf %max3A_976, %get3A_940 : vector<16xf32>
      %add3A_978 = arith.addf %add3A_928, %mul3A_977 : vector<16xf32>
      %gather3A_979 = tpu.vector_load_idx %arg8[%add3A_89, %and3A_946] : memref<160x32xf32, #tpu.memory_space<vmem>>[vector<16xi32>, vector<16xi32>], vector<16xf32>,
      %gather3A_980 = tpu.vector_load_idx %arg9[%add3A_89, %and3A_946] : memref<160x32xf32, #tpu.memory_space<vmem>>[vector<16xi32>, vector<16xi32>], vector<16xf32>,
      %add3A_981 = arith.addf %gather3A_979, %gather3A_980 : vector<16xf32>
      %max3A_982 = arith.constant 0.000000e+00 : f32
      %max3A_983 = vector.broadcast %max3A_982 : f32 to vector<16xf32>
      %max3A_984 = arith.maximumf %add3A_981, %max3A_983 : vector<16xf32>
      %mul3A_985 = arith.mulf %max3A_984, %get3A_940 : vector<16xf32>
      %add3A_986 = arith.addf %add3A_936, %mul3A_985 : vector<16xf32>
      %get3A_987 = arith.constant 18 : i32
      %get3A_988 = arith.index_cast %get3A_987 : i32 to index
      %get3A_989 = arith.constant 0 : index
      %get3A_990 = tpu.vector_load %arg10[%get3A_988, %get3A_989] {strides = array<i32>} : memref<33x16xf32, #tpu.memory_space<vmem>>, vector<16xf32>,
      %add3A_991 = arith.constant 18 : i32
      %add3A_992 = vector.broadcast %add3A_991 : i32 to vector<16xi32>
      %add3A_993 = arith.addi %iota3A, %add3A_992 : vector<16xi32>
      %and3A_994 = arith.constant 31 : i32
      %and3A_995 = vector.broadcast %and3A_994 : i32 to vector<16xi32>
      %and3A_996 = arith.andi %add3A_993, %and3A_995 : vector<16xi32>
      %gather3A_997 = tpu.vector_load_idx %arg8[%add3A_61, %and3A_996] : memref<160x32xf32, #tpu.memory_space<vmem>>[vector<16xi32>, vector<16xi32>], vector<16xf32>,
      %gather3A_998 = tpu.vector_load_idx %arg9[%add3A_61, %and3A_996] : memref<160x32xf32, #tpu.memory_space<vmem>>[vector<16xi32>, vector<16xi32>], vector<16xf32>,
      %add3A_999 = arith.addf %gather3A_997, %gather3A_998 : vector<16xf32>
      %max3A_1000 = arith.constant 0.000000e+00 : f32
      %max3A_1001 = vector.broadcast %max3A_1000 : f32 to vector<16xf32>
      %max3A_1002 = arith.maximumf %add3A_999, %max3A_1001 : vector<16xf32>
      %mul3A_1003 = arith.mulf %max3A_1002, %get3A_990 : vector<16xf32>
      %add3A_1004 = arith.addf %add3A_954, %mul3A_1003 : vector<16xf32>
      %gather3A_1005 = tpu.vector_load_idx %arg8[%add3A_68, %and3A_996] : memref<160x32xf32, #tpu.memory_space<vmem>>[vector<16xi32>, vector<16xi32>], vector<16xf32>,
      %gather3A_1006 = tpu.vector_load_idx %arg9[%add3A_68, %and3A_996] : memref<160x32xf32, #tpu.memory_space<vmem>>[vector<16xi32>, vector<16xi32>], vector<16xf32>,
      %add3A_1007 = arith.addf %gather3A_1005, %gather3A_1006 : vector<16xf32>
      %max3A_1008 = arith.constant 0.000000e+00 : f32
      %max3A_1009 = vector.broadcast %max3A_1008 : f32 to vector<16xf32>
      %max3A_1010 = arith.maximumf %add3A_1007, %max3A_1009 : vector<16xf32>
      %mul3A_1011 = arith.mulf %max3A_1010, %get3A_990 : vector<16xf32>
      %add3A_1012 = arith.addf %add3A_962, %mul3A_1011 : vector<16xf32>
      %gather3A_1013 = tpu.vector_load_idx %arg8[%add3A_75, %and3A_996] : memref<160x32xf32, #tpu.memory_space<vmem>>[vector<16xi32>, vector<16xi32>], vector<16xf32>,
      %gather3A_1014 = tpu.vector_load_idx %arg9[%add3A_75, %and3A_996] : memref<160x32xf32, #tpu.memory_space<vmem>>[vector<16xi32>, vector<16xi32>], vector<16xf32>,
      %add3A_1015 = arith.addf %gather3A_1013, %gather3A_1014 : vector<16xf32>
      %max3A_1016 = arith.constant 0.000000e+00 : f32
      %max3A_1017 = vector.broadcast %max3A_1016 : f32 to vector<16xf32>
      %max3A_1018 = arith.maximumf %add3A_1015, %max3A_1017 : vector<16xf32>
      %mul3A_1019 = arith.mulf %max3A_1018, %get3A_990 : vector<16xf32>
      %add3A_1020 = arith.addf %add3A_970, %mul3A_1019 : vector<16xf32>
      %gather3A_1021 = tpu.vector_load_idx %arg8[%add3A_82, %and3A_996] : memref<160x32xf32, #tpu.memory_space<vmem>>[vector<16xi32>, vector<16xi32>], vector<16xf32>,
      %gather3A_1022 = tpu.vector_load_idx %arg9[%add3A_82, %and3A_996] : memref<160x32xf32, #tpu.memory_space<vmem>>[vector<16xi32>, vector<16xi32>], vector<16xf32>,
      %add3A_1023 = arith.addf %gather3A_1021, %gather3A_1022 : vector<16xf32>
      %max3A_1024 = arith.constant 0.000000e+00 : f32
      %max3A_1025 = vector.broadcast %max3A_1024 : f32 to vector<16xf32>
      %max3A_1026 = arith.maximumf %add3A_1023, %max3A_1025 : vector<16xf32>
      %mul3A_1027 = arith.mulf %max3A_1026, %get3A_990 : vector<16xf32>
      %add3A_1028 = arith.addf %add3A_978, %mul3A_1027 : vector<16xf32>
      %gather3A_1029 = tpu.vector_load_idx %arg8[%add3A_89, %and3A_996] : memref<160x32xf32, #tpu.memory_space<vmem>>[vector<16xi32>, vector<16xi32>], vector<16xf32>,
      %gather3A_1030 = tpu.vector_load_idx %arg9[%add3A_89, %and3A_996] : memref<160x32xf32, #tpu.memory_space<vmem>>[vector<16xi32>, vector<16xi32>], vector<16xf32>,
      %add3A_1031 = arith.addf %gather3A_1029, %gather3A_1030 : vector<16xf32>
      %max3A_1032 = arith.constant 0.000000e+00 : f32
      %max3A_1033 = vector.broadcast %max3A_1032 : f32 to vector<16xf32>
      %max3A_1034 = arith.maximumf %add3A_1031, %max3A_1033 : vector<16xf32>
      %mul3A_1035 = arith.mulf %max3A_1034, %get3A_990 : vector<16xf32>
      %add3A_1036 = arith.addf %add3A_986, %mul3A_1035 : vector<16xf32>
      %get3A_1037 = arith.constant 19 : i32
      %get3A_1038 = arith.index_cast %get3A_1037 : i32 to index
      %get3A_1039 = arith.constant 0 : index
      %get3A_1040 = tpu.vector_load %arg10[%get3A_1038, %get3A_1039] {strides = array<i32>} : memref<33x16xf32, #tpu.memory_space<vmem>>, vector<16xf32>,
      %add3A_1041 = arith.constant 19 : i32
      %add3A_1042 = vector.broadcast %add3A_1041 : i32 to vector<16xi32>
      %add3A_1043 = arith.addi %iota3A, %add3A_1042 : vector<16xi32>
      %and3A_1044 = arith.constant 31 : i32
      %and3A_1045 = vector.broadcast %and3A_1044 : i32 to vector<16xi32>
      %and3A_1046 = arith.andi %add3A_1043, %and3A_1045 : vector<16xi32>
      %gather3A_1047 = tpu.vector_load_idx %arg8[%add3A_61, %and3A_1046] : memref<160x32xf32, #tpu.memory_space<vmem>>[vector<16xi32>, vector<16xi32>], vector<16xf32>,
      %gather3A_1048 = tpu.vector_load_idx %arg9[%add3A_61, %and3A_1046] : memref<160x32xf32, #tpu.memory_space<vmem>>[vector<16xi32>, vector<16xi32>], vector<16xf32>,
      %add3A_1049 = arith.addf %gather3A_1047, %gather3A_1048 : vector<16xf32>
      %max3A_1050 = arith.constant 0.000000e+00 : f32
      %max3A_1051 = vector.broadcast %max3A_1050 : f32 to vector<16xf32>
      %max3A_1052 = arith.maximumf %add3A_1049, %max3A_1051 : vector<16xf32>
      %mul3A_1053 = arith.mulf %max3A_1052, %get3A_1040 : vector<16xf32>
      %add3A_1054 = arith.addf %add3A_1004, %mul3A_1053 : vector<16xf32>
      %gather3A_1055 = tpu.vector_load_idx %arg8[%add3A_68, %and3A_1046] : memref<160x32xf32, #tpu.memory_space<vmem>>[vector<16xi32>, vector<16xi32>], vector<16xf32>,
      %gather3A_1056 = tpu.vector_load_idx %arg9[%add3A_68, %and3A_1046] : memref<160x32xf32, #tpu.memory_space<vmem>>[vector<16xi32>, vector<16xi32>], vector<16xf32>,
      %add3A_1057 = arith.addf %gather3A_1055, %gather3A_1056 : vector<16xf32>
      %max3A_1058 = arith.constant 0.000000e+00 : f32
      %max3A_1059 = vector.broadcast %max3A_1058 : f32 to vector<16xf32>
      %max3A_1060 = arith.maximumf %add3A_1057, %max3A_1059 : vector<16xf32>
      %mul3A_1061 = arith.mulf %max3A_1060, %get3A_1040 : vector<16xf32>
      %add3A_1062 = arith.addf %add3A_1012, %mul3A_1061 : vector<16xf32>
      %gather3A_1063 = tpu.vector_load_idx %arg8[%add3A_75, %and3A_1046] : memref<160x32xf32, #tpu.memory_space<vmem>>[vector<16xi32>, vector<16xi32>], vector<16xf32>,
      %gather3A_1064 = tpu.vector_load_idx %arg9[%add3A_75, %and3A_1046] : memref<160x32xf32, #tpu.memory_space<vmem>>[vector<16xi32>, vector<16xi32>], vector<16xf32>,
      %add3A_1065 = arith.addf %gather3A_1063, %gather3A_1064 : vector<16xf32>
      %max3A_1066 = arith.constant 0.000000e+00 : f32
      %max3A_1067 = vector.broadcast %max3A_1066 : f32 to vector<16xf32>
      %max3A_1068 = arith.maximumf %add3A_1065, %max3A_1067 : vector<16xf32>
      %mul3A_1069 = arith.mulf %max3A_1068, %get3A_1040 : vector<16xf32>
      %add3A_1070 = arith.addf %add3A_1020, %mul3A_1069 : vector<16xf32>
      %gather3A_1071 = tpu.vector_load_idx %arg8[%add3A_82, %and3A_1046] : memref<160x32xf32, #tpu.memory_space<vmem>>[vector<16xi32>, vector<16xi32>], vector<16xf32>,
      %gather3A_1072 = tpu.vector_load_idx %arg9[%add3A_82, %and3A_1046] : memref<160x32xf32, #tpu.memory_space<vmem>>[vector<16xi32>, vector<16xi32>], vector<16xf32>,
      %add3A_1073 = arith.addf %gather3A_1071, %gather3A_1072 : vector<16xf32>
      %max3A_1074 = arith.constant 0.000000e+00 : f32
      %max3A_1075 = vector.broadcast %max3A_1074 : f32 to vector<16xf32>
      %max3A_1076 = arith.maximumf %add3A_1073, %max3A_1075 : vector<16xf32>
      %mul3A_1077 = arith.mulf %max3A_1076, %get3A_1040 : vector<16xf32>
      %add3A_1078 = arith.addf %add3A_1028, %mul3A_1077 : vector<16xf32>
      %gather3A_1079 = tpu.vector_load_idx %arg8[%add3A_89, %and3A_1046] : memref<160x32xf32, #tpu.memory_space<vmem>>[vector<16xi32>, vector<16xi32>], vector<16xf32>,
      %gather3A_1080 = tpu.vector_load_idx %arg9[%add3A_89, %and3A_1046] : memref<160x32xf32, #tpu.memory_space<vmem>>[vector<16xi32>, vector<16xi32>], vector<16xf32>,
      %add3A_1081 = arith.addf %gather3A_1079, %gather3A_1080 : vector<16xf32>
      %max3A_1082 = arith.constant 0.000000e+00 : f32
      %max3A_1083 = vector.broadcast %max3A_1082 : f32 to vector<16xf32>
      %max3A_1084 = arith.maximumf %add3A_1081, %max3A_1083 : vector<16xf32>
      %mul3A_1085 = arith.mulf %max3A_1084, %get3A_1040 : vector<16xf32>
      %add3A_1086 = arith.addf %add3A_1036, %mul3A_1085 : vector<16xf32>
      %get3A_1087 = arith.constant 20 : i32
      %get3A_1088 = arith.index_cast %get3A_1087 : i32 to index
      %get3A_1089 = arith.constant 0 : index
      %get3A_1090 = tpu.vector_load %arg10[%get3A_1088, %get3A_1089] {strides = array<i32>} : memref<33x16xf32, #tpu.memory_space<vmem>>, vector<16xf32>,
      %add3A_1091 = arith.constant 20 : i32
      %add3A_1092 = vector.broadcast %add3A_1091 : i32 to vector<16xi32>
      %add3A_1093 = arith.addi %iota3A, %add3A_1092 : vector<16xi32>
      %and3A_1094 = arith.constant 31 : i32
      %and3A_1095 = vector.broadcast %and3A_1094 : i32 to vector<16xi32>
      %and3A_1096 = arith.andi %add3A_1093, %and3A_1095 : vector<16xi32>
      %gather3A_1097 = tpu.vector_load_idx %arg8[%add3A_61, %and3A_1096] : memref<160x32xf32, #tpu.memory_space<vmem>>[vector<16xi32>, vector<16xi32>], vector<16xf32>,
      %gather3A_1098 = tpu.vector_load_idx %arg9[%add3A_61, %and3A_1096] : memref<160x32xf32, #tpu.memory_space<vmem>>[vector<16xi32>, vector<16xi32>], vector<16xf32>,
      %add3A_1099 = arith.addf %gather3A_1097, %gather3A_1098 : vector<16xf32>
      %max3A_1100 = arith.constant 0.000000e+00 : f32
      %max3A_1101 = vector.broadcast %max3A_1100 : f32 to vector<16xf32>
      %max3A_1102 = arith.maximumf %add3A_1099, %max3A_1101 : vector<16xf32>
      %mul3A_1103 = arith.mulf %max3A_1102, %get3A_1090 : vector<16xf32>
      %add3A_1104 = arith.addf %add3A_1054, %mul3A_1103 : vector<16xf32>
      %gather3A_1105 = tpu.vector_load_idx %arg8[%add3A_68, %and3A_1096] : memref<160x32xf32, #tpu.memory_space<vmem>>[vector<16xi32>, vector<16xi32>], vector<16xf32>,
      %gather3A_1106 = tpu.vector_load_idx %arg9[%add3A_68, %and3A_1096] : memref<160x32xf32, #tpu.memory_space<vmem>>[vector<16xi32>, vector<16xi32>], vector<16xf32>,
      %add3A_1107 = arith.addf %gather3A_1105, %gather3A_1106 : vector<16xf32>
      %max3A_1108 = arith.constant 0.000000e+00 : f32
      %max3A_1109 = vector.broadcast %max3A_1108 : f32 to vector<16xf32>
      %max3A_1110 = arith.maximumf %add3A_1107, %max3A_1109 : vector<16xf32>
      %mul3A_1111 = arith.mulf %max3A_1110, %get3A_1090 : vector<16xf32>
      %add3A_1112 = arith.addf %add3A_1062, %mul3A_1111 : vector<16xf32>
      %gather3A_1113 = tpu.vector_load_idx %arg8[%add3A_75, %and3A_1096] : memref<160x32xf32, #tpu.memory_space<vmem>>[vector<16xi32>, vector<16xi32>], vector<16xf32>,
      %gather3A_1114 = tpu.vector_load_idx %arg9[%add3A_75, %and3A_1096] : memref<160x32xf32, #tpu.memory_space<vmem>>[vector<16xi32>, vector<16xi32>], vector<16xf32>,
      %add3A_1115 = arith.addf %gather3A_1113, %gather3A_1114 : vector<16xf32>
      %max3A_1116 = arith.constant 0.000000e+00 : f32
      %max3A_1117 = vector.broadcast %max3A_1116 : f32 to vector<16xf32>
      %max3A_1118 = arith.maximumf %add3A_1115, %max3A_1117 : vector<16xf32>
      %mul3A_1119 = arith.mulf %max3A_1118, %get3A_1090 : vector<16xf32>
      %add3A_1120 = arith.addf %add3A_1070, %mul3A_1119 : vector<16xf32>
      %gather3A_1121 = tpu.vector_load_idx %arg8[%add3A_82, %and3A_1096] : memref<160x32xf32, #tpu.memory_space<vmem>>[vector<16xi32>, vector<16xi32>], vector<16xf32>,
      %gather3A_1122 = tpu.vector_load_idx %arg9[%add3A_82, %and3A_1096] : memref<160x32xf32, #tpu.memory_space<vmem>>[vector<16xi32>, vector<16xi32>], vector<16xf32>,
      %add3A_1123 = arith.addf %gather3A_1121, %gather3A_1122 : vector<16xf32>
      %max3A_1124 = arith.constant 0.000000e+00 : f32
      %max3A_1125 = vector.broadcast %max3A_1124 : f32 to vector<16xf32>
      %max3A_1126 = arith.maximumf %add3A_1123, %max3A_1125 : vector<16xf32>
      %mul3A_1127 = arith.mulf %max3A_1126, %get3A_1090 : vector<16xf32>
      %add3A_1128 = arith.addf %add3A_1078, %mul3A_1127 : vector<16xf32>
      %gather3A_1129 = tpu.vector_load_idx %arg8[%add3A_89, %and3A_1096] : memref<160x32xf32, #tpu.memory_space<vmem>>[vector<16xi32>, vector<16xi32>], vector<16xf32>,
      %gather3A_1130 = tpu.vector_load_idx %arg9[%add3A_89, %and3A_1096] : memref<160x32xf32, #tpu.memory_space<vmem>>[vector<16xi32>, vector<16xi32>], vector<16xf32>,
      %add3A_1131 = arith.addf %gather3A_1129, %gather3A_1130 : vector<16xf32>
      %max3A_1132 = arith.constant 0.000000e+00 : f32
      %max3A_1133 = vector.broadcast %max3A_1132 : f32 to vector<16xf32>
      %max3A_1134 = arith.maximumf %add3A_1131, %max3A_1133 : vector<16xf32>
      %mul3A_1135 = arith.mulf %max3A_1134, %get3A_1090 : vector<16xf32>
      %add3A_1136 = arith.addf %add3A_1086, %mul3A_1135 : vector<16xf32>
      %get3A_1137 = arith.constant 21 : i32
      %get3A_1138 = arith.index_cast %get3A_1137 : i32 to index
      %get3A_1139 = arith.constant 0 : index
      %get3A_1140 = tpu.vector_load %arg10[%get3A_1138, %get3A_1139] {strides = array<i32>} : memref<33x16xf32, #tpu.memory_space<vmem>>, vector<16xf32>,
      %add3A_1141 = arith.constant 21 : i32
      %add3A_1142 = vector.broadcast %add3A_1141 : i32 to vector<16xi32>
      %add3A_1143 = arith.addi %iota3A, %add3A_1142 : vector<16xi32>
      %and3A_1144 = arith.constant 31 : i32
      %and3A_1145 = vector.broadcast %and3A_1144 : i32 to vector<16xi32>
      %and3A_1146 = arith.andi %add3A_1143, %and3A_1145 : vector<16xi32>
      %gather3A_1147 = tpu.vector_load_idx %arg8[%add3A_61, %and3A_1146] : memref<160x32xf32, #tpu.memory_space<vmem>>[vector<16xi32>, vector<16xi32>], vector<16xf32>,
      %gather3A_1148 = tpu.vector_load_idx %arg9[%add3A_61, %and3A_1146] : memref<160x32xf32, #tpu.memory_space<vmem>>[vector<16xi32>, vector<16xi32>], vector<16xf32>,
      %add3A_1149 = arith.addf %gather3A_1147, %gather3A_1148 : vector<16xf32>
      %max3A_1150 = arith.constant 0.000000e+00 : f32
      %max3A_1151 = vector.broadcast %max3A_1150 : f32 to vector<16xf32>
      %max3A_1152 = arith.maximumf %add3A_1149, %max3A_1151 : vector<16xf32>
      %mul3A_1153 = arith.mulf %max3A_1152, %get3A_1140 : vector<16xf32>
      %add3A_1154 = arith.addf %add3A_1104, %mul3A_1153 : vector<16xf32>
      %gather3A_1155 = tpu.vector_load_idx %arg8[%add3A_68, %and3A_1146] : memref<160x32xf32, #tpu.memory_space<vmem>>[vector<16xi32>, vector<16xi32>], vector<16xf32>,
      %gather3A_1156 = tpu.vector_load_idx %arg9[%add3A_68, %and3A_1146] : memref<160x32xf32, #tpu.memory_space<vmem>>[vector<16xi32>, vector<16xi32>], vector<16xf32>,
      %add3A_1157 = arith.addf %gather3A_1155, %gather3A_1156 : vector<16xf32>
      %max3A_1158 = arith.constant 0.000000e+00 : f32
      %max3A_1159 = vector.broadcast %max3A_1158 : f32 to vector<16xf32>
      %max3A_1160 = arith.maximumf %add3A_1157, %max3A_1159 : vector<16xf32>
      %mul3A_1161 = arith.mulf %max3A_1160, %get3A_1140 : vector<16xf32>
      %add3A_1162 = arith.addf %add3A_1112, %mul3A_1161 : vector<16xf32>
      %gather3A_1163 = tpu.vector_load_idx %arg8[%add3A_75, %and3A_1146] : memref<160x32xf32, #tpu.memory_space<vmem>>[vector<16xi32>, vector<16xi32>], vector<16xf32>,
      %gather3A_1164 = tpu.vector_load_idx %arg9[%add3A_75, %and3A_1146] : memref<160x32xf32, #tpu.memory_space<vmem>>[vector<16xi32>, vector<16xi32>], vector<16xf32>,
      %add3A_1165 = arith.addf %gather3A_1163, %gather3A_1164 : vector<16xf32>
      %max3A_1166 = arith.constant 0.000000e+00 : f32
      %max3A_1167 = vector.broadcast %max3A_1166 : f32 to vector<16xf32>
      %max3A_1168 = arith.maximumf %add3A_1165, %max3A_1167 : vector<16xf32>
      %mul3A_1169 = arith.mulf %max3A_1168, %get3A_1140 : vector<16xf32>
      %add3A_1170 = arith.addf %add3A_1120, %mul3A_1169 : vector<16xf32>
      %gather3A_1171 = tpu.vector_load_idx %arg8[%add3A_82, %and3A_1146] : memref<160x32xf32, #tpu.memory_space<vmem>>[vector<16xi32>, vector<16xi32>], vector<16xf32>,
      %gather3A_1172 = tpu.vector_load_idx %arg9[%add3A_82, %and3A_1146] : memref<160x32xf32, #tpu.memory_space<vmem>>[vector<16xi32>, vector<16xi32>], vector<16xf32>,
      %add3A_1173 = arith.addf %gather3A_1171, %gather3A_1172 : vector<16xf32>
      %max3A_1174 = arith.constant 0.000000e+00 : f32
      %max3A_1175 = vector.broadcast %max3A_1174 : f32 to vector<16xf32>
      %max3A_1176 = arith.maximumf %add3A_1173, %max3A_1175 : vector<16xf32>
      %mul3A_1177 = arith.mulf %max3A_1176, %get3A_1140 : vector<16xf32>
      %add3A_1178 = arith.addf %add3A_1128, %mul3A_1177 : vector<16xf32>
      %gather3A_1179 = tpu.vector_load_idx %arg8[%add3A_89, %and3A_1146] : memref<160x32xf32, #tpu.memory_space<vmem>>[vector<16xi32>, vector<16xi32>], vector<16xf32>,
      %gather3A_1180 = tpu.vector_load_idx %arg9[%add3A_89, %and3A_1146] : memref<160x32xf32, #tpu.memory_space<vmem>>[vector<16xi32>, vector<16xi32>], vector<16xf32>,
      %add3A_1181 = arith.addf %gather3A_1179, %gather3A_1180 : vector<16xf32>
      %max3A_1182 = arith.constant 0.000000e+00 : f32
      %max3A_1183 = vector.broadcast %max3A_1182 : f32 to vector<16xf32>
      %max3A_1184 = arith.maximumf %add3A_1181, %max3A_1183 : vector<16xf32>
      %mul3A_1185 = arith.mulf %max3A_1184, %get3A_1140 : vector<16xf32>
      %add3A_1186 = arith.addf %add3A_1136, %mul3A_1185 : vector<16xf32>
      %get3A_1187 = arith.constant 22 : i32
      %get3A_1188 = arith.index_cast %get3A_1187 : i32 to index
      %get3A_1189 = arith.constant 0 : index
      %get3A_1190 = tpu.vector_load %arg10[%get3A_1188, %get3A_1189] {strides = array<i32>} : memref<33x16xf32, #tpu.memory_space<vmem>>, vector<16xf32>,
      %add3A_1191 = arith.constant 22 : i32
      %add3A_1192 = vector.broadcast %add3A_1191 : i32 to vector<16xi32>
      %add3A_1193 = arith.addi %iota3A, %add3A_1192 : vector<16xi32>
      %and3A_1194 = arith.constant 31 : i32
      %and3A_1195 = vector.broadcast %and3A_1194 : i32 to vector<16xi32>
      %and3A_1196 = arith.andi %add3A_1193, %and3A_1195 : vector<16xi32>
      %gather3A_1197 = tpu.vector_load_idx %arg8[%add3A_61, %and3A_1196] : memref<160x32xf32, #tpu.memory_space<vmem>>[vector<16xi32>, vector<16xi32>], vector<16xf32>,
      %gather3A_1198 = tpu.vector_load_idx %arg9[%add3A_61, %and3A_1196] : memref<160x32xf32, #tpu.memory_space<vmem>>[vector<16xi32>, vector<16xi32>], vector<16xf32>,
      %add3A_1199 = arith.addf %gather3A_1197, %gather3A_1198 : vector<16xf32>
      %max3A_1200 = arith.constant 0.000000e+00 : f32
      %max3A_1201 = vector.broadcast %max3A_1200 : f32 to vector<16xf32>
      %max3A_1202 = arith.maximumf %add3A_1199, %max3A_1201 : vector<16xf32>
      %mul3A_1203 = arith.mulf %max3A_1202, %get3A_1190 : vector<16xf32>
      %add3A_1204 = arith.addf %add3A_1154, %mul3A_1203 : vector<16xf32>
      %gather3A_1205 = tpu.vector_load_idx %arg8[%add3A_68, %and3A_1196] : memref<160x32xf32, #tpu.memory_space<vmem>>[vector<16xi32>, vector<16xi32>], vector<16xf32>,
      %gather3A_1206 = tpu.vector_load_idx %arg9[%add3A_68, %and3A_1196] : memref<160x32xf32, #tpu.memory_space<vmem>>[vector<16xi32>, vector<16xi32>], vector<16xf32>,
      %add3A_1207 = arith.addf %gather3A_1205, %gather3A_1206 : vector<16xf32>
      %max3A_1208 = arith.constant 0.000000e+00 : f32
      %max3A_1209 = vector.broadcast %max3A_1208 : f32 to vector<16xf32>
      %max3A_1210 = arith.maximumf %add3A_1207, %max3A_1209 : vector<16xf32>
      %mul3A_1211 = arith.mulf %max3A_1210, %get3A_1190 : vector<16xf32>
      %add3A_1212 = arith.addf %add3A_1162, %mul3A_1211 : vector<16xf32>
      %gather3A_1213 = tpu.vector_load_idx %arg8[%add3A_75, %and3A_1196] : memref<160x32xf32, #tpu.memory_space<vmem>>[vector<16xi32>, vector<16xi32>], vector<16xf32>,
      %gather3A_1214 = tpu.vector_load_idx %arg9[%add3A_75, %and3A_1196] : memref<160x32xf32, #tpu.memory_space<vmem>>[vector<16xi32>, vector<16xi32>], vector<16xf32>,
      %add3A_1215 = arith.addf %gather3A_1213, %gather3A_1214 : vector<16xf32>
      %max3A_1216 = arith.constant 0.000000e+00 : f32
      %max3A_1217 = vector.broadcast %max3A_1216 : f32 to vector<16xf32>
      %max3A_1218 = arith.maximumf %add3A_1215, %max3A_1217 : vector<16xf32>
      %mul3A_1219 = arith.mulf %max3A_1218, %get3A_1190 : vector<16xf32>
      %add3A_1220 = arith.addf %add3A_1170, %mul3A_1219 : vector<16xf32>
      %gather3A_1221 = tpu.vector_load_idx %arg8[%add3A_82, %and3A_1196] : memref<160x32xf32, #tpu.memory_space<vmem>>[vector<16xi32>, vector<16xi32>], vector<16xf32>,
      %gather3A_1222 = tpu.vector_load_idx %arg9[%add3A_82, %and3A_1196] : memref<160x32xf32, #tpu.memory_space<vmem>>[vector<16xi32>, vector<16xi32>], vector<16xf32>,
      %add3A_1223 = arith.addf %gather3A_1221, %gather3A_1222 : vector<16xf32>
      %max3A_1224 = arith.constant 0.000000e+00 : f32
      %max3A_1225 = vector.broadcast %max3A_1224 : f32 to vector<16xf32>
      %max3A_1226 = arith.maximumf %add3A_1223, %max3A_1225 : vector<16xf32>
      %mul3A_1227 = arith.mulf %max3A_1226, %get3A_1190 : vector<16xf32>
      %add3A_1228 = arith.addf %add3A_1178, %mul3A_1227 : vector<16xf32>
      %gather3A_1229 = tpu.vector_load_idx %arg8[%add3A_89, %and3A_1196] : memref<160x32xf32, #tpu.memory_space<vmem>>[vector<16xi32>, vector<16xi32>], vector<16xf32>,
      %gather3A_1230 = tpu.vector_load_idx %arg9[%add3A_89, %and3A_1196] : memref<160x32xf32, #tpu.memory_space<vmem>>[vector<16xi32>, vector<16xi32>], vector<16xf32>,
      %add3A_1231 = arith.addf %gather3A_1229, %gather3A_1230 : vector<16xf32>
      %max3A_1232 = arith.constant 0.000000e+00 : f32
      %max3A_1233 = vector.broadcast %max3A_1232 : f32 to vector<16xf32>
      %max3A_1234 = arith.maximumf %add3A_1231, %max3A_1233 : vector<16xf32>
      %mul3A_1235 = arith.mulf %max3A_1234, %get3A_1190 : vector<16xf32>
      %add3A_1236 = arith.addf %add3A_1186, %mul3A_1235 : vector<16xf32>
      %get3A_1237 = arith.constant 23 : i32
      %get3A_1238 = arith.index_cast %get3A_1237 : i32 to index
      %get3A_1239 = arith.constant 0 : index
      %get3A_1240 = tpu.vector_load %arg10[%get3A_1238, %get3A_1239] {strides = array<i32>} : memref<33x16xf32, #tpu.memory_space<vmem>>, vector<16xf32>,
      %add3A_1241 = arith.constant 23 : i32
      %add3A_1242 = vector.broadcast %add3A_1241 : i32 to vector<16xi32>
      %add3A_1243 = arith.addi %iota3A, %add3A_1242 : vector<16xi32>
      %and3A_1244 = arith.constant 31 : i32
      %and3A_1245 = vector.broadcast %and3A_1244 : i32 to vector<16xi32>
      %and3A_1246 = arith.andi %add3A_1243, %and3A_1245 : vector<16xi32>
      %gather3A_1247 = tpu.vector_load_idx %arg8[%add3A_61, %and3A_1246] : memref<160x32xf32, #tpu.memory_space<vmem>>[vector<16xi32>, vector<16xi32>], vector<16xf32>,
      %gather3A_1248 = tpu.vector_load_idx %arg9[%add3A_61, %and3A_1246] : memref<160x32xf32, #tpu.memory_space<vmem>>[vector<16xi32>, vector<16xi32>], vector<16xf32>,
      %add3A_1249 = arith.addf %gather3A_1247, %gather3A_1248 : vector<16xf32>
      %max3A_1250 = arith.constant 0.000000e+00 : f32
      %max3A_1251 = vector.broadcast %max3A_1250 : f32 to vector<16xf32>
      %max3A_1252 = arith.maximumf %add3A_1249, %max3A_1251 : vector<16xf32>
      %mul3A_1253 = arith.mulf %max3A_1252, %get3A_1240 : vector<16xf32>
      %add3A_1254 = arith.addf %add3A_1204, %mul3A_1253 : vector<16xf32>
      %gather3A_1255 = tpu.vector_load_idx %arg8[%add3A_68, %and3A_1246] : memref<160x32xf32, #tpu.memory_space<vmem>>[vector<16xi32>, vector<16xi32>], vector<16xf32>,
      %gather3A_1256 = tpu.vector_load_idx %arg9[%add3A_68, %and3A_1246] : memref<160x32xf32, #tpu.memory_space<vmem>>[vector<16xi32>, vector<16xi32>], vector<16xf32>,
      %add3A_1257 = arith.addf %gather3A_1255, %gather3A_1256 : vector<16xf32>
      %max3A_1258 = arith.constant 0.000000e+00 : f32
      %max3A_1259 = vector.broadcast %max3A_1258 : f32 to vector<16xf32>
      %max3A_1260 = arith.maximumf %add3A_1257, %max3A_1259 : vector<16xf32>
      %mul3A_1261 = arith.mulf %max3A_1260, %get3A_1240 : vector<16xf32>
      %add3A_1262 = arith.addf %add3A_1212, %mul3A_1261 : vector<16xf32>
      %gather3A_1263 = tpu.vector_load_idx %arg8[%add3A_75, %and3A_1246] : memref<160x32xf32, #tpu.memory_space<vmem>>[vector<16xi32>, vector<16xi32>], vector<16xf32>,
      %gather3A_1264 = tpu.vector_load_idx %arg9[%add3A_75, %and3A_1246] : memref<160x32xf32, #tpu.memory_space<vmem>>[vector<16xi32>, vector<16xi32>], vector<16xf32>,
      %add3A_1265 = arith.addf %gather3A_1263, %gather3A_1264 : vector<16xf32>
      %max3A_1266 = arith.constant 0.000000e+00 : f32
      %max3A_1267 = vector.broadcast %max3A_1266 : f32 to vector<16xf32>
      %max3A_1268 = arith.maximumf %add3A_1265, %max3A_1267 : vector<16xf32>
      %mul3A_1269 = arith.mulf %max3A_1268, %get3A_1240 : vector<16xf32>
      %add3A_1270 = arith.addf %add3A_1220, %mul3A_1269 : vector<16xf32>
      %gather3A_1271 = tpu.vector_load_idx %arg8[%add3A_82, %and3A_1246] : memref<160x32xf32, #tpu.memory_space<vmem>>[vector<16xi32>, vector<16xi32>], vector<16xf32>,
      %gather3A_1272 = tpu.vector_load_idx %arg9[%add3A_82, %and3A_1246] : memref<160x32xf32, #tpu.memory_space<vmem>>[vector<16xi32>, vector<16xi32>], vector<16xf32>,
      %add3A_1273 = arith.addf %gather3A_1271, %gather3A_1272 : vector<16xf32>
      %max3A_1274 = arith.constant 0.000000e+00 : f32
      %max3A_1275 = vector.broadcast %max3A_1274 : f32 to vector<16xf32>
      %max3A_1276 = arith.maximumf %add3A_1273, %max3A_1275 : vector<16xf32>
      %mul3A_1277 = arith.mulf %max3A_1276, %get3A_1240 : vector<16xf32>
      %add3A_1278 = arith.addf %add3A_1228, %mul3A_1277 : vector<16xf32>
      %gather3A_1279 = tpu.vector_load_idx %arg8[%add3A_89, %and3A_1246] : memref<160x32xf32, #tpu.memory_space<vmem>>[vector<16xi32>, vector<16xi32>], vector<16xf32>,
      %gather3A_1280 = tpu.vector_load_idx %arg9[%add3A_89, %and3A_1246] : memref<160x32xf32, #tpu.memory_space<vmem>>[vector<16xi32>, vector<16xi32>], vector<16xf32>,
      %add3A_1281 = arith.addf %gather3A_1279, %gather3A_1280 : vector<16xf32>
      %max3A_1282 = arith.constant 0.000000e+00 : f32
      %max3A_1283 = vector.broadcast %max3A_1282 : f32 to vector<16xf32>
      %max3A_1284 = arith.maximumf %add3A_1281, %max3A_1283 : vector<16xf32>
      %mul3A_1285 = arith.mulf %max3A_1284, %get3A_1240 : vector<16xf32>
      %add3A_1286 = arith.addf %add3A_1236, %mul3A_1285 : vector<16xf32>
      %get3A_1287 = arith.constant 24 : i32
      %get3A_1288 = arith.index_cast %get3A_1287 : i32 to index
      %get3A_1289 = arith.constant 0 : index
      %get3A_1290 = tpu.vector_load %arg10[%get3A_1288, %get3A_1289] {strides = array<i32>} : memref<33x16xf32, #tpu.memory_space<vmem>>, vector<16xf32>,
      %add3A_1291 = arith.constant 24 : i32
      %add3A_1292 = vector.broadcast %add3A_1291 : i32 to vector<16xi32>
      %add3A_1293 = arith.addi %iota3A, %add3A_1292 : vector<16xi32>
      %and3A_1294 = arith.constant 31 : i32
      %and3A_1295 = vector.broadcast %and3A_1294 : i32 to vector<16xi32>
      %and3A_1296 = arith.andi %add3A_1293, %and3A_1295 : vector<16xi32>
      %gather3A_1297 = tpu.vector_load_idx %arg8[%add3A_61, %and3A_1296] : memref<160x32xf32, #tpu.memory_space<vmem>>[vector<16xi32>, vector<16xi32>], vector<16xf32>,
      %gather3A_1298 = tpu.vector_load_idx %arg9[%add3A_61, %and3A_1296] : memref<160x32xf32, #tpu.memory_space<vmem>>[vector<16xi32>, vector<16xi32>], vector<16xf32>,
      %add3A_1299 = arith.addf %gather3A_1297, %gather3A_1298 : vector<16xf32>
      %max3A_1300 = arith.constant 0.000000e+00 : f32
      %max3A_1301 = vector.broadcast %max3A_1300 : f32 to vector<16xf32>
      %max3A_1302 = arith.maximumf %add3A_1299, %max3A_1301 : vector<16xf32>
      %mul3A_1303 = arith.mulf %max3A_1302, %get3A_1290 : vector<16xf32>
      %add3A_1304 = arith.addf %add3A_1254, %mul3A_1303 : vector<16xf32>
      %gather3A_1305 = tpu.vector_load_idx %arg8[%add3A_68, %and3A_1296] : memref<160x32xf32, #tpu.memory_space<vmem>>[vector<16xi32>, vector<16xi32>], vector<16xf32>,
      %gather3A_1306 = tpu.vector_load_idx %arg9[%add3A_68, %and3A_1296] : memref<160x32xf32, #tpu.memory_space<vmem>>[vector<16xi32>, vector<16xi32>], vector<16xf32>,
      %add3A_1307 = arith.addf %gather3A_1305, %gather3A_1306 : vector<16xf32>
      %max3A_1308 = arith.constant 0.000000e+00 : f32
      %max3A_1309 = vector.broadcast %max3A_1308 : f32 to vector<16xf32>
      %max3A_1310 = arith.maximumf %add3A_1307, %max3A_1309 : vector<16xf32>
      %mul3A_1311 = arith.mulf %max3A_1310, %get3A_1290 : vector<16xf32>
      %add3A_1312 = arith.addf %add3A_1262, %mul3A_1311 : vector<16xf32>
      %gather3A_1313 = tpu.vector_load_idx %arg8[%add3A_75, %and3A_1296] : memref<160x32xf32, #tpu.memory_space<vmem>>[vector<16xi32>, vector<16xi32>], vector<16xf32>,
      %gather3A_1314 = tpu.vector_load_idx %arg9[%add3A_75, %and3A_1296] : memref<160x32xf32, #tpu.memory_space<vmem>>[vector<16xi32>, vector<16xi32>], vector<16xf32>,
      %add3A_1315 = arith.addf %gather3A_1313, %gather3A_1314 : vector<16xf32>
      %max3A_1316 = arith.constant 0.000000e+00 : f32
      %max3A_1317 = vector.broadcast %max3A_1316 : f32 to vector<16xf32>
      %max3A_1318 = arith.maximumf %add3A_1315, %max3A_1317 : vector<16xf32>
      %mul3A_1319 = arith.mulf %max3A_1318, %get3A_1290 : vector<16xf32>
      %add3A_1320 = arith.addf %add3A_1270, %mul3A_1319 : vector<16xf32>
      %gather3A_1321 = tpu.vector_load_idx %arg8[%add3A_82, %and3A_1296] : memref<160x32xf32, #tpu.memory_space<vmem>>[vector<16xi32>, vector<16xi32>], vector<16xf32>,
      %gather3A_1322 = tpu.vector_load_idx %arg9[%add3A_82, %and3A_1296] : memref<160x32xf32, #tpu.memory_space<vmem>>[vector<16xi32>, vector<16xi32>], vector<16xf32>,
      %add3A_1323 = arith.addf %gather3A_1321, %gather3A_1322 : vector<16xf32>
      %max3A_1324 = arith.constant 0.000000e+00 : f32
      %max3A_1325 = vector.broadcast %max3A_1324 : f32 to vector<16xf32>
      %max3A_1326 = arith.maximumf %add3A_1323, %max3A_1325 : vector<16xf32>
      %mul3A_1327 = arith.mulf %max3A_1326, %get3A_1290 : vector<16xf32>
      %add3A_1328 = arith.addf %add3A_1278, %mul3A_1327 : vector<16xf32>
      %gather3A_1329 = tpu.vector_load_idx %arg8[%add3A_89, %and3A_1296] : memref<160x32xf32, #tpu.memory_space<vmem>>[vector<16xi32>, vector<16xi32>], vector<16xf32>,
      %gather3A_1330 = tpu.vector_load_idx %arg9[%add3A_89, %and3A_1296] : memref<160x32xf32, #tpu.memory_space<vmem>>[vector<16xi32>, vector<16xi32>], vector<16xf32>,
      %add3A_1331 = arith.addf %gather3A_1329, %gather3A_1330 : vector<16xf32>
      %max3A_1332 = arith.constant 0.000000e+00 : f32
      %max3A_1333 = vector.broadcast %max3A_1332 : f32 to vector<16xf32>
      %max3A_1334 = arith.maximumf %add3A_1331, %max3A_1333 : vector<16xf32>
      %mul3A_1335 = arith.mulf %max3A_1334, %get3A_1290 : vector<16xf32>
      %add3A_1336 = arith.addf %add3A_1286, %mul3A_1335 : vector<16xf32>
      %get3A_1337 = arith.constant 25 : i32
      %get3A_1338 = arith.index_cast %get3A_1337 : i32 to index
      %get3A_1339 = arith.constant 0 : index
      %get3A_1340 = tpu.vector_load %arg10[%get3A_1338, %get3A_1339] {strides = array<i32>} : memref<33x16xf32, #tpu.memory_space<vmem>>, vector<16xf32>,
      %add3A_1341 = arith.constant 25 : i32
      %add3A_1342 = vector.broadcast %add3A_1341 : i32 to vector<16xi32>
      %add3A_1343 = arith.addi %iota3A, %add3A_1342 : vector<16xi32>
      %and3A_1344 = arith.constant 31 : i32
      %and3A_1345 = vector.broadcast %and3A_1344 : i32 to vector<16xi32>
      %and3A_1346 = arith.andi %add3A_1343, %and3A_1345 : vector<16xi32>
      %gather3A_1347 = tpu.vector_load_idx %arg8[%add3A_61, %and3A_1346] : memref<160x32xf32, #tpu.memory_space<vmem>>[vector<16xi32>, vector<16xi32>], vector<16xf32>,
      %gather3A_1348 = tpu.vector_load_idx %arg9[%add3A_61, %and3A_1346] : memref<160x32xf32, #tpu.memory_space<vmem>>[vector<16xi32>, vector<16xi32>], vector<16xf32>,
      %add3A_1349 = arith.addf %gather3A_1347, %gather3A_1348 : vector<16xf32>
      %max3A_1350 = arith.constant 0.000000e+00 : f32
      %max3A_1351 = vector.broadcast %max3A_1350 : f32 to vector<16xf32>
      %max3A_1352 = arith.maximumf %add3A_1349, %max3A_1351 : vector<16xf32>
      %mul3A_1353 = arith.mulf %max3A_1352, %get3A_1340 : vector<16xf32>
      %add3A_1354 = arith.addf %add3A_1304, %mul3A_1353 : vector<16xf32>
      %gather3A_1355 = tpu.vector_load_idx %arg8[%add3A_68, %and3A_1346] : memref<160x32xf32, #tpu.memory_space<vmem>>[vector<16xi32>, vector<16xi32>], vector<16xf32>,
      %gather3A_1356 = tpu.vector_load_idx %arg9[%add3A_68, %and3A_1346] : memref<160x32xf32, #tpu.memory_space<vmem>>[vector<16xi32>, vector<16xi32>], vector<16xf32>,
      %add3A_1357 = arith.addf %gather3A_1355, %gather3A_1356 : vector<16xf32>
      %max3A_1358 = arith.constant 0.000000e+00 : f32
      %max3A_1359 = vector.broadcast %max3A_1358 : f32 to vector<16xf32>
      %max3A_1360 = arith.maximumf %add3A_1357, %max3A_1359 : vector<16xf32>
      %mul3A_1361 = arith.mulf %max3A_1360, %get3A_1340 : vector<16xf32>
      %add3A_1362 = arith.addf %add3A_1312, %mul3A_1361 : vector<16xf32>
      %gather3A_1363 = tpu.vector_load_idx %arg8[%add3A_75, %and3A_1346] : memref<160x32xf32, #tpu.memory_space<vmem>>[vector<16xi32>, vector<16xi32>], vector<16xf32>,
      %gather3A_1364 = tpu.vector_load_idx %arg9[%add3A_75, %and3A_1346] : memref<160x32xf32, #tpu.memory_space<vmem>>[vector<16xi32>, vector<16xi32>], vector<16xf32>,
      %add3A_1365 = arith.addf %gather3A_1363, %gather3A_1364 : vector<16xf32>
      %max3A_1366 = arith.constant 0.000000e+00 : f32
      %max3A_1367 = vector.broadcast %max3A_1366 : f32 to vector<16xf32>
      %max3A_1368 = arith.maximumf %add3A_1365, %max3A_1367 : vector<16xf32>
      %mul3A_1369 = arith.mulf %max3A_1368, %get3A_1340 : vector<16xf32>
      %add3A_1370 = arith.addf %add3A_1320, %mul3A_1369 : vector<16xf32>
      %gather3A_1371 = tpu.vector_load_idx %arg8[%add3A_82, %and3A_1346] : memref<160x32xf32, #tpu.memory_space<vmem>>[vector<16xi32>, vector<16xi32>], vector<16xf32>,
      %gather3A_1372 = tpu.vector_load_idx %arg9[%add3A_82, %and3A_1346] : memref<160x32xf32, #tpu.memory_space<vmem>>[vector<16xi32>, vector<16xi32>], vector<16xf32>,
      %add3A_1373 = arith.addf %gather3A_1371, %gather3A_1372 : vector<16xf32>
      %max3A_1374 = arith.constant 0.000000e+00 : f32
      %max3A_1375 = vector.broadcast %max3A_1374 : f32 to vector<16xf32>
      %max3A_1376 = arith.maximumf %add3A_1373, %max3A_1375 : vector<16xf32>
      %mul3A_1377 = arith.mulf %max3A_1376, %get3A_1340 : vector<16xf32>
      %add3A_1378 = arith.addf %add3A_1328, %mul3A_1377 : vector<16xf32>
      %gather3A_1379 = tpu.vector_load_idx %arg8[%add3A_89, %and3A_1346] : memref<160x32xf32, #tpu.memory_space<vmem>>[vector<16xi32>, vector<16xi32>], vector<16xf32>,
      %gather3A_1380 = tpu.vector_load_idx %arg9[%add3A_89, %and3A_1346] : memref<160x32xf32, #tpu.memory_space<vmem>>[vector<16xi32>, vector<16xi32>], vector<16xf32>,
      %add3A_1381 = arith.addf %gather3A_1379, %gather3A_1380 : vector<16xf32>
      %max3A_1382 = arith.constant 0.000000e+00 : f32
      %max3A_1383 = vector.broadcast %max3A_1382 : f32 to vector<16xf32>
      %max3A_1384 = arith.maximumf %add3A_1381, %max3A_1383 : vector<16xf32>
      %mul3A_1385 = arith.mulf %max3A_1384, %get3A_1340 : vector<16xf32>
      %add3A_1386 = arith.addf %add3A_1336, %mul3A_1385 : vector<16xf32>
      %get3A_1387 = arith.constant 26 : i32
      %get3A_1388 = arith.index_cast %get3A_1387 : i32 to index
      %get3A_1389 = arith.constant 0 : index
      %get3A_1390 = tpu.vector_load %arg10[%get3A_1388, %get3A_1389] {strides = array<i32>} : memref<33x16xf32, #tpu.memory_space<vmem>>, vector<16xf32>,
      %add3A_1391 = arith.constant 26 : i32
      %add3A_1392 = vector.broadcast %add3A_1391 : i32 to vector<16xi32>
      %add3A_1393 = arith.addi %iota3A, %add3A_1392 : vector<16xi32>
      %and3A_1394 = arith.constant 31 : i32
      %and3A_1395 = vector.broadcast %and3A_1394 : i32 to vector<16xi32>
      %and3A_1396 = arith.andi %add3A_1393, %and3A_1395 : vector<16xi32>
      %gather3A_1397 = tpu.vector_load_idx %arg8[%add3A_61, %and3A_1396] : memref<160x32xf32, #tpu.memory_space<vmem>>[vector<16xi32>, vector<16xi32>], vector<16xf32>,
      %gather3A_1398 = tpu.vector_load_idx %arg9[%add3A_61, %and3A_1396] : memref<160x32xf32, #tpu.memory_space<vmem>>[vector<16xi32>, vector<16xi32>], vector<16xf32>,
      %add3A_1399 = arith.addf %gather3A_1397, %gather3A_1398 : vector<16xf32>
      %max3A_1400 = arith.constant 0.000000e+00 : f32
      %max3A_1401 = vector.broadcast %max3A_1400 : f32 to vector<16xf32>
      %max3A_1402 = arith.maximumf %add3A_1399, %max3A_1401 : vector<16xf32>
      %mul3A_1403 = arith.mulf %max3A_1402, %get3A_1390 : vector<16xf32>
      %add3A_1404 = arith.addf %add3A_1354, %mul3A_1403 : vector<16xf32>
      %gather3A_1405 = tpu.vector_load_idx %arg8[%add3A_68, %and3A_1396] : memref<160x32xf32, #tpu.memory_space<vmem>>[vector<16xi32>, vector<16xi32>], vector<16xf32>,
      %gather3A_1406 = tpu.vector_load_idx %arg9[%add3A_68, %and3A_1396] : memref<160x32xf32, #tpu.memory_space<vmem>>[vector<16xi32>, vector<16xi32>], vector<16xf32>,
      %add3A_1407 = arith.addf %gather3A_1405, %gather3A_1406 : vector<16xf32>
      %max3A_1408 = arith.constant 0.000000e+00 : f32
      %max3A_1409 = vector.broadcast %max3A_1408 : f32 to vector<16xf32>
      %max3A_1410 = arith.maximumf %add3A_1407, %max3A_1409 : vector<16xf32>
      %mul3A_1411 = arith.mulf %max3A_1410, %get3A_1390 : vector<16xf32>
      %add3A_1412 = arith.addf %add3A_1362, %mul3A_1411 : vector<16xf32>
      %gather3A_1413 = tpu.vector_load_idx %arg8[%add3A_75, %and3A_1396] : memref<160x32xf32, #tpu.memory_space<vmem>>[vector<16xi32>, vector<16xi32>], vector<16xf32>,
      %gather3A_1414 = tpu.vector_load_idx %arg9[%add3A_75, %and3A_1396] : memref<160x32xf32, #tpu.memory_space<vmem>>[vector<16xi32>, vector<16xi32>], vector<16xf32>,
      %add3A_1415 = arith.addf %gather3A_1413, %gather3A_1414 : vector<16xf32>
      %max3A_1416 = arith.constant 0.000000e+00 : f32
      %max3A_1417 = vector.broadcast %max3A_1416 : f32 to vector<16xf32>
      %max3A_1418 = arith.maximumf %add3A_1415, %max3A_1417 : vector<16xf32>
      %mul3A_1419 = arith.mulf %max3A_1418, %get3A_1390 : vector<16xf32>
      %add3A_1420 = arith.addf %add3A_1370, %mul3A_1419 : vector<16xf32>
      %gather3A_1421 = tpu.vector_load_idx %arg8[%add3A_82, %and3A_1396] : memref<160x32xf32, #tpu.memory_space<vmem>>[vector<16xi32>, vector<16xi32>], vector<16xf32>,
      %gather3A_1422 = tpu.vector_load_idx %arg9[%add3A_82, %and3A_1396] : memref<160x32xf32, #tpu.memory_space<vmem>>[vector<16xi32>, vector<16xi32>], vector<16xf32>,
      %add3A_1423 = arith.addf %gather3A_1421, %gather3A_1422 : vector<16xf32>
      %max3A_1424 = arith.constant 0.000000e+00 : f32
      %max3A_1425 = vector.broadcast %max3A_1424 : f32 to vector<16xf32>
      %max3A_1426 = arith.maximumf %add3A_1423, %max3A_1425 : vector<16xf32>
      %mul3A_1427 = arith.mulf %max3A_1426, %get3A_1390 : vector<16xf32>
      %add3A_1428 = arith.addf %add3A_1378, %mul3A_1427 : vector<16xf32>
      %gather3A_1429 = tpu.vector_load_idx %arg8[%add3A_89, %and3A_1396] : memref<160x32xf32, #tpu.memory_space<vmem>>[vector<16xi32>, vector<16xi32>], vector<16xf32>,
      %gather3A_1430 = tpu.vector_load_idx %arg9[%add3A_89, %and3A_1396] : memref<160x32xf32, #tpu.memory_space<vmem>>[vector<16xi32>, vector<16xi32>], vector<16xf32>,
      %add3A_1431 = arith.addf %gather3A_1429, %gather3A_1430 : vector<16xf32>
      %max3A_1432 = arith.constant 0.000000e+00 : f32
      %max3A_1433 = vector.broadcast %max3A_1432 : f32 to vector<16xf32>
      %max3A_1434 = arith.maximumf %add3A_1431, %max3A_1433 : vector<16xf32>
      %mul3A_1435 = arith.mulf %max3A_1434, %get3A_1390 : vector<16xf32>
      %add3A_1436 = arith.addf %add3A_1386, %mul3A_1435 : vector<16xf32>
      %get3A_1437 = arith.constant 27 : i32
      %get3A_1438 = arith.index_cast %get3A_1437 : i32 to index
      %get3A_1439 = arith.constant 0 : index
      %get3A_1440 = tpu.vector_load %arg10[%get3A_1438, %get3A_1439] {strides = array<i32>} : memref<33x16xf32, #tpu.memory_space<vmem>>, vector<16xf32>,
      %add3A_1441 = arith.constant 27 : i32
      %add3A_1442 = vector.broadcast %add3A_1441 : i32 to vector<16xi32>
      %add3A_1443 = arith.addi %iota3A, %add3A_1442 : vector<16xi32>
      %and3A_1444 = arith.constant 31 : i32
      %and3A_1445 = vector.broadcast %and3A_1444 : i32 to vector<16xi32>
      %and3A_1446 = arith.andi %add3A_1443, %and3A_1445 : vector<16xi32>
      %gather3A_1447 = tpu.vector_load_idx %arg8[%add3A_61, %and3A_1446] : memref<160x32xf32, #tpu.memory_space<vmem>>[vector<16xi32>, vector<16xi32>], vector<16xf32>,
      %gather3A_1448 = tpu.vector_load_idx %arg9[%add3A_61, %and3A_1446] : memref<160x32xf32, #tpu.memory_space<vmem>>[vector<16xi32>, vector<16xi32>], vector<16xf32>,
      %add3A_1449 = arith.addf %gather3A_1447, %gather3A_1448 : vector<16xf32>
      %max3A_1450 = arith.constant 0.000000e+00 : f32
      %max3A_1451 = vector.broadcast %max3A_1450 : f32 to vector<16xf32>
      %max3A_1452 = arith.maximumf %add3A_1449, %max3A_1451 : vector<16xf32>
      %mul3A_1453 = arith.mulf %max3A_1452, %get3A_1440 : vector<16xf32>
      %add3A_1454 = arith.addf %add3A_1404, %mul3A_1453 : vector<16xf32>
      %gather3A_1455 = tpu.vector_load_idx %arg8[%add3A_68, %and3A_1446] : memref<160x32xf32, #tpu.memory_space<vmem>>[vector<16xi32>, vector<16xi32>], vector<16xf32>,
      %gather3A_1456 = tpu.vector_load_idx %arg9[%add3A_68, %and3A_1446] : memref<160x32xf32, #tpu.memory_space<vmem>>[vector<16xi32>, vector<16xi32>], vector<16xf32>,
      %add3A_1457 = arith.addf %gather3A_1455, %gather3A_1456 : vector<16xf32>
      %max3A_1458 = arith.constant 0.000000e+00 : f32
      %max3A_1459 = vector.broadcast %max3A_1458 : f32 to vector<16xf32>
      %max3A_1460 = arith.maximumf %add3A_1457, %max3A_1459 : vector<16xf32>
      %mul3A_1461 = arith.mulf %max3A_1460, %get3A_1440 : vector<16xf32>
      %add3A_1462 = arith.addf %add3A_1412, %mul3A_1461 : vector<16xf32>
      %gather3A_1463 = tpu.vector_load_idx %arg8[%add3A_75, %and3A_1446] : memref<160x32xf32, #tpu.memory_space<vmem>>[vector<16xi32>, vector<16xi32>], vector<16xf32>,
      %gather3A_1464 = tpu.vector_load_idx %arg9[%add3A_75, %and3A_1446] : memref<160x32xf32, #tpu.memory_space<vmem>>[vector<16xi32>, vector<16xi32>], vector<16xf32>,
      %add3A_1465 = arith.addf %gather3A_1463, %gather3A_1464 : vector<16xf32>
      %max3A_1466 = arith.constant 0.000000e+00 : f32
      %max3A_1467 = vector.broadcast %max3A_1466 : f32 to vector<16xf32>
      %max3A_1468 = arith.maximumf %add3A_1465, %max3A_1467 : vector<16xf32>
      %mul3A_1469 = arith.mulf %max3A_1468, %get3A_1440 : vector<16xf32>
      %add3A_1470 = arith.addf %add3A_1420, %mul3A_1469 : vector<16xf32>
      %gather3A_1471 = tpu.vector_load_idx %arg8[%add3A_82, %and3A_1446] : memref<160x32xf32, #tpu.memory_space<vmem>>[vector<16xi32>, vector<16xi32>], vector<16xf32>,
      %gather3A_1472 = tpu.vector_load_idx %arg9[%add3A_82, %and3A_1446] : memref<160x32xf32, #tpu.memory_space<vmem>>[vector<16xi32>, vector<16xi32>], vector<16xf32>,
      %add3A_1473 = arith.addf %gather3A_1471, %gather3A_1472 : vector<16xf32>
      %max3A_1474 = arith.constant 0.000000e+00 : f32
      %max3A_1475 = vector.broadcast %max3A_1474 : f32 to vector<16xf32>
      %max3A_1476 = arith.maximumf %add3A_1473, %max3A_1475 : vector<16xf32>
      %mul3A_1477 = arith.mulf %max3A_1476, %get3A_1440 : vector<16xf32>
      %add3A_1478 = arith.addf %add3A_1428, %mul3A_1477 : vector<16xf32>
      %gather3A_1479 = tpu.vector_load_idx %arg8[%add3A_89, %and3A_1446] : memref<160x32xf32, #tpu.memory_space<vmem>>[vector<16xi32>, vector<16xi32>], vector<16xf32>,
      %gather3A_1480 = tpu.vector_load_idx %arg9[%add3A_89, %and3A_1446] : memref<160x32xf32, #tpu.memory_space<vmem>>[vector<16xi32>, vector<16xi32>], vector<16xf32>,
      %add3A_1481 = arith.addf %gather3A_1479, %gather3A_1480 : vector<16xf32>
      %max3A_1482 = arith.constant 0.000000e+00 : f32
      %max3A_1483 = vector.broadcast %max3A_1482 : f32 to vector<16xf32>
      %max3A_1484 = arith.maximumf %add3A_1481, %max3A_1483 : vector<16xf32>
      %mul3A_1485 = arith.mulf %max3A_1484, %get3A_1440 : vector<16xf32>
      %add3A_1486 = arith.addf %add3A_1436, %mul3A_1485 : vector<16xf32>
      %get3A_1487 = arith.constant 28 : i32
      %get3A_1488 = arith.index_cast %get3A_1487 : i32 to index
      %get3A_1489 = arith.constant 0 : index
      %get3A_1490 = tpu.vector_load %arg10[%get3A_1488, %get3A_1489] {strides = array<i32>} : memref<33x16xf32, #tpu.memory_space<vmem>>, vector<16xf32>,
      %add3A_1491 = arith.constant 28 : i32
      %add3A_1492 = vector.broadcast %add3A_1491 : i32 to vector<16xi32>
      %add3A_1493 = arith.addi %iota3A, %add3A_1492 : vector<16xi32>
      %and3A_1494 = arith.constant 31 : i32
      %and3A_1495 = vector.broadcast %and3A_1494 : i32 to vector<16xi32>
      %and3A_1496 = arith.andi %add3A_1493, %and3A_1495 : vector<16xi32>
      %gather3A_1497 = tpu.vector_load_idx %arg8[%add3A_61, %and3A_1496] : memref<160x32xf32, #tpu.memory_space<vmem>>[vector<16xi32>, vector<16xi32>], vector<16xf32>,
      %gather3A_1498 = tpu.vector_load_idx %arg9[%add3A_61, %and3A_1496] : memref<160x32xf32, #tpu.memory_space<vmem>>[vector<16xi32>, vector<16xi32>], vector<16xf32>,
      %add3A_1499 = arith.addf %gather3A_1497, %gather3A_1498 : vector<16xf32>
      %max3A_1500 = arith.constant 0.000000e+00 : f32
      %max3A_1501 = vector.broadcast %max3A_1500 : f32 to vector<16xf32>
      %max3A_1502 = arith.maximumf %add3A_1499, %max3A_1501 : vector<16xf32>
      %mul3A_1503 = arith.mulf %max3A_1502, %get3A_1490 : vector<16xf32>
      %add3A_1504 = arith.addf %add3A_1454, %mul3A_1503 : vector<16xf32>
      %gather3A_1505 = tpu.vector_load_idx %arg8[%add3A_68, %and3A_1496] : memref<160x32xf32, #tpu.memory_space<vmem>>[vector<16xi32>, vector<16xi32>], vector<16xf32>,
      %gather3A_1506 = tpu.vector_load_idx %arg9[%add3A_68, %and3A_1496] : memref<160x32xf32, #tpu.memory_space<vmem>>[vector<16xi32>, vector<16xi32>], vector<16xf32>,
      %add3A_1507 = arith.addf %gather3A_1505, %gather3A_1506 : vector<16xf32>
      %max3A_1508 = arith.constant 0.000000e+00 : f32
      %max3A_1509 = vector.broadcast %max3A_1508 : f32 to vector<16xf32>
      %max3A_1510 = arith.maximumf %add3A_1507, %max3A_1509 : vector<16xf32>
      %mul3A_1511 = arith.mulf %max3A_1510, %get3A_1490 : vector<16xf32>
      %add3A_1512 = arith.addf %add3A_1462, %mul3A_1511 : vector<16xf32>
      %gather3A_1513 = tpu.vector_load_idx %arg8[%add3A_75, %and3A_1496] : memref<160x32xf32, #tpu.memory_space<vmem>>[vector<16xi32>, vector<16xi32>], vector<16xf32>,
      %gather3A_1514 = tpu.vector_load_idx %arg9[%add3A_75, %and3A_1496] : memref<160x32xf32, #tpu.memory_space<vmem>>[vector<16xi32>, vector<16xi32>], vector<16xf32>,
      %add3A_1515 = arith.addf %gather3A_1513, %gather3A_1514 : vector<16xf32>
      %max3A_1516 = arith.constant 0.000000e+00 : f32
      %max3A_1517 = vector.broadcast %max3A_1516 : f32 to vector<16xf32>
      %max3A_1518 = arith.maximumf %add3A_1515, %max3A_1517 : vector<16xf32>
      %mul3A_1519 = arith.mulf %max3A_1518, %get3A_1490 : vector<16xf32>
      %add3A_1520 = arith.addf %add3A_1470, %mul3A_1519 : vector<16xf32>
      %gather3A_1521 = tpu.vector_load_idx %arg8[%add3A_82, %and3A_1496] : memref<160x32xf32, #tpu.memory_space<vmem>>[vector<16xi32>, vector<16xi32>], vector<16xf32>,
      %gather3A_1522 = tpu.vector_load_idx %arg9[%add3A_82, %and3A_1496] : memref<160x32xf32, #tpu.memory_space<vmem>>[vector<16xi32>, vector<16xi32>], vector<16xf32>,
      %add3A_1523 = arith.addf %gather3A_1521, %gather3A_1522 : vector<16xf32>
      %max3A_1524 = arith.constant 0.000000e+00 : f32
      %max3A_1525 = vector.broadcast %max3A_1524 : f32 to vector<16xf32>
      %max3A_1526 = arith.maximumf %add3A_1523, %max3A_1525 : vector<16xf32>
      %mul3A_1527 = arith.mulf %max3A_1526, %get3A_1490 : vector<16xf32>
      %add3A_1528 = arith.addf %add3A_1478, %mul3A_1527 : vector<16xf32>
      %gather3A_1529 = tpu.vector_load_idx %arg8[%add3A_89, %and3A_1496] : memref<160x32xf32, #tpu.memory_space<vmem>>[vector<16xi32>, vector<16xi32>], vector<16xf32>,
      %gather3A_1530 = tpu.vector_load_idx %arg9[%add3A_89, %and3A_1496] : memref<160x32xf32, #tpu.memory_space<vmem>>[vector<16xi32>, vector<16xi32>], vector<16xf32>,
      %add3A_1531 = arith.addf %gather3A_1529, %gather3A_1530 : vector<16xf32>
      %max3A_1532 = arith.constant 0.000000e+00 : f32
      %max3A_1533 = vector.broadcast %max3A_1532 : f32 to vector<16xf32>
      %max3A_1534 = arith.maximumf %add3A_1531, %max3A_1533 : vector<16xf32>
      %mul3A_1535 = arith.mulf %max3A_1534, %get3A_1490 : vector<16xf32>
      %add3A_1536 = arith.addf %add3A_1486, %mul3A_1535 : vector<16xf32>
      %get3A_1537 = arith.constant 29 : i32
      %get3A_1538 = arith.index_cast %get3A_1537 : i32 to index
      %get3A_1539 = arith.constant 0 : index
      %get3A_1540 = tpu.vector_load %arg10[%get3A_1538, %get3A_1539] {strides = array<i32>} : memref<33x16xf32, #tpu.memory_space<vmem>>, vector<16xf32>,
      %add3A_1541 = arith.constant 29 : i32
      %add3A_1542 = vector.broadcast %add3A_1541 : i32 to vector<16xi32>
      %add3A_1543 = arith.addi %iota3A, %add3A_1542 : vector<16xi32>
      %and3A_1544 = arith.constant 31 : i32
      %and3A_1545 = vector.broadcast %and3A_1544 : i32 to vector<16xi32>
      %and3A_1546 = arith.andi %add3A_1543, %and3A_1545 : vector<16xi32>
      %gather3A_1547 = tpu.vector_load_idx %arg8[%add3A_61, %and3A_1546] : memref<160x32xf32, #tpu.memory_space<vmem>>[vector<16xi32>, vector<16xi32>], vector<16xf32>,
      %gather3A_1548 = tpu.vector_load_idx %arg9[%add3A_61, %and3A_1546] : memref<160x32xf32, #tpu.memory_space<vmem>>[vector<16xi32>, vector<16xi32>], vector<16xf32>,
      %add3A_1549 = arith.addf %gather3A_1547, %gather3A_1548 : vector<16xf32>
      %max3A_1550 = arith.constant 0.000000e+00 : f32
      %max3A_1551 = vector.broadcast %max3A_1550 : f32 to vector<16xf32>
      %max3A_1552 = arith.maximumf %add3A_1549, %max3A_1551 : vector<16xf32>
      %mul3A_1553 = arith.mulf %max3A_1552, %get3A_1540 : vector<16xf32>
      %add3A_1554 = arith.addf %add3A_1504, %mul3A_1553 : vector<16xf32>
      %gather3A_1555 = tpu.vector_load_idx %arg8[%add3A_68, %and3A_1546] : memref<160x32xf32, #tpu.memory_space<vmem>>[vector<16xi32>, vector<16xi32>], vector<16xf32>,
      %gather3A_1556 = tpu.vector_load_idx %arg9[%add3A_68, %and3A_1546] : memref<160x32xf32, #tpu.memory_space<vmem>>[vector<16xi32>, vector<16xi32>], vector<16xf32>,
      %add3A_1557 = arith.addf %gather3A_1555, %gather3A_1556 : vector<16xf32>
      %max3A_1558 = arith.constant 0.000000e+00 : f32
      %max3A_1559 = vector.broadcast %max3A_1558 : f32 to vector<16xf32>
      %max3A_1560 = arith.maximumf %add3A_1557, %max3A_1559 : vector<16xf32>
      %mul3A_1561 = arith.mulf %max3A_1560, %get3A_1540 : vector<16xf32>
      %add3A_1562 = arith.addf %add3A_1512, %mul3A_1561 : vector<16xf32>
      %gather3A_1563 = tpu.vector_load_idx %arg8[%add3A_75, %and3A_1546] : memref<160x32xf32, #tpu.memory_space<vmem>>[vector<16xi32>, vector<16xi32>], vector<16xf32>,
      %gather3A_1564 = tpu.vector_load_idx %arg9[%add3A_75, %and3A_1546] : memref<160x32xf32, #tpu.memory_space<vmem>>[vector<16xi32>, vector<16xi32>], vector<16xf32>,
      %add3A_1565 = arith.addf %gather3A_1563, %gather3A_1564 : vector<16xf32>
      %max3A_1566 = arith.constant 0.000000e+00 : f32
      %max3A_1567 = vector.broadcast %max3A_1566 : f32 to vector<16xf32>
      %max3A_1568 = arith.maximumf %add3A_1565, %max3A_1567 : vector<16xf32>
      %mul3A_1569 = arith.mulf %max3A_1568, %get3A_1540 : vector<16xf32>
      %add3A_1570 = arith.addf %add3A_1520, %mul3A_1569 : vector<16xf32>
      %gather3A_1571 = tpu.vector_load_idx %arg8[%add3A_82, %and3A_1546] : memref<160x32xf32, #tpu.memory_space<vmem>>[vector<16xi32>, vector<16xi32>], vector<16xf32>,
      %gather3A_1572 = tpu.vector_load_idx %arg9[%add3A_82, %and3A_1546] : memref<160x32xf32, #tpu.memory_space<vmem>>[vector<16xi32>, vector<16xi32>], vector<16xf32>,
      %add3A_1573 = arith.addf %gather3A_1571, %gather3A_1572 : vector<16xf32>
      %max3A_1574 = arith.constant 0.000000e+00 : f32
      %max3A_1575 = vector.broadcast %max3A_1574 : f32 to vector<16xf32>
      %max3A_1576 = arith.maximumf %add3A_1573, %max3A_1575 : vector<16xf32>
      %mul3A_1577 = arith.mulf %max3A_1576, %get3A_1540 : vector<16xf32>
      %add3A_1578 = arith.addf %add3A_1528, %mul3A_1577 : vector<16xf32>
      %gather3A_1579 = tpu.vector_load_idx %arg8[%add3A_89, %and3A_1546] : memref<160x32xf32, #tpu.memory_space<vmem>>[vector<16xi32>, vector<16xi32>], vector<16xf32>,
      %gather3A_1580 = tpu.vector_load_idx %arg9[%add3A_89, %and3A_1546] : memref<160x32xf32, #tpu.memory_space<vmem>>[vector<16xi32>, vector<16xi32>], vector<16xf32>,
      %add3A_1581 = arith.addf %gather3A_1579, %gather3A_1580 : vector<16xf32>
      %max3A_1582 = arith.constant 0.000000e+00 : f32
      %max3A_1583 = vector.broadcast %max3A_1582 : f32 to vector<16xf32>
      %max3A_1584 = arith.maximumf %add3A_1581, %max3A_1583 : vector<16xf32>
      %mul3A_1585 = arith.mulf %max3A_1584, %get3A_1540 : vector<16xf32>
      %add3A_1586 = arith.addf %add3A_1536, %mul3A_1585 : vector<16xf32>
      %get3A_1587 = arith.constant 30 : i32
      %get3A_1588 = arith.index_cast %get3A_1587 : i32 to index
      %get3A_1589 = arith.constant 0 : index
      %get3A_1590 = tpu.vector_load %arg10[%get3A_1588, %get3A_1589] {strides = array<i32>} : memref<33x16xf32, #tpu.memory_space<vmem>>, vector<16xf32>,
      %add3A_1591 = arith.constant 30 : i32
      %add3A_1592 = vector.broadcast %add3A_1591 : i32 to vector<16xi32>
      %add3A_1593 = arith.addi %iota3A, %add3A_1592 : vector<16xi32>
      %and3A_1594 = arith.constant 31 : i32
      %and3A_1595 = vector.broadcast %and3A_1594 : i32 to vector<16xi32>
      %and3A_1596 = arith.andi %add3A_1593, %and3A_1595 : vector<16xi32>
      %gather3A_1597 = tpu.vector_load_idx %arg8[%add3A_61, %and3A_1596] : memref<160x32xf32, #tpu.memory_space<vmem>>[vector<16xi32>, vector<16xi32>], vector<16xf32>,
      %gather3A_1598 = tpu.vector_load_idx %arg9[%add3A_61, %and3A_1596] : memref<160x32xf32, #tpu.memory_space<vmem>>[vector<16xi32>, vector<16xi32>], vector<16xf32>,
      %add3A_1599 = arith.addf %gather3A_1597, %gather3A_1598 : vector<16xf32>
      %max3A_1600 = arith.constant 0.000000e+00 : f32
      %max3A_1601 = vector.broadcast %max3A_1600 : f32 to vector<16xf32>
      %max3A_1602 = arith.maximumf %add3A_1599, %max3A_1601 : vector<16xf32>
      %mul3A_1603 = arith.mulf %max3A_1602, %get3A_1590 : vector<16xf32>
      %add3A_1604 = arith.addf %add3A_1554, %mul3A_1603 : vector<16xf32>
      %gather3A_1605 = tpu.vector_load_idx %arg8[%add3A_68, %and3A_1596] : memref<160x32xf32, #tpu.memory_space<vmem>>[vector<16xi32>, vector<16xi32>], vector<16xf32>,
      %gather3A_1606 = tpu.vector_load_idx %arg9[%add3A_68, %and3A_1596] : memref<160x32xf32, #tpu.memory_space<vmem>>[vector<16xi32>, vector<16xi32>], vector<16xf32>,
      %add3A_1607 = arith.addf %gather3A_1605, %gather3A_1606 : vector<16xf32>
      %max3A_1608 = arith.constant 0.000000e+00 : f32
      %max3A_1609 = vector.broadcast %max3A_1608 : f32 to vector<16xf32>
      %max3A_1610 = arith.maximumf %add3A_1607, %max3A_1609 : vector<16xf32>
      %mul3A_1611 = arith.mulf %max3A_1610, %get3A_1590 : vector<16xf32>
      %add3A_1612 = arith.addf %add3A_1562, %mul3A_1611 : vector<16xf32>
      %gather3A_1613 = tpu.vector_load_idx %arg8[%add3A_75, %and3A_1596] : memref<160x32xf32, #tpu.memory_space<vmem>>[vector<16xi32>, vector<16xi32>], vector<16xf32>,
      %gather3A_1614 = tpu.vector_load_idx %arg9[%add3A_75, %and3A_1596] : memref<160x32xf32, #tpu.memory_space<vmem>>[vector<16xi32>, vector<16xi32>], vector<16xf32>,
      %add3A_1615 = arith.addf %gather3A_1613, %gather3A_1614 : vector<16xf32>
      %max3A_1616 = arith.constant 0.000000e+00 : f32
      %max3A_1617 = vector.broadcast %max3A_1616 : f32 to vector<16xf32>
      %max3A_1618 = arith.maximumf %add3A_1615, %max3A_1617 : vector<16xf32>
      %mul3A_1619 = arith.mulf %max3A_1618, %get3A_1590 : vector<16xf32>
      %add3A_1620 = arith.addf %add3A_1570, %mul3A_1619 : vector<16xf32>
      %gather3A_1621 = tpu.vector_load_idx %arg8[%add3A_82, %and3A_1596] : memref<160x32xf32, #tpu.memory_space<vmem>>[vector<16xi32>, vector<16xi32>], vector<16xf32>,
      %gather3A_1622 = tpu.vector_load_idx %arg9[%add3A_82, %and3A_1596] : memref<160x32xf32, #tpu.memory_space<vmem>>[vector<16xi32>, vector<16xi32>], vector<16xf32>,
      %add3A_1623 = arith.addf %gather3A_1621, %gather3A_1622 : vector<16xf32>
      %max3A_1624 = arith.constant 0.000000e+00 : f32
      %max3A_1625 = vector.broadcast %max3A_1624 : f32 to vector<16xf32>
      %max3A_1626 = arith.maximumf %add3A_1623, %max3A_1625 : vector<16xf32>
      %mul3A_1627 = arith.mulf %max3A_1626, %get3A_1590 : vector<16xf32>
      %add3A_1628 = arith.addf %add3A_1578, %mul3A_1627 : vector<16xf32>
      %gather3A_1629 = tpu.vector_load_idx %arg8[%add3A_89, %and3A_1596] : memref<160x32xf32, #tpu.memory_space<vmem>>[vector<16xi32>, vector<16xi32>], vector<16xf32>,
      %gather3A_1630 = tpu.vector_load_idx %arg9[%add3A_89, %and3A_1596] : memref<160x32xf32, #tpu.memory_space<vmem>>[vector<16xi32>, vector<16xi32>], vector<16xf32>,
      %add3A_1631 = arith.addf %gather3A_1629, %gather3A_1630 : vector<16xf32>
      %max3A_1632 = arith.constant 0.000000e+00 : f32
      %max3A_1633 = vector.broadcast %max3A_1632 : f32 to vector<16xf32>
      %max3A_1634 = arith.maximumf %add3A_1631, %max3A_1633 : vector<16xf32>
      %mul3A_1635 = arith.mulf %max3A_1634, %get3A_1590 : vector<16xf32>
      %add3A_1636 = arith.addf %add3A_1586, %mul3A_1635 : vector<16xf32>
      %get3A_1637 = arith.constant 31 : i32
      %get3A_1638 = arith.index_cast %get3A_1637 : i32 to index
      %get3A_1639 = arith.constant 0 : index
      %get3A_1640 = tpu.vector_load %arg10[%get3A_1638, %get3A_1639] {strides = array<i32>} : memref<33x16xf32, #tpu.memory_space<vmem>>, vector<16xf32>,
      %add3A_1641 = arith.constant 31 : i32
      %add3A_1642 = vector.broadcast %add3A_1641 : i32 to vector<16xi32>
      %add3A_1643 = arith.addi %iota3A, %add3A_1642 : vector<16xi32>
      %and3A_1644 = arith.constant 31 : i32
      %and3A_1645 = vector.broadcast %and3A_1644 : i32 to vector<16xi32>
      %and3A_1646 = arith.andi %add3A_1643, %and3A_1645 : vector<16xi32>
      %gather3A_1647 = tpu.vector_load_idx %arg8[%add3A_61, %and3A_1646] : memref<160x32xf32, #tpu.memory_space<vmem>>[vector<16xi32>, vector<16xi32>], vector<16xf32>,
      %gather3A_1648 = tpu.vector_load_idx %arg9[%add3A_61, %and3A_1646] : memref<160x32xf32, #tpu.memory_space<vmem>>[vector<16xi32>, vector<16xi32>], vector<16xf32>,
      %add3A_1649 = arith.addf %gather3A_1647, %gather3A_1648 : vector<16xf32>
      %max3A_1650 = arith.constant 0.000000e+00 : f32
      %max3A_1651 = vector.broadcast %max3A_1650 : f32 to vector<16xf32>
      %max3A_1652 = arith.maximumf %add3A_1649, %max3A_1651 : vector<16xf32>
      %mul3A_1653 = arith.mulf %max3A_1652, %get3A_1640 : vector<16xf32>
      %add3A_1654 = arith.addf %add3A_1604, %mul3A_1653 : vector<16xf32>
      %gather3A_1655 = tpu.vector_load_idx %arg8[%add3A_68, %and3A_1646] : memref<160x32xf32, #tpu.memory_space<vmem>>[vector<16xi32>, vector<16xi32>], vector<16xf32>,
      %gather3A_1656 = tpu.vector_load_idx %arg9[%add3A_68, %and3A_1646] : memref<160x32xf32, #tpu.memory_space<vmem>>[vector<16xi32>, vector<16xi32>], vector<16xf32>,
      %add3A_1657 = arith.addf %gather3A_1655, %gather3A_1656 : vector<16xf32>
      %max3A_1658 = arith.constant 0.000000e+00 : f32
      %max3A_1659 = vector.broadcast %max3A_1658 : f32 to vector<16xf32>
      %max3A_1660 = arith.maximumf %add3A_1657, %max3A_1659 : vector<16xf32>
      %mul3A_1661 = arith.mulf %max3A_1660, %get3A_1640 : vector<16xf32>
      %add3A_1662 = arith.addf %add3A_1612, %mul3A_1661 : vector<16xf32>
      %gather3A_1663 = tpu.vector_load_idx %arg8[%add3A_75, %and3A_1646] : memref<160x32xf32, #tpu.memory_space<vmem>>[vector<16xi32>, vector<16xi32>], vector<16xf32>,
      %gather3A_1664 = tpu.vector_load_idx %arg9[%add3A_75, %and3A_1646] : memref<160x32xf32, #tpu.memory_space<vmem>>[vector<16xi32>, vector<16xi32>], vector<16xf32>,
      %add3A_1665 = arith.addf %gather3A_1663, %gather3A_1664 : vector<16xf32>
      %max3A_1666 = arith.constant 0.000000e+00 : f32
      %max3A_1667 = vector.broadcast %max3A_1666 : f32 to vector<16xf32>
      %max3A_1668 = arith.maximumf %add3A_1665, %max3A_1667 : vector<16xf32>
      %mul3A_1669 = arith.mulf %max3A_1668, %get3A_1640 : vector<16xf32>
      %add3A_1670 = arith.addf %add3A_1620, %mul3A_1669 : vector<16xf32>
      %gather3A_1671 = tpu.vector_load_idx %arg8[%add3A_82, %and3A_1646] : memref<160x32xf32, #tpu.memory_space<vmem>>[vector<16xi32>, vector<16xi32>], vector<16xf32>,
      %gather3A_1672 = tpu.vector_load_idx %arg9[%add3A_82, %and3A_1646] : memref<160x32xf32, #tpu.memory_space<vmem>>[vector<16xi32>, vector<16xi32>], vector<16xf32>,
      %add3A_1673 = arith.addf %gather3A_1671, %gather3A_1672 : vector<16xf32>
      %max3A_1674 = arith.constant 0.000000e+00 : f32
      %max3A_1675 = vector.broadcast %max3A_1674 : f32 to vector<16xf32>
      %max3A_1676 = arith.maximumf %add3A_1673, %max3A_1675 : vector<16xf32>
      %mul3A_1677 = arith.mulf %max3A_1676, %get3A_1640 : vector<16xf32>
      %add3A_1678 = arith.addf %add3A_1628, %mul3A_1677 : vector<16xf32>
      %gather3A_1679 = tpu.vector_load_idx %arg8[%add3A_89, %and3A_1646] : memref<160x32xf32, #tpu.memory_space<vmem>>[vector<16xi32>, vector<16xi32>], vector<16xf32>,
      %gather3A_1680 = tpu.vector_load_idx %arg9[%add3A_89, %and3A_1646] : memref<160x32xf32, #tpu.memory_space<vmem>>[vector<16xi32>, vector<16xi32>], vector<16xf32>,
      %add3A_1681 = arith.addf %gather3A_1679, %gather3A_1680 : vector<16xf32>
      %max3A_1682 = arith.constant 0.000000e+00 : f32
      %max3A_1683 = vector.broadcast %max3A_1682 : f32 to vector<16xf32>
      %max3A_1684 = arith.maximumf %add3A_1681, %max3A_1683 : vector<16xf32>
      %mul3A_1685 = arith.mulf %max3A_1684, %get3A_1640 : vector<16xf32>
      %add3A_1686 = arith.addf %add3A_1636, %mul3A_1685 : vector<16xf32>
      %mul3A_1687 = arith.constant 80 : i32
      %mul3A_1688 = arith.muli %scan3A_30, %mul3A_1687 : i32
      %add3A_1689 = arith.constant 0 : i32
      %add3A_1690 = arith.addi %mul3A_1688, %add3A_1689 : i32
      %swap3A = arith.index_cast %add3A_1690 : i32 to index
      %swap3A_1691 = tpu.vector_load %arg11[%swap3A] {strides = array<i32>} : memref<10000xf32, #tpu.memory_space<vmem>>, vector<16xf32>,
      tpu.vector_store %arg11[%swap3A], %add3A_1654 {strides = array<i32>} : memref<10000xf32, #tpu.memory_space<vmem>>, vector<16xf32>,
      %mul3A_1692 = arith.constant 80 : i32
      %mul3A_1693 = arith.muli %scan3A_30, %mul3A_1692 : i32
      %add3A_1694 = arith.constant 16 : i32
      %add3A_1695 = arith.addi %mul3A_1693, %add3A_1694 : i32
      %swap3A_1696 = arith.index_cast %add3A_1695 : i32 to index
      %swap3A_1697 = tpu.vector_load %arg11[%swap3A_1696] {strides = array<i32>} : memref<10000xf32, #tpu.memory_space<vmem>>, vector<16xf32>,
      tpu.vector_store %arg11[%swap3A_1696], %add3A_1662 {strides = array<i32>} : memref<10000xf32, #tpu.memory_space<vmem>>, vector<16xf32>,
      %mul3A_1698 = arith.constant 80 : i32
      %mul3A_1699 = arith.muli %scan3A_30, %mul3A_1698 : i32
      %add3A_1700 = arith.constant 32 : i32
      %add3A_1701 = arith.addi %mul3A_1699, %add3A_1700 : i32
      %swap3A_1702 = arith.index_cast %add3A_1701 : i32 to index
      %swap3A_1703 = tpu.vector_load %arg11[%swap3A_1702] {strides = array<i32>} : memref<10000xf32, #tpu.memory_space<vmem>>, vector<16xf32>,
      tpu.vector_store %arg11[%swap3A_1702], %add3A_1670 {strides = array<i32>} : memref<10000xf32, #tpu.memory_space<vmem>>, vector<16xf32>,
      %mul3A_1704 = arith.constant 80 : i32
      %mul3A_1705 = arith.muli %scan3A_30, %mul3A_1704 : i32
      %add3A_1706 = arith.constant 48 : i32
      %add3A_1707 = arith.addi %mul3A_1705, %add3A_1706 : i32
      %swap3A_1708 = arith.index_cast %add3A_1707 : i32 to index
      %swap3A_1709 = tpu.vector_load %arg11[%swap3A_1708] {strides = array<i32>} : memref<10000xf32, #tpu.memory_space<vmem>>, vector<16xf32>,
      tpu.vector_store %arg11[%swap3A_1708], %add3A_1678 {strides = array<i32>} : memref<10000xf32, #tpu.memory_space<vmem>>, vector<16xf32>,
      %mul3A_1710 = arith.constant 80 : i32
      %mul3A_1711 = arith.muli %scan3A_30, %mul3A_1710 : i32
      %add3A_1712 = arith.constant 64 : i32
      %add3A_1713 = arith.addi %mul3A_1711, %add3A_1712 : i32
      %swap3A_1714 = arith.index_cast %add3A_1713 : i32 to index
      %swap3A_1715 = tpu.vector_load %arg11[%swap3A_1714] {strides = array<i32>} : memref<10000xf32, #tpu.memory_space<vmem>>, vector<16xf32>,
      tpu.vector_store %arg11[%swap3A_1714], %add3A_1686 {strides = array<i32>} : memref<10000xf32, #tpu.memory_space<vmem>>, vector<16xf32>,
    }
    %scan3A_29 = arith.constant 125 : i32
    "tpu.region"() ({
      %run_scoped3A = tpu.sem_alloc : memref<!tpu.dma_semaphore, #tpu.memory_space<semaphore_mem>>
      %dma_start3A_30 = tpu.memref_slice %arg6[%multiple_of3A] : memref<320000xf32, #tpu.memory_space<hbm>> -> memref<10000xf32, #tpu.memory_space<hbm>>
      %dma_start3A_31 = tpu.memref_slice %arg6[%multiple_of3A] : memref<320000xf32, #tpu.memory_space<hbm>> -> memref<10000xf32, #tpu.memory_space<hbm>>
      tpu.enqueue_dma source(%arg11 : memref<10000xf32, #tpu.memory_space<vmem>>) target(%dma_start3A_31 : memref<10000xf32, #tpu.memory_space<hbm>>) target_semaphore(%run_scoped3A : memref<!tpu.dma_semaphore, #tpu.memory_space<semaphore_mem>>)
      %dma_wait3A = tpu.memref_slice %arg6[%multiple_of3A] : memref<320000xf32, #tpu.memory_space<hbm>> -> memref<10000xf32, #tpu.memory_space<hbm>>
      %dma_wait3A_32 = tpu.memref_slice %arg6[%multiple_of3A] : memref<320000xf32, #tpu.memory_space<hbm>> -> memref<10000xf32, #tpu.memory_space<hbm>>
      tpu.wait_dma2 semaphore(%run_scoped3A : memref<!tpu.dma_semaphore, #tpu.memory_space<semaphore_mem>>) src(%arg11 : memref<10000xf32, #tpu.memory_space<vmem>>) dst(%dma_wait3A_32 : memref<10000xf32, #tpu.memory_space<hbm>>)
      tpu.yield
    }) : () -> ()
    return
  }
}

module attributes {stable_mosaic.version = 14 : i64} {
  func.func @_tables_body(%arg0: i32, %arg1: memref<2000x128xf32, #tpu.memory_space<vmem>>, %arg2: memref<10000x128xf32, #tpu.memory_space<vmem>>, %arg3: memref<768x32xf32, #tpu.memory_space<vmem>>, %arg4: memref<1x32xf32, #tpu.memory_space<vmem>>, %arg5: memref<32x32xf32, #tpu.memory_space<vmem>>, %arg6: memref<1x32xf32, #tpu.memory_space<vmem>>, %arg7: memref<384x32xf32, #tpu.memory_space<vmem>>, %arg8: memref<1x32xf32, #tpu.memory_space<vmem>>, %arg9: memref<32x32xf32, #tpu.memory_space<vmem>>, %arg10: memref<1x32xf32, #tpu.memory_space<vmem>>, %arg11: memref<32x4xf32, #tpu.memory_space<vmem>>, %arg12: memref<1x4xf32, #tpu.memory_space<vmem>>, %arg13: memref<2000x32xf32, #tpu.memory_space<vmem>>, %arg14: memref<2000x32xf32, #tpu.memory_space<vmem>>, %arg15: memref<2000x4xf32, #tpu.memory_space<vmem>>, %arg16: memref<128x96xf32, #tpu.memory_space<vmem>>, %arg17: memref<128x96xf32, #tpu.memory_space<vmem>>, %arg18: memref<1x96xf32, #tpu.memory_space<vmem>>) attributes {dimension_semantics = [#tpu.dimension_semantics<arbitrary>], iteration_bounds = array<i64: 5>, scalar_prefetch = 0 : i64, scratch_operands = 3 : i64, tpu.core_type = #tpu.core_type<tc>, window_params = [{transform_indices = @transform_0, window_bounds = array<i64: 2000, 128>}, {pipeline_mode = #tpu.pipeline_mode<synchronous>, transform_indices = @transform_1, window_bounds = array<i64: 10000, 128>}, {pipeline_mode = #tpu.pipeline_mode<synchronous>, transform_indices = @transform_2, window_bounds = array<i64: 768, 32>}, {pipeline_mode = #tpu.pipeline_mode<synchronous>, transform_indices = @transform_3, window_bounds = array<i64: 1, 32>}, {pipeline_mode = #tpu.pipeline_mode<synchronous>, transform_indices = @transform_4, window_bounds = array<i64: 32, 32>}, {pipeline_mode = #tpu.pipeline_mode<synchronous>, transform_indices = @transform_5, window_bounds = array<i64: 1, 32>}, {pipeline_mode = #tpu.pipeline_mode<synchronous>, transform_indices = @transform_6, window_bounds = array<i64: 384, 32>}, {pipeline_mode = #tpu.pipeline_mode<synchronous>, transform_indices = @transform_7, window_bounds = array<i64: 1, 32>}, {pipeline_mode = #tpu.pipeline_mode<synchronous>, transform_indices = @transform_8, window_bounds = array<i64: 32, 32>}, {pipeline_mode = #tpu.pipeline_mode<synchronous>, transform_indices = @transform_9, window_bounds = array<i64: 1, 32>}, {pipeline_mode = #tpu.pipeline_mode<synchronous>, transform_indices = @transform_10, window_bounds = array<i64: 32, 4>}, {pipeline_mode = #tpu.pipeline_mode<synchronous>, transform_indices = @transform_11, window_bounds = array<i64: 1, 4>}, {transform_indices = @transform_12, window_bounds = array<i64: 2000, 32>}, {transform_indices = @transform_13, window_bounds = array<i64: 2000, 32>}, {transform_indices = @transform_14, window_bounds = array<i64: 2000, 4>}]} {
    %eq3A = arith.constant 0 : i32
    %eq3A_0 = arith.cmpi eq, %arg0, %eq3A : i32
    %convert_element_type3A = arith.extui %eq3A_0 : i1 to i32
    %cond3A = arith.constant 0 : i32
    %cond3A_1 = arith.cmpi ne, %convert_element_type3A, %cond3A : i32
    scf.if %cond3A_1 {
      %get3A_44 = arith.constant 0 : index
      %get3A_45 = arith.constant 0 : index
      %get3A_46 = vector.load %arg2[%get3A_44, %get3A_45] : memref<10000x128xf32, #tpu.memory_space<vmem>>, vector<10000x128xf32>
      %reduce_sum3A = arith.constant dense<0.000000e+00> : vector<128xf32>
      %reduce_sum3A_47 = vector.multi_reduction <add>, %get3A_46, %reduce_sum3A [0] : vector<10000x128xf32> to vector<128xf32>
      %broadcast_in_dim3A = vector.shape_cast %reduce_sum3A_47 : vector<128xf32> to vector<1x128xf32>
      %mul3A_48 = arith.constant 9.99999974E-5 : f32
      %mul3A_49 = vector.broadcast %mul3A_48 : f32 to vector<1x128xf32>
      %mul3A_50 = arith.mulf %broadcast_in_dim3A, %mul3A_49 : vector<1x128xf32>
      %get3A_51 = arith.constant 0 : index
      %get3A_52 = arith.constant 0 : index
      %get3A_53 = vector.load %arg3[%get3A_51, %get3A_52] : memref<768x32xf32, #tpu.memory_space<vmem>>, vector<768x32xf32>
      %get3A_54 = arith.constant 0 : index
      %get3A_55 = arith.constant 0 : index
      %get3A_56 = vector.load %arg5[%get3A_54, %get3A_55] : memref<32x32xf32, #tpu.memory_space<vmem>>, vector<32x32xf32>
      %dot_general3A_57 = arith.constant dense<0.000000e+00> : vector<768x32xf32>
      %dot_general3A_58 = tpu.matmul %get3A_53, %get3A_56, %dot_general3A_57 {dimension_numbers = #tpu.dot_dimension_numbers<[1], [0], [0], [1], [0, 0, 1, 1], [], []>, precision = #tpu.contract_precision<fp32>, transpose_lhs_hint = false} : vector<768x32xf32>, vector<32x32xf32>, vector<768x32xf32> -> vector<768x32xf32>
      %get3A_59 = arith.constant 0 : index
      %get3A_60 = arith.constant 0 : index
      %get3A_61 = vector.load %arg4[%get3A_59, %get3A_60] : memref<1x32xf32, #tpu.memory_space<vmem>>, vector<1x32xf32>
      %get3A_62 = arith.constant 0 : index
      %get3A_63 = arith.constant 0 : index
      %get3A_64 = vector.load %arg5[%get3A_62, %get3A_63] : memref<32x32xf32, #tpu.memory_space<vmem>>, vector<32x32xf32>
      %dot_general3A_65 = arith.constant dense<0.000000e+00> : vector<1x32xf32>
      %dot_general3A_66 = tpu.matmul %get3A_61, %get3A_64, %dot_general3A_65 {dimension_numbers = #tpu.dot_dimension_numbers<[1], [0], [0], [1], [0, 0, 1, 1], [], []>, precision = #tpu.contract_precision<fp32>, transpose_lhs_hint = false} : vector<1x32xf32>, vector<32x32xf32>, vector<1x32xf32> -> vector<1x32xf32>
      %get3A_67 = arith.constant 0 : index
      %get3A_68 = arith.constant 0 : index
      %get3A_69 = vector.load %arg6[%get3A_67, %get3A_68] : memref<1x32xf32, #tpu.memory_space<vmem>>, vector<1x32xf32>
      %add3A_70 = arith.addf %dot_general3A_66, %get3A_69 : vector<1x32xf32>
      %get3A_71 = arith.constant 0 : index
      %get3A_72 = arith.constant 0 : index
      %get3A_73 = vector.load %arg7[%get3A_71, %get3A_72] : memref<384x32xf32, #tpu.memory_space<vmem>>, vector<384x32xf32>
      %get3A_74 = arith.constant 0 : index
      %get3A_75 = arith.constant 0 : index
      %get3A_76 = vector.load %arg9[%get3A_74, %get3A_75] : memref<32x32xf32, #tpu.memory_space<vmem>>, vector<32x32xf32>
      %dot_general3A_77 = arith.constant dense<0.000000e+00> : vector<384x32xf32>
      %dot_general3A_78 = tpu.matmul %get3A_73, %get3A_76, %dot_general3A_77 {dimension_numbers = #tpu.dot_dimension_numbers<[1], [0], [0], [1], [0, 0, 1, 1], [], []>, precision = #tpu.contract_precision<fp32>, transpose_lhs_hint = false} : vector<384x32xf32>, vector<32x32xf32>, vector<384x32xf32> -> vector<384x32xf32>
      %get3A_79 = arith.constant 0 : index
      %get3A_80 = arith.constant 0 : index
      %get3A_81 = vector.load %arg8[%get3A_79, %get3A_80] : memref<1x32xf32, #tpu.memory_space<vmem>>, vector<1x32xf32>
      %get3A_82 = arith.constant 0 : index
      %get3A_83 = arith.constant 0 : index
      %get3A_84 = vector.load %arg9[%get3A_82, %get3A_83] : memref<32x32xf32, #tpu.memory_space<vmem>>, vector<32x32xf32>
      %dot_general3A_85 = arith.constant dense<0.000000e+00> : vector<1x32xf32>
      %dot_general3A_86 = tpu.matmul %get3A_81, %get3A_84, %dot_general3A_85 {dimension_numbers = #tpu.dot_dimension_numbers<[1], [0], [0], [1], [0, 0, 1, 1], [], []>, precision = #tpu.contract_precision<fp32>, transpose_lhs_hint = false} : vector<1x32xf32>, vector<32x32xf32>, vector<1x32xf32> -> vector<1x32xf32>
      %get3A_87 = arith.constant 0 : index
      %get3A_88 = arith.constant 0 : index
      %get3A_89 = vector.load %arg10[%get3A_87, %get3A_88] : memref<1x32xf32, #tpu.memory_space<vmem>>, vector<1x32xf32>
      %add3A_90 = arith.addf %dot_general3A_86, %get3A_89 : vector<1x32xf32>
      %slice3A_91 = vector.extract_strided_slice %dot_general3A_58 {offsets = [0, 0], sizes = [128, 32], strides = [1, 1]} : vector<768x32xf32> to vector<128x32xf32>
      %slice3A_92 = vector.extract_strided_slice %dot_general3A_58 {offsets = [384, 0], sizes = [128, 32], strides = [1, 1]} : vector<768x32xf32> to vector<128x32xf32>
      %slice3A_93 = vector.extract_strided_slice %dot_general3A_78 {offsets = [0, 0], sizes = [128, 32], strides = [1, 1]} : vector<384x32xf32> to vector<128x32xf32>
      %concatenate3A = tpu.concatenate %slice3A_91, %slice3A_92, %slice3A_93 in 1 : vector<128x32xf32>, vector<128x32xf32>, vector<128x32xf32> -> vector<128x96xf32>
      %swap3A_94 = arith.constant 0 : index
      %swap3A_95 = arith.constant 0 : index
      %swap3A_96 = vector.load %arg16[%swap3A_94, %swap3A_95] : memref<128x96xf32, #tpu.memory_space<vmem>>, vector<128x96xf32>
      tpu.vector_store %arg16[%swap3A_94, %swap3A_95], %concatenate3A {strides = array<i32>} : memref<128x96xf32, #tpu.memory_space<vmem>>, vector<128x96xf32>,
      %slice3A_97 = vector.extract_strided_slice %dot_general3A_58 {offsets = [128, 0], sizes = [128, 32], strides = [1, 1]} : vector<768x32xf32> to vector<128x32xf32>
      %slice3A_98 = vector.extract_strided_slice %dot_general3A_58 {offsets = [512, 0], sizes = [128, 32], strides = [1, 1]} : vector<768x32xf32> to vector<128x32xf32>
      %slice3A_99 = vector.extract_strided_slice %dot_general3A_78 {offsets = [128, 0], sizes = [128, 32], strides = [1, 1]} : vector<384x32xf32> to vector<128x32xf32>
      %concatenate3A_100 = tpu.concatenate %slice3A_97, %slice3A_98, %slice3A_99 in 1 : vector<128x32xf32>, vector<128x32xf32>, vector<128x32xf32> -> vector<128x96xf32>
      %swap3A_101 = arith.constant 0 : index
      %swap3A_102 = arith.constant 0 : index
      %swap3A_103 = vector.load %arg17[%swap3A_101, %swap3A_102] : memref<128x96xf32, #tpu.memory_space<vmem>>, vector<128x96xf32>
      tpu.vector_store %arg17[%swap3A_101, %swap3A_102], %concatenate3A_100 {strides = array<i32>} : memref<128x96xf32, #tpu.memory_space<vmem>>, vector<128x96xf32>,
      %slice3A_104 = vector.extract_strided_slice %dot_general3A_58 {offsets = [256, 0], sizes = [128, 32], strides = [1, 1]} : vector<768x32xf32> to vector<128x32xf32>
      %dot_general3A_105 = arith.constant dense<0.000000e+00> : vector<1x32xf32>
      %dot_general3A_106 = tpu.matmul %mul3A_50, %slice3A_104, %dot_general3A_105 {dimension_numbers = #tpu.dot_dimension_numbers<[1], [0], [0], [1], [0, 0, 1, 1], [], []>, precision = #tpu.contract_precision<fp32>, transpose_lhs_hint = false} : vector<1x128xf32>, vector<128x32xf32>, vector<1x32xf32> -> vector<1x32xf32>
      %add3A_107 = arith.addf %dot_general3A_106, %add3A_70 : vector<1x32xf32>
      %slice3A_108 = vector.extract_strided_slice %dot_general3A_58 {offsets = [640, 0], sizes = [128, 32], strides = [1, 1]} : vector<768x32xf32> to vector<128x32xf32>
      %dot_general3A_109 = arith.constant dense<0.000000e+00> : vector<1x32xf32>
      %dot_general3A_110 = tpu.matmul %mul3A_50, %slice3A_108, %dot_general3A_109 {dimension_numbers = #tpu.dot_dimension_numbers<[1], [0], [0], [1], [0, 0, 1, 1], [], []>, precision = #tpu.contract_precision<fp32>, transpose_lhs_hint = false} : vector<1x128xf32>, vector<128x32xf32>, vector<1x32xf32> -> vector<1x32xf32>
      %slice3A_111 = vector.extract_strided_slice %dot_general3A_78 {offsets = [256, 0], sizes = [128, 32], strides = [1, 1]} : vector<384x32xf32> to vector<128x32xf32>
      %dot_general3A_112 = arith.constant dense<0.000000e+00> : vector<1x32xf32>
      %dot_general3A_113 = tpu.matmul %mul3A_50, %slice3A_111, %dot_general3A_112 {dimension_numbers = #tpu.dot_dimension_numbers<[1], [0], [0], [1], [0, 0, 1, 1], [], []>, precision = #tpu.contract_precision<fp32>, transpose_lhs_hint = false} : vector<1x128xf32>, vector<128x32xf32>, vector<1x32xf32> -> vector<1x32xf32>
      %add3A_114 = arith.addf %dot_general3A_113, %add3A_90 : vector<1x32xf32>
      %concatenate3A_115 = tpu.concatenate %add3A_107, %dot_general3A_110, %add3A_114 in 1 : vector<1x32xf32>, vector<1x32xf32>, vector<1x32xf32> -> vector<1x96xf32>
      %swap3A_116 = arith.constant 0 : index
      %swap3A_117 = arith.constant 0 : index
      %swap3A_118 = vector.load %arg18[%swap3A_116, %swap3A_117] : memref<1x96xf32, #tpu.memory_space<vmem>>, vector<1x96xf32>
      tpu.vector_store %arg18[%swap3A_116, %swap3A_117], %concatenate3A_115 {strides = array<i32>} : memref<1x96xf32, #tpu.memory_space<vmem>>, vector<1x96xf32>,
    } else {
    }
    %mul3A = arith.constant 2000 : i32
    %mul3A_2 = arith.muli %arg0, %mul3A : i32
    %get3A = arith.index_cast %mul3A_2 : i32 to index
    %get3A_3 = arith.constant 0 : index
    %get3A_4 = vector.load %arg2[%get3A, %get3A_3] : memref<10000x128xf32, #tpu.memory_space<vmem>>, vector<2000x128xf32>
    %get3A_5 = arith.constant 0 : index
    %get3A_6 = arith.constant 0 : index
    %get3A_7 = vector.load %arg1[%get3A_5, %get3A_6] : memref<2000x128xf32, #tpu.memory_space<vmem>>, vector<2000x128xf32>
    %get3A_8 = arith.constant 0 : index
    %get3A_9 = arith.constant 0 : index
    %get3A_10 = vector.load %arg16[%get3A_8, %get3A_9] : memref<128x96xf32, #tpu.memory_space<vmem>>, vector<128x96xf32>
    %dot_general3A = arith.constant dense<0.000000e+00> : vector<2000x96xf32>
    %dot_general3A_11 = tpu.matmul %get3A_7, %get3A_10, %dot_general3A {dimension_numbers = #tpu.dot_dimension_numbers<[1], [0], [0], [1], [0, 0, 1, 1], [], []>, precision = #tpu.contract_precision<fp32>, transpose_lhs_hint = false} : vector<2000x128xf32>, vector<128x96xf32>, vector<2000x96xf32> -> vector<2000x96xf32>
    %get3A_12 = arith.constant 0 : index
    %get3A_13 = arith.constant 0 : index
    %get3A_14 = vector.load %arg17[%get3A_12, %get3A_13] : memref<128x96xf32, #tpu.memory_space<vmem>>, vector<128x96xf32>
    %dot_general3A_15 = arith.constant dense<0.000000e+00> : vector<2000x96xf32>
    %dot_general3A_16 = tpu.matmul %get3A_4, %get3A_14, %dot_general3A_15 {dimension_numbers = #tpu.dot_dimension_numbers<[1], [0], [0], [1], [0, 0, 1, 1], [], []>, precision = #tpu.contract_precision<fp32>, transpose_lhs_hint = false} : vector<2000x128xf32>, vector<128x96xf32>, vector<2000x96xf32> -> vector<2000x96xf32>
    %add3A = arith.addf %dot_general3A_11, %dot_general3A_16 : vector<2000x96xf32>
    %get3A_17 = arith.constant 0 : index
    %get3A_18 = arith.constant 0 : index
    %get3A_19 = vector.load %arg18[%get3A_17, %get3A_18] : memref<1x96xf32, #tpu.memory_space<vmem>>, vector<1x96xf32>
    %add3A_20 = vector.broadcast %get3A_19 : vector<1x96xf32> to vector<2000x96xf32>
    %add3A_21 = arith.addf %add3A, %add3A_20 : vector<2000x96xf32>
    %slice3A = vector.extract_strided_slice %add3A_21 {offsets = [0, 0], sizes = [2000, 32], strides = [1, 1]} : vector<2000x96xf32> to vector<2000x32xf32>
    %swap3A = arith.constant 0 : index
    %swap3A_22 = arith.constant 0 : index
    %swap3A_23 = vector.load %arg13[%swap3A, %swap3A_22] : memref<2000x32xf32, #tpu.memory_space<vmem>>, vector<2000x32xf32>
    tpu.vector_store %arg13[%swap3A, %swap3A_22], %slice3A {strides = array<i32>} : memref<2000x32xf32, #tpu.memory_space<vmem>>, vector<2000x32xf32>,
    %slice3A_24 = vector.extract_strided_slice %add3A_21 {offsets = [0, 32], sizes = [2000, 32], strides = [1, 1]} : vector<2000x96xf32> to vector<2000x32xf32>
    %swap3A_25 = arith.constant 0 : index
    %swap3A_26 = arith.constant 0 : index
    %swap3A_27 = vector.load %arg14[%swap3A_25, %swap3A_26] : memref<2000x32xf32, #tpu.memory_space<vmem>>, vector<2000x32xf32>
    tpu.vector_store %arg14[%swap3A_25, %swap3A_26], %slice3A_24 {strides = array<i32>} : memref<2000x32xf32, #tpu.memory_space<vmem>>, vector<2000x32xf32>,
    %slice3A_28 = vector.extract_strided_slice %add3A_21 {offsets = [0, 64], sizes = [2000, 32], strides = [1, 1]} : vector<2000x96xf32> to vector<2000x32xf32>
    %max3A = arith.constant 0.000000e+00 : f32
    %max3A_29 = vector.broadcast %max3A : f32 to vector<2000x32xf32>
    %max3A_30 = arith.maximumf %slice3A_28, %max3A_29 : vector<2000x32xf32>
    %get3A_31 = arith.constant 0 : index
    %get3A_32 = arith.constant 0 : index
    %get3A_33 = vector.load %arg11[%get3A_31, %get3A_32] : memref<32x4xf32, #tpu.memory_space<vmem>>, vector<32x4xf32>
    %dot_general3A_34 = arith.constant dense<0.000000e+00> : vector<2000x4xf32>
    %dot_general3A_35 = tpu.matmul %max3A_30, %get3A_33, %dot_general3A_34 {dimension_numbers = #tpu.dot_dimension_numbers<[1], [0], [0], [1], [0, 0, 1, 1], [], []>, precision = #tpu.contract_precision<fp32>, transpose_lhs_hint = false} : vector<2000x32xf32>, vector<32x4xf32>, vector<2000x4xf32> -> vector<2000x4xf32>
    %get3A_36 = arith.constant 0 : index
    %get3A_37 = arith.constant 0 : index
    %get3A_38 = vector.load %arg12[%get3A_36, %get3A_37] : memref<1x4xf32, #tpu.memory_space<vmem>>, vector<1x4xf32>
    %add3A_39 = vector.broadcast %get3A_38 : vector<1x4xf32> to vector<2000x4xf32>
    %add3A_40 = arith.addf %dot_general3A_35, %add3A_39 : vector<2000x4xf32>
    %swap3A_41 = arith.constant 0 : index
    %swap3A_42 = arith.constant 0 : index
    %swap3A_43 = vector.load %arg15[%swap3A_41, %swap3A_42] : memref<2000x4xf32, #tpu.memory_space<vmem>>, vector<2000x4xf32>
    tpu.vector_store %arg15[%swap3A_41, %swap3A_42], %add3A_40 {strides = array<i32>} : memref<2000x4xf32, #tpu.memory_space<vmem>>, vector<2000x4xf32>,
    return
  }
  func.func @transform_0(%arg0: i32) -> (i32, i32) {
    %c0_i32 = arith.constant 0 : i32
    %c0_i32_0 = arith.constant 0 : i32
    return %arg0, %c0_i32 : i32, i32
  }
  func.func @transform_1(%arg0: i32) -> (i32, i32) {
    %c0_i32 = arith.constant 0 : i32
    %c0_i32_0 = arith.constant 0 : i32
    %c0_i32_1 = arith.constant 0 : i32
    return %c0_i32, %c0_i32_0 : i32, i32
  }
  func.func @transform_2(%arg0: i32) -> (i32, i32) {
    %c0_i32 = arith.constant 0 : i32
    %c0_i32_0 = arith.constant 0 : i32
    %c0_i32_1 = arith.constant 0 : i32
    return %c0_i32, %c0_i32_0 : i32, i32
  }
  func.func @transform_3(%arg0: i32) -> (i32, i32) {
    %c0_i32 = arith.constant 0 : i32
    %c0_i32_0 = arith.constant 0 : i32
    %c0_i32_1 = arith.constant 0 : i32
    return %c0_i32, %c0_i32_0 : i32, i32
  }
  func.func @transform_4(%arg0: i32) -> (i32, i32) {
    %c0_i32 = arith.constant 0 : i32
    %c0_i32_0 = arith.constant 0 : i32
    %c0_i32_1 = arith.constant 0 : i32
    return %c0_i32, %c0_i32_0 : i32, i32
  }
  func.func @transform_5(%arg0: i32) -> (i32, i32) {
    %c0_i32 = arith.constant 0 : i32
    %c0_i32_0 = arith.constant 0 : i32
    %c0_i32_1 = arith.constant 0 : i32
    return %c0_i32, %c0_i32_0 : i32, i32
  }
  func.func @transform_6(%arg0: i32) -> (i32, i32) {
    %c0_i32 = arith.constant 0 : i32
    %c0_i32_0 = arith.constant 0 : i32
    %c0_i32_1 = arith.constant 0 : i32
    return %c0_i32, %c0_i32_0 : i32, i32
  }
  func.func @transform_7(%arg0: i32) -> (i32, i32) {
    %c0_i32 = arith.constant 0 : i32
    %c0_i32_0 = arith.constant 0 : i32
    %c0_i32_1 = arith.constant 0 : i32
    return %c0_i32, %c0_i32_0 : i32, i32
  }
  func.func @transform_8(%arg0: i32) -> (i32, i32) {
    %c0_i32 = arith.constant 0 : i32
    %c0_i32_0 = arith.constant 0 : i32
    %c0_i32_1 = arith.constant 0 : i32
    return %c0_i32, %c0_i32_0 : i32, i32
  }
  func.func @transform_9(%arg0: i32) -> (i32, i32) {
    %c0_i32 = arith.constant 0 : i32
    %c0_i32_0 = arith.constant 0 : i32
    %c0_i32_1 = arith.constant 0 : i32
    return %c0_i32, %c0_i32_0 : i32, i32
  }
  func.func @transform_10(%arg0: i32) -> (i32, i32) {
    %c0_i32 = arith.constant 0 : i32
    %c0_i32_0 = arith.constant 0 : i32
    %c0_i32_1 = arith.constant 0 : i32
    return %c0_i32, %c0_i32_0 : i32, i32
  }
  func.func @transform_11(%arg0: i32) -> (i32, i32) {
    %c0_i32 = arith.constant 0 : i32
    %c0_i32_0 = arith.constant 0 : i32
    %c0_i32_1 = arith.constant 0 : i32
    return %c0_i32, %c0_i32_0 : i32, i32
  }
  func.func @transform_12(%arg0: i32) -> (i32, i32) {
    %c0_i32 = arith.constant 0 : i32
    %c0_i32_0 = arith.constant 0 : i32
    return %arg0, %c0_i32 : i32, i32
  }
  func.func @transform_13(%arg0: i32) -> (i32, i32) {
    %c0_i32 = arith.constant 0 : i32
    %c0_i32_0 = arith.constant 0 : i32
    return %arg0, %c0_i32 : i32, i32
  }
  func.func @transform_14(%arg0: i32) -> (i32, i32) {
    %c0_i32 = arith.constant 0 : i32
    %c0_i32_0 = arith.constant 0 : i32
    return %arg0, %c0_i32 : i32, i32
  }
}

</mosaic_0001>

<sc_bundles>
// kernel: kernel.4.cloned.1.call-start
scs
__scs_entry_jumppad:
0x0: {  	(pc) =	sbr.rel $0x88, $3  }
0x1: {  	(tag) =	ssettag $0x0;
	lr =	simm.s32 $0x1  }
0x2: {  	[smem:$0x3F92] =	sst lr;
	_ =	strace $0xD0000000  }
0x3: {  	_ = 	snop  }
0x4: {  	_ = 	snop  }
0x5: {  	_ = 	snop  }
0x6: {  	_ = 	snop  }
0x7: {  	_ = 	snop  }
__scs_overlays_trampoline_lowered:
0x8: {  	[smem:$0x3FA1] =	sst s0  }
0x9: {  	[smem:$0x3FA2] =	sst s1  }
0xa: {  	[smem:$0x3FA3] =	sst s2  }
0xb: {  	[smem:$0x3FA4] =	sst s3  }
0xc: {  	[smem:$0x3FA5] =	sst s4  }
0xd: {  	[smem:$0x3FA6] =	sst s5  }
0xe: {  	[smem:$0x3FA7] =	sst s6  }
0xf: {  	[smem:$0x3FA8] =	sst s7  }
0x10: {  	[smem:$0x3FA9] =	sst s8  }
0x11: {  	[smem:$0x3FAA] =	sst s9;
	s0 =	simm.s32 @!p0 $0x0  }
0x12: {  	s1 =	sld [smem:$0x3F90];
	s0 =	simm.s32 @p0 $0x1  }
0x13: {  	[smem:$0x3FAB] =	sst s0;
	s0 =	simm.s32 @!p1 $0x0  }
0x14: {  	s2 =	sld [smem:$0x3F8F];
	s0 =	simm.s32 @p1 $0x1  }
0x15: {  	[smem:$0x3FAC] =	sst s0;
	s0 =	simm.s32 @!p2 $0x0  }
0x16: {  	s3 =	sld [smem:$0x3FDB];
	s0 =	simm.s32 @p2 $0x1  }
0x17: {  	s4 =	simm.s32 $0x1BF5;
	[smem:$0x3FAE] =	sst s0  }
0x18: {  	s0 =	sld [smem:$0x3F91];
	_ =	swait.ge [sflag:s4], $0x0  }
0x19: {  	s7 =	sld [smem:$0x3F92]  }
0x1a: {  	s8 =	sadd.s32 $0xFFFFE003, lr  }
0x1b: {  	s9 =	sadd.s32 $0xFFFFFEF7, lr;
	s5 =	simm.s32 $0xFFFFFFFF;
	p2 =	slt.u32 s8, $0xFFFFF086  }
0x1c: {  	p1 =	slt.u32 s9, $0xF7A;
	s5 =	simm.s32 @!p2 $0x0  }
0x1d: {  	s5 =	simm.s32 @p1 $0x1;
	p0 =	seq.s32 s7, s2  }
0x1e: {  	s7 =	smul.u32 @!p0 $0xF7A, s2;
	p2 =	seq.s32 @!p0 s5, $0x0  }
0x1f: {  	s9 =	smul.u32 $0xF7A, s1;
	s8 =	simm.s32 @!p0 $0x1BF5;
	p2 =	por !p2, p0  }
0x20: {  	[sflag:s8] =	ssyncset.s32 @!p0 $0xFFFFF086;
	s6 =	sadd.s32 @!p0 s3, s7;
	s7 =	simm.s32 @!p0 $0x108  }
0x21: {  	s3 =	sadd.s32 s3, s9;
	s6 =	sadd.s32 @!p0 $0x88, s6;
	s7 =	simm.s32 @p2 $0x1082  }
0x22: {  	[simem:s7], [sflag:s8] =	dma.local @!p0 [hbm:s6], $0xF7A  }
0x23: {  	s9 =	sor.u32 $0xD0000000, s2;
	s6 =	simm.s32 $0x108;
	_ =	swait.ge @!p0 [sflag:s8], $0x0  }
0x24: {  	s3 =	sadd.s32 $0x88, s3;
	s6 =	simm.s32 @!p1 $0x1082;
	[sflag:s4] =	ssyncset.s32 $0xFFFFF086  }
0x25: {  	[simem:s6], [sflag:s4] =	dma.local [hbm:s3], $0xF7A  }
0x26: {  	[smem:$0x3F92] =	sst s1;
	(tag) =	ssettag s2;
	_ =	strace s9  }
0x27: {  	s1 =	sld [smem:$0x3FA2]  }
0x28: {  	s2 =	sld [smem:$0x3FA3]  }
0x29: {  	s4 =	sld [smem:$0x3FA5]  }
0x2a: {  	p0 =	seq.s32 s5, $0x0;
	s5 =	sld [smem:$0x3FA6]  }
0x2b: {  	s6 =	sld [smem:$0x3FA7]  }
0x2c: {  	s7 =	sld [smem:$0x3FA8]  }
0x2d: {  	s3 =	simm.s32 $0x108;
	s8 =	sld [smem:$0x3FA9]  }
0x2e: {  	s3 =	simm.s32 @!p0 $0x1082;
	s9 =	sld [smem:$0x3FAA]  }
0x2f: {  	lr =	sadd.s32 s0, s3;
	s0 =	sld [smem:$0x3FA1]  }
0x30: {  	s3 =	sld [smem:$0x3FA4]  }
0x31: {  	[smem:$0x3FAD] =	sst s10  }
0x32: {  	s10 =	sld [smem:$0x3FAB];
	_ =	sdelay $0x3  }
0x33: {  	p0 =	seq.s32 s10, $0x1;
	s10 =	sld [smem:$0x3FAD];
	_ =	sdelay $0x3  }
0x34: {  	[smem:$0x3FAD] =	sst s10  }
0x35: {  	s10 =	sld [smem:$0x3FAC];
	_ =	sdelay $0x3  }
0x36: {  	p1 =	seq.s32 s10, $0x1;
	s10 =	sld [smem:$0x3FAD];
	_ =	sdelay $0x3  }
0x37: {  	[smem:$0x3FAD] =	sst s10  }
0x38: {  	s10 =	sld [smem:$0x3FAE]  }
0x39: {  	_ = 	snop;
	(pc) =	sbr.ind lr, $3  }
0x3a: {  	_ = 	snop  }
0x3b: {  	_ = 	snop  }
0x3c: {  	p2 =	seq.s32 s10, $0x1;
	s10 =	sld [smem:$0x3FAD]  }
0x3d: {  	_ =	shalt  }
0x3e: {  	_ =	shalt  }
0x3f: {  	_ =	shalt  }
0x40: {  	_ =	shalt  }
0x41: {  	_ =	shalt  }
0x42: {  	_ =	shalt  }
0x43: {  	_ =	shalt  }
0x44: {  	_ =	shalt  }
0x45: {  	_ =	shalt  }
0x46: {  	_ =	shalt  }
0x47: {  	_ =	shalt  }
0x48: {  	_ =	shalt  }
0x49: {  	_ =	shalt  }
0x4a: {  	_ =	shalt  }
0x4b: {  	_ =	shalt  }
0x4c: {  	_ =	shalt  }
0x4d: {  	_ =	shalt  }
0x4e: {  	_ =	shalt  }
0x4f: {  	_ =	shalt  }
0x50: {  	_ =	shalt  }
0x51: {  	_ =	shalt  }
0x52: {  	_ =	shalt  }
0x53: {  	_ =	shalt  }
0x54: {  	_ =	shalt  }
0x55: {  	_ =	shalt  }
0x56: {  	_ =	shalt  }
0x57: {  	_ =	shalt  }
0x58: {  	_ =	shalt  }
0x59: {  	_ =	shalt  }
0x5a: {  	_ =	shalt  }
0x5b: {  	_ =	shalt  }
0x5c: {  	_ =	shalt  }
0x5d: {  	_ =	shalt  }
0x5e: {  	_ =	shalt  }
0x5f: {  	_ =	shalt  }
0x60: {  	_ =	shalt  }
0x61: {  	_ =	shalt  }
0x62: {  	_ =	shalt  }
0x63: {  	_ =	shalt  }
0x64: {  	_ =	shalt  }
0x65: {  	_ =	shalt  }
0x66: {  	_ =	shalt  }
0x67: {  	_ =	shalt  }
0x68: {  	_ =	shalt  }
0x69: {  	_ =	shalt  }
0x6a: {  	_ =	shalt  }
0x6b: {  	_ =	shalt  }
0x6c: {  	_ =	shalt  }
0x6d: {  	_ =	shalt  }
0x6e: {  	_ =	shalt  }
0x6f: {  	_ =	shalt  }
0x70: {  	_ =	shalt  }
0x71: {  	_ =	shalt  }
0x72: {  	_ =	shalt  }
0x73: {  	_ =	shalt  }
0x74: {  	_ =	shalt  }
0x75: {  	_ =	shalt  }
0x76: {  	_ =	shalt  }
0x77: {  	_ =	shalt  }
0x78: {  	_ =	shalt  }
0x79: {  	_ =	shalt  }
0x7a: {  	_ =	shalt  }
0x7b: {  	_ =	shalt  }
0x7c: {  	_ =	shalt  }
0x7d: {  	_ =	shalt  }
0x7e: {  	_ =	shalt  }
0x7f: {  	_ =	shalt  }
0x80: {  	_ =	shalt  }
0x81: {  	_ =	shalt  }
0x82: {  	_ =	shalt  }
0x83: {  	_ =	shalt  }
0x84: {  	_ =	shalt  }
0x85: {  	_ =	shalt  }
0x86: {  	_ =	shalt  }
0x87: {  	_ =	shalt  }
.Lfunc_end0:
.L_simem_size_0:
called_computation_lowered:
.L_overlay_start_0:
0x88: {  	s2 =	sld [smem:$0x3FD9]  }
0x89: {  	s3 =	sld [smem:$0x3FFE];
	_ =	sdelay $0x1  }
0x8a: {  	s1 =	srdreg.scid  }
0x8b: {  	s0 =	sand.u32 $0x1, s1  }
0x8c: {  	s14 =	sshll.u32 s0, $0xA;
	s2 =	sadd.s32 s3, s2  }
0x8d: {  	s2 =	sadd.s32 s2, s14  }
0x8e: {  	[smem:$0x3FB9] =	sst s2  }
0x8f: {  	_ = 	snop  }
0x90: {  	s2 =	sld [smem:$0x3FD0];
	_ =	sdelay $0x2  }
0x91: {  	s15 =	simm.s32 $0xA;
	s4 =	simm.s32 $0x10  }
0x92: {  	[smem:s4], [sflag:s15] =	dma.local [hbm:s2], $0x1  }
0x93: {  	_ =	swait.eq [sflag:s15], $0x1  }
0x94: {  	[sflag:s15] =	ssyncset.done $0x0  }
0x95: {  	[sflag:s15] =	ssyncadd.s32 $0xFFFFFFFF  }
0x96: {  	s16 =	sld [smem:$0x11];
	(tm) =	ssettm $0x1  }
0x97: {  	s17 =	sld [smem:$0x3FFB];
	_ =	sdelay $0x3  }
0x98: {  	_ =	strace s17  }
0x99: {  	s3 =	sld [smem:$0x3FFC];
	_ =	sdelay $0x3  }
0x9a: {  	_ =	strace s3  }
0x9b: {  	s3 =	sld [smem:$0x3FFD];
	_ =	sdelay $0x3  }
0x9c: {  	_ =	strace s3  }
0x9d: {  	_ =	strace $0x8FFFFFFF  }
0x9e: {  	s18 =	sld [smem:$0x3FDB];
	_ =	sdelay $0x1  }
0x9f: {  	s19 =	simm.s32 $_scs_section_size  }
0xa0: {  	s5 =	simm.s32 $_size__tile_overlayer_lowered;
	s6 =	simm.s32 $_tile_overlayer_lowered  }
0xa1: {  	s22 =	simm.s32 $0x1BFF;
	s21 =	sshll.u32 s6, $0x1;
	s3 =	sadd.s32 s19, s18  }
0xa2: {  	s7 =	simm.s32 $0x0;
	s20 =	sshll.u32 s5, $0x1;
	s5 =	sadd.s32 s21, s3  }
0xa3: {  	[timem:s7], [sflag:s22] =	dma.local [hbm:s5], s20  }
0xa4: {  	_ =	swait.ge [sflag:s22], s20  }
0xa5: {  	s4 =	ssub.s32 $0x0, s20;
	[sflag:s22] =	ssyncset.done $0x0  }
0xa6: {  	[sflag:s22] =	ssyncadd.s32 s4;
	_ =	sdelay $0x1  }
0xa7: {  	s23 =	simm.s32 $0x1B8B  }
0xa8: {  	_ =	swait.ge [sflag:s23], $0x1  }
0xa9: {  	[sflag:s23] =	ssyncset.done $0x0  }
0xaa: {  	s25 =	simm.s32 $0x1B8E;
	s24 =	sld [smem:$0x3FFE];
	[sflag:s23] =	ssyncadd.s32 $0xFFFFFFFF  }
0xab: {  	s26 =	simm.s32 $execute0_lowered;
	[smem:$0x3FD2] =	sst s25  }
0xac: {  	s5 =	sshll.u32 s26, $0x1;
	_ =	strace $0x80000046;
	[dreg:$0x1] =	wrdreg $0xFFFFFFFF  }
0xad: {  	s28 =	simm.s32 $_size_execute0_lowered;
	s3 =	sadd.s32 s3, s5;
	[dreg:$0x0] =	wrdreg $0x0  }
0xae: {  	s5 =	sshll.u32 s28, $0x1;
	[dreg:$0x2] =	wrdreg s3  }
0xaf: {  	[dreg:$0x3] =	wrdreg s5  }
0xb0: {  	[dreg:$0x4] =	wrdreg $0xC0  }
0xb1: {  	_ =	task [dreg:s7], $0x5FFFF  }
0xb2: {  	[dreg:$0x1] =	wrdreg $0xFFFFFFFF  }
0xb3: {  	[dreg:$0x0] =	wrdreg $0x60  }
0xb4: {  	[dreg:$0x2] =	wrdreg s24  }
0xb5: {  	[dreg:$0x3] =	wrdreg s16  }
0xb6: {  	[dreg:$0x4] =	wrdreg $0x9  }
0xb7: {  	_ =	task.clear_ibuf [dreg:s7], $0x5FFFF;
	_ =	strace $0x90000046  }
0xb8: {  	s29 =	simm.s32 $0x9;
	_ =	strace $0x80000048  }
0xb9: {  	_ =	swait.ge [sflag:s29], $0x1  }
0xba: {  	[sflag:s29] =	ssyncadd.s32 $0xFFFFFFFF  }
0xbb: {  	_ =	strace $0x90000048  }
0xbc: {  	_ =	sfence  }
0xbd: {  	s30 =	sld [smem:$0x0];
	_ =	sdelay $0x2  }
0xbe: {  	s31 =	sshll.u32 s1, $0xD;
	s1 =	sshrl.u32 s1, $0x2  }
0xbf: {  	s3 =	sand.u32 $0x4000, s31;
	s1 =	sadd.s32 s1, s30  }
0xc0: {  	s0 =	sor.u32 s3, s0;
	s1 =	sshll.u32 s1, $0x11  }
0xc1: {  	s0 =	sor.u32 s1, s0  }
0xc2: {  	s0 =	sadd.s32 $0x8F2B, s0  }
0xc3: {  	[sflag:s0] =	ssyncadd.remote.s32 $0x1  }
0xc4: {  	_ =	sfence.sel $0xFFFF  }
0xc5: {  	[dreg:$0x0] =	wrdreg $0xFFFFFFFF;
	(pc) =	sbr.abs _section_cstart, $3  }
0xc6: {  	[dreg:$0x1] =	wrdreg $0xFFFFFFFF  }
0xc7: {  	_ =	task.clear_ibuf [dreg:s7], $0x2FFFF;
	_ =	strace $0x9FFFFFFF  }
0xc8: {  	(tm) =	ssettm $0x7FFFFFFF  }
0xc9: {  	_ =	shalt  }
tec
execute0_lowered:
.L_overlay_start_1:
0x0: {  	(tag) =	ssettag $0x1  }
0x1: {  	v19 =	vlaneseq.u32;
	v55 =	vimm.s32 $0x14131211  }
0x2: {  	v1 =	vimm.s32 $0x18171615;
	v2 =	vimm.s32 $0x1C1B1A19;
	v3 =	vimm.s32 $0x1F1E1D  }
0x3: {  	v4 =	vimm.s32 $0x15141312;
	v5 =	vimm.s32 $0x19181716;
	vm0 =	vcmask $0x1F10  }
0x4: {  	v7 =	vimm.s32 $0x1D1C1B1A;
	v59 =	vimm.s32 $0x1001F1E;
	v8 =	vimm.s32 $0x16151413  }
0x5: {  	v9 =	vimm.s32 $0x1A191817;
	v10 =	vimm.s32 $0x1E1D1C1B;
	v11 =	vimm.s32 $0x201001F  }
0x6: {  	v12 =	vimm.s32 $0x3020100;
	v13 =	vimm.s32 $0x1F1E1D1C;
	v14 =	vimm.s32 $0x17161514  }
0x7: {  	v15 =	vimm.s32 $0x1B1A1918;
	v18 =	vimm.s32 $0x4030201;
	v61 =	vimm.s32 $0x5040302  }
0x8: {  	v63 =	vimm.s32 $0x6050403;
	v38 =	vimm.s32 $0x76543210;
	v39 =	vimm.s32 $0x87654321  }
0x9: {  	v40 =	vimm.s32 $0x98765432;
	v43 =	vimm.s32 $0xA9876543;
	v44 =	vimm.s32 $0x32107654  }
0xa: {  	vm15 =	vcmask $0x2F10;
	vm1 =	vcmask $0x3F30;
	v0 =	vor.u32 $0x10, v19  }
0xb: {  	v45 =	vadd.s32 $0x6, v19;
	v46 =	vadd.s32 $0x7, v19;
	v47 =	vadd.s32 $0x8, v19  }
0xc: {  	v48 =	vadd.s32 $0x9, v19;
	v50 =	vadd.s32 $0xA, v19;
	v51 =	vadd.s32 $0xB, v19  }
0xd: {  	v52 =	vadd.s32 $0xC, v19;
	v53 =	vadd.s32 $0xD, v19;
	v54 =	vadd.s32 $0xE, v19;
	[tilespmem:$0x1FDC0] =	vst v0  }
0xe: {  	v1 =	vunpack.c.0.s8.s32 v1;
	v2 =	vunpack.c.0.s8.s32 v2;
	v3 =	vunpack.c.0.s8.s32 v3;
	[tilespmem:$0x1FDD0] =	vst v45  }
0xf: {  	v4 =	vunpack.c.0.s8.s32 v4;
	v5 =	vunpack.c.0.s8.s32 v5;
	v58 =	vunpack.c.0.s8.s32 v7;
	[tilespmem:$0x1FDE0] =	vst v46  }
0x10: {  	v7 =	vunpack.c.0.s8.s32 v59;
	v8 =	vunpack.c.0.s8.s32 v8;
	v9 =	vunpack.c.0.s8.s32 v9;
	[tilespmem:$0x1FDF0] =	vst v47  }
0x11: {  	v10 =	vunpack.c.0.s8.s32 v10;
	v11 =	vunpack.c.0.s8.s32 v11;
	v12 =	vunpack.c.0.s8.s32 v12;
	[tilespmem:$0x1FE00] =	vst v48  }
0x12: {  	v13 =	vunpack.c.0.s8.s32 v13;
	v14 =	vunpack.c.0.s8.s32 v14;
	v15 =	vunpack.c.0.s8.s32 v15;
	[tilespmem:$0x1FE10] =	vst v50  }
0x13: {  	v60 =	vunpack.c.0.s8.s32 v18;
	v62 =	vunpack.c.0.s8.s32 v61;
	[tilespmem:$0x1FE20] =	vst v51;
	v0 =	vunpack.c.0.s8.s32 v55  }
0x14: {  	v33 =	vunpack.c.0.s8.s32 v63;
	[tilespmem:$0x1FE30] =	vst v52;
	v12 =	vsel vm0, v12, v13;
	v14 =	vsel vm0, v15, v14  }
0x15: {  	[tilespmem:$0x1FE40] =	vst v53;
	v6 =	vsel vm0, v3, v2;
	v0 =	vsel vm0, v1, v0;
	v12 =	vcombine.low v14, v12  }
0x16: {  	[tilespmem:$0x1FE50] =	vst v54;
	v8 =	vsel vm0, v9, v8;
	v17 =	vsel vm0, v11, v10;
	v0 =	vcombine.low v0, v6  }
0x17: {  	v57 =	vsel vm0, v5, v4;
	v16 =	vsel vm0, v7, v58;
	v32 =	vcombine.low v8, v17;
	[tilespmem:$0x1FE70] =	vst v12  }
0x18: {  	v34 =	vsel vm0, v60, v3;
	v1 =	vsel vm0, v2, v1;
	[tilespmem:$0x1FE60] =	vst v0;
	v0 =	vcombine.low v57, v16  }
0x19: {  	v4 =	vsel vm0, v58, v5;
	v2 =	vsel vm0, v62, v7;
	v1 =	vcombine.low v1, v34;
	[tilespmem:$0x1FE90] =	vst v32  }
0x1a: {  	v37 =	vsel vm0, v10, v9;
	v35 =	vcombine.low v4, v2;
	[tilespmem:$0x1FE80] =	vst v0;
	v0 =	vsel vm0, v33, v11  }
0x1b: {  	s6 =	rddreg [dreg:$0x0];
	v20 =	vmul.u32 $0x20, v19;
	v25 =	vadd.s32 $0x1, v19;
	[tilespmem:$0x1FEA0] =	vst v1;
	v0 =	vcombine.low v37, v0  }
0x1c: {  	s2 =	rddreg [dreg:$0x1];
	s3 =	simm.s32 $0x0;
	v28 =	vadd.s32 $0x2, v19;
	v36 =	vadd.s32 $0x3, v19;
	v49 =	vadd.s32 $0x4, v19;
	[tilespmem:$0x1FEB0] =	vst v35  }
0x1d: {  	s1 =	srdreg.scid;
	v56 =	vadd.s32 $0x5, v19;
	[smem:$0x7FF] =	sst s3;
	v63 =	vadd.s32 $0xF, v19;
	v51 =	vimm.s32 $0x43218765;
	[tilespmem:$0x1FEC0] =	vst v0  }
0x1e: {  	v42 =	vunpack.c.l.s4.s8 v40;
	s5 =	sand.u32 $0x1, s1;
	s1 =	rddreg [dreg:$0x2];
	v46 =	vunpack.c.l.s4.s8 v44;
	v53 =	vimm.s32 $0x54329876;
	_ =	strace $0x80000047;
	[tilespmem:$0x1FED0] =	vst v63  }
0x1f: {  	v54 =	vimm.s32 $0x6543A987;
	v55 =	vimm.s32 $0xB0A0908;
	v21 =	vor.u32 $0x800, v20;
	[tilespmem:$0x1FEE0] =	vst v20  }
0x20: {  	v22 =	vor.u32 $0x600, v20;
	v23 =	vor.u32 $0x400, v20;
	v24 =	vor.u32 $0x200, v20;
	[tilespmem:$0x1FEF0] =	vst v21  }
0x21: {  	v41 =	vsel vm0, v13, v15;
	v5 =	vunpack.c.l.s4.s8 v43;
	v58 =	vimm.s32 $0xC0B0A09;
	[tilespmem:$0x1FF00] =	vst v22  }
0x22: {  	v60 =	vimm.s32 $0xD0C0B0A;
	v2 =	vunpack.c.l.s4.s8 v38;
	v4 =	vunpack.c.l.s4.s8 v39;
	[tilespmem:$0x1FF10] =	vst v23  }
0x23: {  	v62 =	vimm.s32 $0xE0D0C0B;
	v48 =	vunpack.c.0.s8.s32 v5;
	v5 =	vunpack.c.l.s4.s8 v54;
	[tilespmem:$0x1FF20] =	vst v24  }
0x24: {  	v2 =	vunpack.c.0.s8.s32 v2;
	v4 =	vunpack.c.0.s8.s32 v4;
	v1 =	vunpack.c.0.s8.s32 v42;
	[tilespmem:$0x1FF30] =	vst v25  }
0x25: {  	v50 =	vunpack.c.0.s8.s32 v46;
	v8 =	vunpack.c.0.s8.s32 v62;
	v5 =	vunpack.c.0.s8.s32 v5;
	[tilespmem:$0x1FF40] =	vst v28  }
0x26: {  	v61 =	vcombine.low v41, v2;
	v45 =	vand.u32 $0xF, v4;
	v47 =	vand.u32 $0xF, v1;
	[tilespmem:$0x1FF50] =	vst v36  }
0x27: {  	v1 =	vand.u32 $0xF, v48;
	v2 =	vunpack.c.l.s4.s8 v51;
	v4 =	vunpack.c.l.s4.s8 v53;
	[tilespmem:$0x1FF60] =	vst v49  }
0x28: {  	v5 =	vand.u32 $0xF, v5;
	v59 =	vcombine.low v6, v45;
	v52 =	vcombine.low v16, v47;
	[tilespmem:$0x1FF70] =	vst v56  }
0x29: {  	s0 =	stileid.u32;
	s9 =	simm.s32 $0x7620;
	s10 =	simm.s32 $0x3;
	v6 =	vunpack.c.0.s8.s32 v55;
	v5 =	vsel vm15, v5, v11;
	v2 =	vunpack.c.0.s8.s32 v2;
	[tilespmem:$0x1FF80] =	vst v61  }
0x2a: {  	s11 =	simm.s32 $0x2710;
	s12 =	simm.s32 $0x4E200;
	s13 =	simm.s32 $0x50;
	v46 =	vcombine.low v17, v1;
	v4 =	vunpack.c.0.s8.s32 v4;
	v0 =	vand.u32 $0xF, v50;
	[tilespmem:$0x1FF90] =	vst v59  }
0x2b: {  	s14 =	simm.s32 $0x4E20;
	s15 =	simm.s32 $0x6220;
	s4 =	sshll.u32 s0, $0x1;
	v29 =	vsel vm1, v8, v5;
	v0 =	vsel vm15, v0, v13;
	v2 =	vand.u32 $0xF, v2;
	[tilespmem:$0x1FFA0] =	vst v52  }
0x2c: {  	s16 =	simm.s32 $0x1;
	s17 =	simm.s32 $0x2;
	s4 =	sor.u32 s5, s4;
	v57 =	vand.u32 $0xF, v4;
	v4 =	vunpack.c.0.s8.s32 v58;
	[tilespmem:$0x1FFB0] =	vst v46;
	v2 =	vsel vm15, v2, v3  }
0x2d: {  	s18 =	simm.s32 $0x7830;
	s8 =	ssub.s32 $0x2, s5;
	s7 =	smul.u32 $0x4E2, s4;
	[tilespmem:$0x1FFF0] =	vst v29;
	v3 =	vsel vm15, v57, v7;
	v7 =	vunpack.c.0.s8.s32 v60;
	v47 =	vsel vm1, v6, v0  }
0x2e: {  	s19 =	simm.s32 $0x0;
	s5 =	sadd.s32 $0xBA00, s6;
	s31 =	sshrl.u32 s8, $0x1;
	v33 =	vsel vm1, v4, v2;
	[tilespmem:$0x1FFC0] =	vst v47  }
0x2f: {  	s4 =	sadd.s32 $0x1C00, s6;
	s8 =	ssub.s32 s8, s31;
	s7 =	sadd.s32 s7, s6;
	v34 =	vsel vm1, v7, v3;
	[tilespmem:$0x1FFD0] =	vst v33  }
0x30: {  	s8 =	smax.u32 s8, $0x1;
	s6 =	sadd.s32 $0x15800, s7;
	s7 =	sadd.s32 $0x29200, s7;
	[tilespmem:$0x1FFE0] =	vst v34  }
.LBB2_1:
0x31: {  	[tilespmem:s9], [sflag:$0x3] =	stream.linear.gather [hbm4b:s2+s3], $0x210, $0x38;
	[tilespmem:$0x9F40] =	vst v63  }
0x32: {  	_ =	swait.ge [sflag:s10], $0x210  }
0x33: {  	[sflag:s10] =	ssyncset.done $0x0  }
0x34: {  	[sflag:s10] =	ssyncadd.s32 $0xFFFFFDF0  }
0x35: {  	[tilespmem:s3], [sflag:$0x3] =	stream.strided.gather [hbm4b:s6+s11], $0x4E20, s12, s11, $0x38;
	[tilespmem:$0x9F40] =	vst v63  }
0x36: {  	_ =	swait.ge [sflag:s10], $0x4E20  }
0x37: {  	[sflag:s10] =	ssyncset.done $0x0  }
0x38: {  	[sflag:s10] =	ssyncadd.s32 $0xFFFFB1E0  }
0x39: {  	v0 =	vld [tilespmem:$0x7820];
	_ =	sdelay $0x1  }
0x3a: {  	[tilespmem:s14], [sflag:$0x1] =	stream.indirect.gather [hbm4b:s4+s13], $0x20, s3, s13, $0xb8;
	[tilespmem:$0x9F40] =	vst v63  }
0x3b: {  	_ = 	snop  }
0x3c: {  	[tilespmem:s15], [sflag:$0x2] =	stream.indirect.gather [hbm4b:s5+s13], $0x20, s11, s13, $0xb8;
	[tilespmem:$0x9F40] =	vst v63  }
0x3d: {  	s20 =	simm.s32 $0x2760;
	s21 =	simm.s32 $0x7850;
	s22 =	simm.s32 $0x0;
	[tilespmem:$0x1FDB0] =	vst v0  }
.LBB2_2:
0x3e: {  	s23 =	sand.u32 $0x1, s22  }
0x3f: {  	_ =	swait.ge [sflag:s16], $0xA00;
	s24 =	smul.u32 $0x50, s23  }
0x40: {  	[sflag:s16] =	ssyncset.done $0x0  }
0x41: {  	p0 =	seq.s32 s22, $0x7C;
	[sflag:s16] =	ssyncadd.s32 $0xFFFFF600;
	v0 =	vmov s24  }
0x42: {  	s23 =	sxor.u32 @!p0 $0x1, s23;
	_ =	swait.ge [sflag:s17], $0xA00;
	v0 =	vshll.u32 v0, $0x5  }
0x43: {  	s23 =	smul.u32 @!p0 $0xA00, s23;
	v61 =	vld [tilespmem:$0x1FF40];
	v42 =	vor.u32 v20, v0;
	v41 =	vadd.s32 v24, v0  }
0x44: {  	s25 =	sadd.s32 @!p0 $0xFFFFD8F0, s20;
	[sflag:s17] =	ssyncset.done $0x0;
	v40 =	vadd.s32 v23, v0;
	v39 =	vadd.s32 v22, v0;
	v1 =	vor.u32 v19, v42  }
0x45: {  	s26 =	simm.s32 @!p0 $0x50;
	s24 =	sadd.s32 @!p0 $0x4E20, s23;
	v63 =	vld [tilespmem:$0x1FF50];
	[sflag:s17] =	ssyncadd.s32 $0xFFFFF600;
	v38 =	vadd.s32 v21, v0;
	v4 =	vor.u32 v19, v41;
	v5 =	vor.u32 v19, v40  }
0x46: {  	v2 =	vld [tilespmem:$0x1FDD0];
	[tilespmem:s24], [sflag:$0x1] =	stream.indirect.gather @!p0 [hbm4b:s4+s26], $0x20, s25, s26, $0xb8;
	v20 =	vor.u32 v28, v42;
	v22 =	vor.u32 v28, v41;
	v43 =	vor.u32 v49, v42  }
0x47: {  	s23 =	sadd.s32 @!p0 $0x6220, s23;
	v3 =	vor.u32 v49, v41;
	v45 =	vor.u32 v49, v40;
	v47 =	vor.u32 v49, v39;
	v49 =	vld [tilespmem:$0x1FF60]  }
0x48: {  	v24 =	vor.u32 v28, v40;
	v26 =	vor.u32 v28, v39;
	[tilespmem:s23], [sflag:$0x2] =	stream.indirect.gather @!p0 [hbm4b:s5+s26], $0x20, s20, s26, $0xb8;
	v28 =	vor.u32 v61, v38;
	v61 =	vld [tilespmem:$0x1FF70]  }
0x49: {  	v8 =	vld.idx.msk [tilespmem:v1+s14+$0x0], $0xffff  }
0x4a: {  	v58 =	vor.u32 v19, v39;
	v6 =	vld.idx.msk [tilespmem:v1+s15+$0x0], $0xffff  }
0x4b: {  	v23 =	vld.idx.msk [tilespmem:v4+s14+$0x0], $0xffff  }
0x4c: {  	v0 =	vor.u32 v19, v38;
	v11 =	vld.idx.msk [tilespmem:v4+s15+$0x0], $0xffff  }
0x4d: {  	v16 =	vld.idx.msk [tilespmem:v5+s14+$0x0], $0xffff  }
0x4e: {  	v15 =	vld.idx.msk [tilespmem:v5+s15+$0x0], $0xffff  }
0x4f: {  	v27 =	vld.idx.msk [tilespmem:v58+s14+$0x0], $0xffff  }
0x50: {  	v17 =	vld.idx.msk [tilespmem:v58+s15+$0x0], $0xffff  }
0x51: {  	v59 =	vor.u32 v25, v42;
	v12 =	vld.idx.msk [tilespmem:v0+s14+$0x0], $0xffff  }
0x52: {  	v7 =	vor.u32 v25, v41;
	v29 =	vor.u32 v36, v42;
	v57 =	vld.idx.msk [tilespmem:v45+s14+$0x0], $0xffff  }
0x53: {  	v32 =	vor.u32 v36, v41;
	v34 =	vor.u32 v36, v40;
	v62 =	vor.u32 v36, v39;
	v36 =	vld.idx.msk [tilespmem:v45+s15+$0x0], $0xffff  }
0x54: {  	v45 =	vor.u32 v56, v42;
	v56 =	vld [tilespmem:$0x1FF70]  }
0x55: {  	v14 =	vor.u32 v25, v40;
	v10 =	vld.idx.msk [tilespmem:v0+s15+$0x0], $0xffff  }
0x56: {  	v9 =	vld.idx.msk [tilespmem:v59+s14+$0x0], $0xffff  }
0x57: {  	v60 =	vor.u32 v25, v39;
	v4 =	vld.idx.msk [tilespmem:v59+s15+$0x0], $0xffff  }
0x58: {  	v19 =	vld.idx.msk [tilespmem:v7+s14+$0x0], $0xffff  }
0x59: {  	v13 =	vld.idx.msk [tilespmem:v7+s15+$0x0], $0xffff;
	v56 =	vor.u32 v56, v41  }
0x5a: {  	v21 =	vld.idx.msk [tilespmem:v14+s14+$0x0], $0xffff  }
0x5b: {  	v18 =	vor.u32 v25, v38;
	v14 =	vld.idx.msk [tilespmem:v14+s15+$0x0], $0xffff  }
0x5c: {  	v7 =	vld.idx.msk [tilespmem:v60+s14+$0x0], $0xffff  }
0x5d: {  	v59 =	vld [tilespmem:$0x1FF70]  }
0x5e: {  	v0 =	vld.idx.msk [tilespmem:v56+s14+$0x0], $0xffff  }
0x5f: {  	v5 =	vld.idx.msk [tilespmem:v60+s15+$0x0], $0xffff  }
0x60: {  	v37 =	vor.u32 v63, v38;
	v25 =	vld.idx.msk [tilespmem:v18+s14+$0x0], $0xffff  }
0x61: {  	v18 =	vld.idx.msk [tilespmem:v18+s15+$0x0], $0xffff  }
0x62: {  	v52 =	vld.idx.msk [tilespmem:v43+s14+$0x0], $0xffff;
	v59 =	vor.u32 v59, v40  }
0x63: {  	[tilespmem:$0x1F770] =	vst v0;
	v0 =	vld [tilespmem:$0x1FF70]  }
0x64: {  	v55 =	vld.idx.msk [tilespmem:v3+s15+$0x0], $0xffff  }
0x65: {  	v50 =	vld.idx.msk [tilespmem:v37+s14+$0x0], $0xffff  }
0x66: {  	v54 =	vld.idx.msk [tilespmem:v37+s15+$0x0], $0xffff;
	v61 =	vor.u32 v61, v39  }
0x67: {  	v1 =	vld.idx.msk [tilespmem:v59+s14+$0x0], $0xffff  }
0x68: {  	v59 =	vld.idx.msk [tilespmem:v59+s15+$0x0], $0xffff;
	v0 =	vor.u32 v0, v38  }
0x69: {  	v37 =	vld.idx.msk [tilespmem:v43+s15+$0x0], $0xffff  }
0x6a: {  	v43 =	vld.idx.msk [tilespmem:v3+s14+$0x0], $0xffff  }
0x6b: {  	v3 =	vld.idx.msk [tilespmem:v61+s14+$0x0], $0xffff  }
0x6c: {  	v61 =	vld.idx.msk [tilespmem:v61+s15+$0x0], $0xffff;
	[tilespmem:$0x1F780] =	vst v1  }
0x6d: {  	[tilespmem:$0x1F790] =	vst v59;
	v1 =	vor.u32 v2, v42;
	v59 =	vld.idx.msk [tilespmem:v0+s14+$0x0], $0xffff  }
0x6e: {  	v30 =	vld.idx.msk [tilespmem:v20+s14+$0x0], $0xffff  }
0x6f: {  	v20 =	vld.idx.msk [tilespmem:v20+s15+$0x0], $0xffff  }
0x70: {  	v31 =	vld.idx.msk [tilespmem:v22+s14+$0x0], $0xffff  }
0x71: {  	[tilespmem:$0x1F7B0] =	vst v61;
	v0 =	vld.idx.msk [tilespmem:v0+s15+$0x0], $0xffff  }
0x72: {  	v61 =	vor.u32 v2, v41;
	[tilespmem:$0x1F7C0] =	vst v59;
	v59 =	vld.idx.msk [tilespmem:v1+s14+$0x0], $0xffff  }
0x73: {  	v22 =	vld.idx.msk [tilespmem:v22+s15+$0x0], $0xffff  }
0x74: {  	v33 =	vld.idx.msk [tilespmem:v24+s14+$0x0], $0xffff  }
0x75: {  	v24 =	vld.idx.msk [tilespmem:v24+s15+$0x0], $0xffff  }
0x76: {  	[tilespmem:$0x1F7D0] =	vst v0;
	v1 =	vld.idx.msk [tilespmem:v1+s15+$0x0], $0xffff  }
0x77: {  	v0 =	vor.u32 v2, v40;
	[tilespmem:$0x1F7E0] =	vst v59;
	v59 =	vld.idx.msk [tilespmem:v61+s14+$0x0], $0xffff  }
0x78: {  	v35 =	vld.idx.msk [tilespmem:v26+s14+$0x0], $0xffff  }
0x79: {  	v26 =	vld.idx.msk [tilespmem:v26+s15+$0x0], $0xffff  }
0x7a: {  	v46 =	vld.idx.msk [tilespmem:v29+s14+$0x0], $0xffff  }
0x7b: {  	[tilespmem:$0x1F7F0] =	vst v1;
	v61 =	vld.idx.msk [tilespmem:v61+s15+$0x0], $0xffff  }
0x7c: {  	v1 =	vor.u32 v2, v39;
	[tilespmem:$0x1F800] =	vst v59;
	v59 =	vld.idx.msk [tilespmem:v0+s14+$0x0], $0xffff  }
0x7d: {  	v29 =	vld.idx.msk [tilespmem:v29+s15+$0x0], $0xffff  }
0x7e: {  	v48 =	vld.idx.msk [tilespmem:v32+s14+$0x0], $0xffff  }
0x7f: {  	v0 =	vld.idx.msk [tilespmem:v0+s15+$0x0], $0xffff  }
0x80: {  	[tilespmem:$0x1F810] =	vst v61;
	v61 =	vor.u32 v2, v38;
	v2 =	vld [tilespmem:$0x1FDE0]  }
0x81: {  	[tilespmem:$0x1F820] =	vst v59;
	v59 =	vld.idx.msk [tilespmem:v1+s14+$0x0], $0xffff  }
0x82: {  	v32 =	vld.idx.msk [tilespmem:v32+s15+$0x0], $0xffff  }
0x83: {  	v53 =	vld.idx.msk [tilespmem:v34+s14+$0x0], $0xffff  }
0x84: {  	v58 =	vld.idx.msk [tilespmem:v34+s15+$0x0], $0xffff  }
0x85: {  	[tilespmem:$0x1F830] =	vst v0;
	v1 =	vld.idx.msk [tilespmem:v1+s15+$0x0], $0xffff  }
0x86: {  	v0 =	vor.u32 v2, v42;
	[tilespmem:$0x1F840] =	vst v59;
	v59 =	vld.idx.msk [tilespmem:v61+s14+$0x0], $0xffff  }
0x87: {  	v51 =	vld.idx.msk [tilespmem:v62+s14+$0x0], $0xffff  }
0x88: {  	v34 =	vld.idx.msk [tilespmem:v62+s15+$0x0], $0xffff  }
0x89: {  	v60 =	vld.idx.msk [tilespmem:v47+s14+$0x0], $0xffff  }
0x8a: {  	v47 =	vld.idx.msk [tilespmem:v47+s15+$0x0], $0xffff;
	[tilespmem:$0x1F850] =	vst v1  }
0x8b: {  	v1 =	vor.u32 v2, v41;
	[tilespmem:$0x1F860] =	vst v59;
	v59 =	vld.idx.msk [tilespmem:v0+s14+$0x0], $0xffff  }
0x8c: {  	v49 =	vor.u32 v49, v38;
	v44 =	vld.idx.msk [tilespmem:v28+s14+$0x0], $0xffff  }
0x8d: {  	v28 =	vld.idx.msk [tilespmem:v28+s15+$0x0], $0xffff  }
0x8e: {  	v61 =	vld.idx.msk [tilespmem:v61+s15+$0x0], $0xffff  }
0x8f: {  	v0 =	vld.idx.msk [tilespmem:v0+s15+$0x0], $0xffff  }
0x90: {  	[tilespmem:$0x1F880] =	vst v59;
	v59 =	vld.idx.msk [tilespmem:v1+s14+$0x0], $0xffff  }
0x91: {  	v62 =	vld.idx.msk [tilespmem:v49+s14+$0x0], $0xffff  }
0x92: {  	v49 =	vld.idx.msk [tilespmem:v49+s15+$0x0], $0xffff;
	[tilespmem:$0x1F7A0] =	vst v3  }
0x93: {  	v63 =	vld.idx.msk [tilespmem:v45+s14+$0x0], $0xffff;
	[tilespmem:$0x1F870] =	vst v61  }
0x94: {  	v45 =	vld.idx.msk [tilespmem:v45+s15+$0x0], $0xffff;
	v61 =	vor.u32 v2, v40;
	[tilespmem:$0x1F890] =	vst v0  }
0x95: {  	v56 =	vld.idx.msk [tilespmem:v56+s15+$0x0], $0xffff;
	[tilespmem:$0x1F8A0] =	vst v59  }
0x96: {  	v1 =	vld.idx.msk [tilespmem:v1+s15+$0x0], $0xffff;
	_ =	sdelay $0x2  }
0x97: {  	v0 =	vor.u32 v2, v39;
	v59 =	vld.idx.msk [tilespmem:v61+s14+$0x0], $0xffff  }
0x98: {  	v61 =	vld.idx.msk [tilespmem:v61+s15+$0x0], $0xffff  }
0x99: {  	[tilespmem:$0x1F8B0] =	vst v1;
	v1 =	vor.u32 v2, v38;
	v2 =	vld [tilespmem:$0x1FDF0];
	_ =	sdelay $0x2  }
0x9a: {  	v3 =	vld.idx.msk [tilespmem:v0+s14+$0x0], $0xffff  }
0x9b: {  	v0 =	vld.idx.msk [tilespmem:v0+s15+$0x0], $0xffff;
	[tilespmem:$0x1F8C0] =	vst v59  }
0x9c: {  	[tilespmem:$0x1F8D0] =	vst v61;
	v61 =	vor.u32 v2, v42;
	v59 =	vld.idx.msk [tilespmem:v1+s14+$0x0], $0xffff;
	_ =	sdelay $0x3  }
0x9d: {  	[tilespmem:$0x1F8F0] =	vst v0;
	v1 =	vld.idx.msk [tilespmem:v1+s15+$0x0], $0xffff  }
0x9e: {  	v0 =	vor.u32 v2, v41;
	[tilespmem:$0x1F900] =	vst v59;
	v59 =	vld.idx.msk [tilespmem:v61+s14+$0x0], $0xffff;
	_ =	sdelay $0x3  }
0x9f: {  	[tilespmem:$0x1F910] =	vst v1;
	v61 =	vld.idx.msk [tilespmem:v61+s15+$0x0], $0xffff  }
0xa0: {  	v1 =	vor.u32 v2, v40;
	[tilespmem:$0x1F920] =	vst v59;
	v59 =	vld.idx.msk [tilespmem:v0+s14+$0x0], $0xffff;
	_ =	sdelay $0x3  }
0xa1: {  	[tilespmem:$0x1F930] =	vst v61;
	v0 =	vld.idx.msk [tilespmem:v0+s15+$0x0], $0xffff  }
0xa2: {  	v61 =	vor.u32 v2, v39;
	[tilespmem:$0x1F940] =	vst v59;
	v59 =	vld.idx.msk [tilespmem:v1+s14+$0x0], $0xffff;
	_ =	sdelay $0x2  }
0xa3: {  	v1 =	vld.idx.msk [tilespmem:v1+s15+$0x0], $0xffff  }
0xa4: {  	[tilespmem:$0x1F950] =	vst v0;
	v0 =	vor.u32 v2, v38;
	v2 =	vld [tilespmem:$0x1FE00]  }
0xa5: {  	[tilespmem:$0x1F960] =	vst v59;
	v59 =	vld.idx.msk [tilespmem:v61+s14+$0x0], $0xffff;
	_ =	sdelay $0x3  }
0xa6: {  	[tilespmem:$0x1F970] =	vst v1;
	v61 =	vld.idx.msk [tilespmem:v61+s15+$0x0], $0xffff  }
0xa7: {  	v1 =	vor.u32 v2, v42;
	[tilespmem:$0x1F980] =	vst v59;
	v59 =	vld.idx.msk [tilespmem:v0+s14+$0x0], $0xffff;
	_ =	sdelay $0x3  }
0xa8: {  	[tilespmem:$0x1F990] =	vst v61;
	v0 =	vld.idx.msk [tilespmem:v0+s15+$0x0], $0xffff  }
0xa9: {  	v61 =	vor.u32 v2, v41;
	[tilespmem:$0x1F9A0] =	vst v59;
	v59 =	vld.idx.msk [tilespmem:v1+s14+$0x0], $0xffff;
	_ =	sdelay $0x3  }
0xaa: {  	[tilespmem:$0x1F9B0] =	vst v0;
	v1 =	vld.idx.msk [tilespmem:v1+s15+$0x0], $0xffff  }
0xab: {  	v0 =	vor.u32 v2, v40;
	[tilespmem:$0x1F9C0] =	vst v59;
	v59 =	vld.idx.msk [tilespmem:v61+s14+$0x0], $0xffff;
	_ =	sdelay $0x3  }
0xac: {  	[tilespmem:$0x1F9D0] =	vst v1;
	v61 =	vld.idx.msk [tilespmem:v61+s15+$0x0], $0xffff  }
0xad: {  	v1 =	vor.u32 v2, v39;
	[tilespmem:$0x1F9E0] =	vst v59;
	v59 =	vld.idx.msk [tilespmem:v0+s14+$0x0], $0xffff  }
0xae: {  	v0 =	vld.idx.msk [tilespmem:v0+s15+$0x0], $0xffff;
	_ =	sdelay $0x2  }
0xaf: {  	[tilespmem:$0x1F9F0] =	vst v61  }
0xb0: {  	[tilespmem:$0x1FA00] =	vst v59;
	v59 =	vld.idx.msk [tilespmem:v1+s14+$0x0], $0xffff  }
0xb1: {  	v61 =	vor.u32 v2, v38;
	[tilespmem:$0x1FA10] =	vst v0;
	v0 =	vld [tilespmem:$0x1FE10];
	_ =	sdelay $0x3  }
0xb2: {  	v1 =	vld.idx.msk [tilespmem:v1+s15+$0x0], $0xffff  }
0xb3: {  	[tilespmem:$0x1FA20] =	vst v59;
	v2 =	vor.u32 v0, v42;
	v59 =	vld.idx.msk [tilespmem:v61+s14+$0x0], $0xffff;
	_ =	sdelay $0x3  }
0xb4: {  	[tilespmem:$0x1FA30] =	vst v1  }
0xb5: {  	v1 =	vor.u32 v0, v41;
	[tilespmem:$0x1FA40] =	vst v59;
	v59 =	vld.idx.msk [tilespmem:v2+s14+$0x0], $0xffff;
	_ =	sdelay $0x3  }
0xb6: {  	[tilespmem:$0x1F8E0] =	vst v3;
	v2 =	vld.idx.msk [tilespmem:v2+s15+$0x0], $0xffff  }
0xb7: {  	v3 =	vor.u32 v0, v40;
	[tilespmem:$0x1FA60] =	vst v59;
	v59 =	vld.idx.msk [tilespmem:v1+s14+$0x0], $0xffff  }
0xb8: {  	v1 =	vld.idx.msk [tilespmem:v1+s15+$0x0], $0xffff  }
0xb9: {  	v61 =	vld.idx.msk [tilespmem:v61+s15+$0x0], $0xffff  }
0xba: {  	v9 =	vadd.f32 v4, v9  }
0xbb: {  	[tilespmem:$0x1FA70] =	vst v2;
	v2 =	vadd.f32 v6, v8;
	v6 =	vld [tilespmem:$0x7630];
	v8 =	vor.u32 v0, v39  }
0xbc: {  	v4 =	vadd.f32 v11, v23;
	v11 =	vmax.f32 v9, $0.0e+00;
	v9 =	vld.idx.msk [tilespmem:v3+s15+$0x0], $0xffff  }
0xbd: {  	v23 =	vld [tilespmem:$0x1FE20];
	[tilespmem:$0x1FA90] =	vst v1;
	v1 =	vor.u32 v0, v38  }
0xbe: {  	[tilespmem:$0x1FA50] =	vst v61;
	v61 =	vld [tilespmem:$0x7620]  }
0xbf: {  	[tilespmem:$0x1FA80] =	vst v59;
	v59 =	vld.idx.msk [tilespmem:v3+s14+$0x0], $0xffff  }
0xc0: {  	v3 =	vmul.f32 v11, v6;
	v11 =	vld.idx.msk [tilespmem:v8+s14+$0x0], $0xffff  }
0xc1: {  	[tilespmem:$0x1FAA0] =	vst v9;
	v9 =	vadd.f32 v15, v16;
	v15 =	vld [tilespmem:$0x1FDB0]  }
0xc2: {  	v10 =	vadd.f32 v10, v12;
	v2 =	vmax.f32 v2, $0.0e+00;
	v12 =	vld.idx.msk [tilespmem:v1+s14+$0x0], $0xffff  }
0xc3: {  	v0 =	vmul.f32 v2, v61;
	v2 =	vor.u32 v23, v42;
	v1 =	vld.idx.msk [tilespmem:v1+s15+$0x0], $0xffff;
	_ =	sdelay $0x1  }
0xc4: {  	[tilespmem:$0x1FAB0] =	vst v11;
	v11 =	vadd.f32 v17, v27;
	v27 =	vld.idx.msk [tilespmem:v8+s15+$0x0], $0xffff;
	v8 =	vor.u32 v23, v41  }
0xc5: {  	v13 =	vadd.f32 v13, v19  }
0xc6: {  	v5 =	vadd.f32 v5, v7;
	v0 =	vadd.f32 v0, v15  }
0xc7: {  	v7 =	vor.u32 v23, v40;
	[tilespmem:$0x1FAD0] =	vst v1;
	v1 =	vadd.f32 v14, v21;
	v14 =	vld.idx.msk [tilespmem:v2+s14+$0x0], $0xffff  }
0xc8: {  	v0 =	vadd.f32 v3, v0;
	v2 =	vld.idx.msk [tilespmem:v2+s15+$0x0], $0xffff  }
0xc9: {  	v3 =	vmax.f32 v4, $0.0e+00;
	v4 =	vmax.f32 v9, $0.0e+00;
	v9 =	vmax.f32 v13, $0.0e+00;
	v13 =	vld.idx.msk [tilespmem:v8+s14+$0x0], $0xffff  }
0xca: {  	v8 =	vld.idx.msk [tilespmem:v8+s15+$0x0], $0xffff  }
0xcb: {  	[tilespmem:$0x1FAC0] =	vst v12  }
0xcc: {  	v12 =	vmax.f32 v11, $0.0e+00;
	v11 =	vor.u32 v23, v39;
	[tilespmem:$0x1FAE0] =	vst v14;
	v14 =	vld.idx.msk [tilespmem:v7+s15+$0x0], $0xffff  }
0xcd: {  	v3 =	vmul.f32 v3, v61;
	v4 =	vmul.f32 v4, v61;
	[tilespmem:$0x1FAF0] =	vst v2  }
0xce: {  	v9 =	vmul.f32 v9, v6;
	[tilespmem:$0x1FB00] =	vst v13;
	v2 =	vmul.f32 v12, v61;
	v12 =	vor.u32 v23, v38;
	v13 =	vld [tilespmem:$0x1FE30]  }
0xcf: {  	v3 =	vadd.f32 v3, v15;
	v1 =	vmax.f32 v1, $0.0e+00;
	[tilespmem:$0x1FB10] =	vst v8;
	v8 =	vmax.f32 v10, $0.0e+00;
	v10 =	vld [tilespmem:$0x7640]  }
0xd0: {  	v4 =	vadd.f32 v4, v15;
	v1 =	vmul.f32 v1, v6;
	v8 =	vmul.f32 v8, v61;
	v61 =	vld.idx.msk [tilespmem:v7+s14+$0x0], $0xffff  }
0xd1: {  	v3 =	vadd.f32 v9, v3;
	v9 =	vadd.f32 v18, v25;
	[tilespmem:$0x1FB20] =	vst v14;
	v14 =	vld.idx.msk [tilespmem:v11+s14+$0x0], $0xffff  }
0xd2: {  	v1 =	vadd.f32 v1, v4;
	v4 =	vmax.f32 v5, $0.0e+00;
	v7 =	vadd.f32 v20, v30;
	v11 =	vld.idx.msk [tilespmem:v11+s15+$0x0], $0xffff  }
0xd3: {  	v2 =	vadd.f32 v2, v15;
	v8 =	vadd.f32 v8, v15;
	v5 =	vor.u32 v13, v42;
	v15 =	vld.idx.msk [tilespmem:v12+s14+$0x0], $0xffff  }
0xd4: {  	v33 =	vadd.f32 v24, v33  }
0xd5: {  	v9 =	vmax.f32 v9, $0.0e+00;
	v4 =	vmul.f32 v4, v6;
	v7 =	vmax.f32 v7, $0.0e+00;
	v12 =	vld.idx.msk [tilespmem:v12+s15+$0x0], $0xffff  }
0xd6: {  	v6 =	vmul.f32 v9, v6;
	v9 =	vadd.f32 v22, v31;
	v7 =	vmul.f32 v7, v10;
	[tilespmem:$0x1FB30] =	vst v14  }
0xd7: {  	v16 =	vld [tilespmem:$0x1FE80];
	v2 =	vadd.f32 v4, v2;
	v4 =	vmax.f32 v33, $0.0e+00;
	[tilespmem:$0x1FB40] =	vst v11;
	v11 =	vor.u32 v13, v41  }
0xd8: {  	v4 =	vmul.f32 v4, v10;
	v0 =	vadd.f32 v7, v0;
	[tilespmem:$0x1FB50] =	vst v15;
	v14 =	vmax.f32 v9, $0.0e+00;
	v15 =	vld.idx.msk [tilespmem:v5+s14+$0x0], $0xffff  }
0xd9: {  	v9 =	vor.u32 v13, v40;
	v5 =	vld.idx.msk [tilespmem:v5+s15+$0x0], $0xffff;
	v7 =	vmul.f32 v14, v10;
	v14 =	vadd.f32 v29, v46  }
0xda: {  	v6 =	vadd.f32 v6, v8;
	v8 =	vld [tilespmem:$0x7650];
	[tilespmem:$0x1FB60] =	vst v12;
	v12 =	vor.u32 v13, v39  }
0xdb: {  	v1 =	vadd.f32 v4, v1;
	v4 =	vmax.f32 v14, $0.0e+00;
	v14 =	vld [tilespmem:$0x1FE40]  }
0xdc: {  	v33 =	vadd.f32 v26, v35;
	v35 =	vadd.f32 v28, v44;
	v44 =	vld.idx.msk [tilespmem:v11+s14+$0x0], $0xffff  }
0xdd: {  	[tilespmem:$0x1FB70] =	vst v15;
	v11 =	vld.idx.msk [tilespmem:v11+s15+$0x0], $0xffff  }
0xde: {  	[tilespmem:$0x1FB80] =	vst v5;
	v5 =	vmax.f32 v33, $0.0e+00;
	v15 =	vld.idx.msk [tilespmem:v9+s14+$0x0], $0xffff  }
0xdf: {  	v3 =	vadd.f32 v7, v3;
	v7 =	vmax.f32 v35, $0.0e+00;
	v35 =	vld.idx.msk [tilespmem:v12+s14+$0x0], $0xffff;
	v5 =	vmul.f32 v5, v10  }
0xe0: {  	v4 =	vmul.f32 v4, v8;
	v33 =	vadd.f32 v32, v48;
	v48 =	vld.idx.msk [tilespmem:v9+s15+$0x0], $0xffff;
	v32 =	vadd.f32 v37, v52  }
0xe1: {  	v9 =	vld [tilespmem:$0x7660];
	v52 =	vadd.f32 v36, v57;
	v2 =	vadd.f32 v5, v2;
	v5 =	vor.u32 v14, v42  }
0xe2: {  	v7 =	vmul.f32 v7, v10;
	v36 =	vld [tilespmem:$0x1F770]  }
0xe3: {  	v0 =	vadd.f32 v4, v0;
	v4 =	vmax.f32 v52, $0.0e+00;
	v52 =	vld [tilespmem:$0x1F780];
	v10 =	vor.u32 v14, v41  }
0xe4: {  	[tilespmem:$0x1FBC0] =	vst v35;
	v35 =	vld.idx.msk [tilespmem:v12+s15+$0x0], $0xffff  }
0xe5: {  	[tilespmem:$0x1FBB0] =	vst v15;
	v15 =	vld [tilespmem:$0x1F980]  }
0xe6: {  	v46 =	vmax.f32 v33, $0.0e+00;
	v33 =	vadd.f32 v54, v50;
	[tilespmem:$0x1FBA0] =	vst v11;
	v11 =	vor.u32 v13, v38;
	v50 =	vld.idx.msk [tilespmem:v5+s14+$0x0], $0xffff  }
0xe7: {  	[tilespmem:$0x1FB90] =	vst v44;
	v44 =	vadd.f32 v58, v53;
	v58 =	vadd.f32 v34, v51;
	v37 =	vld.idx.msk [tilespmem:v5+s15+$0x0], $0xffff  }
0xe8: {  	v53 =	vmul.f32 v46, v8;
	v46 =	vor.u32 v14, v40;
	v51 =	vld.idx.msk [tilespmem:v10+s14+$0x0], $0xffff  }
0xe9: {  	v12 =	vmax.f32 v58, $0.0e+00;
	v58 =	vld.idx.msk [tilespmem:v10+s15+$0x0], $0xffff  }
0xea: {  	v10 =	vld [tilespmem:$0x7670]  }
0xeb: {  	v6 =	vadd.f32 v7, v6;
	v7 =	vmax.f32 v44, $0.0e+00;
	v34 =	vld.idx.msk [tilespmem:v11+s14+$0x0], $0xffff  }
0xec: {  	v13 =	vmax.f32 v33, $0.0e+00;
	v3 =	vadd.f32 v53, v3;
	v44 =	vmul.f32 v7, v8;
	v53 =	vld.idx.msk [tilespmem:v11+s15+$0x0], $0xffff  }
0xed: {  	v33 =	vmul.f32 v12, v8;
	v8 =	vmul.f32 v13, v8;
	v54 =	vld.idx.msk [tilespmem:v46+s14+$0x0], $0xffff  }
0xee: {  	v7 =	vld.idx.msk [tilespmem:v46+s15+$0x0], $0xffff  }
0xef: {  	v11 =	vmax.f32 v32, $0.0e+00;
	v6 =	vadd.f32 v8, v6;
	v8 =	vld [tilespmem:$0x7680]  }
0xf0: {  	v32 =	vadd.f32 v49, v62;
	v62 =	vld [tilespmem:$0x1F7B0];
	[tilespmem:$0x1FBD0] =	vst v34;
	v34 =	vadd.f32 v55, v43;
	v43 =	vor.u32 v14, v39  }
0xf1: {  	v55 =	vor.u32 v14, v38;
	v14 =	vld [tilespmem:$0x1FE50]  }
0xf2: {  	v2 =	vadd.f32 v33, v2;
	v33 =	vadd.f32 v45, v63;
	v63 =	vld [tilespmem:$0x1F7C0]  }
0xf3: {  	v1 =	vadd.f32 v44, v1;
	v44 =	vld [tilespmem:$0x1F7E0]  }
0xf4: {  	v46 =	vld [tilespmem:$0x1F7F0]  }
0xf5: {  	v57 =	vadd.f32 v47, v60;
	v47 =	vld.idx.msk [tilespmem:v43+s14+$0x0], $0xffff  }
0xf6: {  	v60 =	vor.u32 v14, v42;
	v12 =	vld.idx.msk [tilespmem:v43+s15+$0x0], $0xffff  }
0xf7: {  	v5 =	vmax.f32 v34, $0.0e+00;
	v34 =	vld.idx.msk [tilespmem:v55+s14+$0x0], $0xffff  }
0xf8: {  	[tilespmem:$0x1FBE0] =	vst v54;
	v5 =	vmul.f32 v5, v9;
	v54 =	vld.idx.msk [tilespmem:v55+s15+$0x0], $0xffff  }
0xf9: {  	v43 =	vor.u32 v14, v40;
	v55 =	vld [tilespmem:$0x1F790]  }
0xfa: {  	v3 =	vadd.f32 v5, v3;
	v5 =	vmax.f32 v32, $0.0e+00;
	v32 =	vld [tilespmem:$0x1F7D0]  }
0xfb: {  	v4 =	vmul.f32 v4, v9;
	[tilespmem:$0x1FBF0] =	vst v7;
	v7 =	vmax.f32 v57, $0.0e+00;
	v5 =	vmul.f32 v5, v9;
	v45 =	vld.idx.msk [tilespmem:v60+s14+$0x0], $0xffff  }
0xfc: {  	v11 =	vmul.f32 v11, v9;
	v7 =	vmul.f32 v7, v9;
	v9 =	vadd.f32 v56, v36;
	v49 =	vld.idx.msk [tilespmem:v60+s15+$0x0], $0xffff  }
0xfd: {  	v36 =	vor.u32 v14, v38;
	v5 =	vadd.f32 v5, v6;
	v60 =	vld [tilespmem:$0x1F7A0]  }
0xfe: {  	v56 =	vmax.f32 v9, $0.0e+00;
	v9 =	vor.u32 v14, v39;
	v6 =	vadd.f32 v55, v52;
	v52 =	vld.idx.msk [tilespmem:v43+s14+$0x0], $0xffff  }
0xff: {  	v57 =	vmul.f32 v56, v10;
	[tilespmem:$0x1FC00] =	vst v12;
	v12 =	vor.u32 v14, v41;
	v13 =	vadd.f32 v32, v63;
	v32 =	vld [tilespmem:$0x1F8A0]  }
0x100: {  	v14 =	vld [tilespmem:$0x1FDC0]  }
0x101: {  	v3 =	vadd.f32 v57, v3;
	v57 =	vld [tilespmem:$0x1F800]  }
0x102: {  	v20 =	vld.idx.msk [tilespmem:v36+s15+$0x0], $0xffff  }
0x103: {  	v29 =	vld.idx.msk [tilespmem:v9+s15+$0x0], $0xffff  }
0x104: {  	v1 =	vadd.f32 v4, v1;
	v4 =	vmax.f32 v33, $0.0e+00;
	v33 =	vld.idx.msk [tilespmem:v12+s14+$0x0], $0xffff  }
0x105: {  	v55 =	vld.idx.msk [tilespmem:v12+s15+$0x0], $0xffff  }
0x106: {  	v6 =	vmax.f32 v6, $0.0e+00;
	[tilespmem:$0x1FC30] =	vst v52;
	v52 =	vld.idx.msk [tilespmem:v43+s15+$0x0], $0xffff  }
0x107: {  	v0 =	vadd.f32 v11, v0;
	[tilespmem:$0x1FC10] =	vst v34;
	v34 =	vmul.f32 v6, v10;
	v11 =	vadd.f32 v62, v60;
	v60 =	vld [tilespmem:$0x1F810]  }
0x108: {  	v12 =	vadd.f32 v46, v44;
	v44 =	vld.idx.msk [tilespmem:v9+s14+$0x0], $0xffff  }
0x109: {  	v1 =	vadd.f32 v34, v1;
	v34 =	vld [tilespmem:$0x1F830]  }
0x10a: {  	v43 =	vld [tilespmem:$0x1F850]  }
0x10b: {  	v4 =	vmul.f32 v4, v10;
	v13 =	vmax.f32 v13, $0.0e+00;
	v46 =	vld [tilespmem:$0x1F860];
	v11 =	vmax.f32 v11, $0.0e+00  }
0x10c: {  	v56 =	vmul.f32 v11, v10;
	v10 =	vmul.f32 v13, v10;
	v13 =	vld [tilespmem:$0x1FED0]  }
0x10d: {  	v62 =	vmax.f32 v12, $0.0e+00;
	[tilespmem:$0x1FC20] =	vst v33;
	v33 =	vld [tilespmem:$0x1F820]  }
0x10e: {  	v2 =	vadd.f32 v7, v2;
	v11 =	vmul.f32 v62, v8;
	v62 =	vld [tilespmem:$0x1F890]  }
0x10f: {  	v5 =	vadd.f32 v10, v5;
	v10 =	vld [tilespmem:$0x7690]  }
0x110: {  	v7 =	vadd.f32 v60, v57;
	v2 =	vadd.f32 v56, v2;
	v56 =	vld [tilespmem:$0x1F870]  }
0x111: {  	v60 =	vld [tilespmem:$0x1F880];
	v63 =	vor.u32 v13, v42  }
0x112: {  	v0 =	vadd.f32 v4, v0;
	v7 =	vmax.f32 v7, $0.0e+00;
	v4 =	vadd.f32 v34, v33;
	v33 =	vld.idx.msk [tilespmem:v36+s14+$0x0], $0xffff  }
0x113: {  	v9 =	vor.u32 v13, v41;
	v7 =	vmul.f32 v7, v8;
	v36 =	vld [tilespmem:$0x1F840]  }
0x114: {  	v0 =	vadd.f32 v11, v0;
	v34 =	vld [tilespmem:$0x1F8B0]  }
0x115: {  	v11 =	vor.u32 v13, v40;
	v3 =	vadd.f32 v7, v3;
	v7 =	vadd.f32 v56, v46;
	v46 =	vld [tilespmem:$0x1F8D0]  }
0x116: {  	v57 =	vld.idx.msk [tilespmem:v63+s14+$0x0], $0xffff  }
0x117: {  	v12 =	vld.idx.msk [tilespmem:v63+s15+$0x0], $0xffff  }
0x118: {  	v63 =	vld.idx.msk [tilespmem:v9+s14+$0x0], $0xffff  }
0x119: {  	v4 =	vmax.f32 v4, $0.0e+00;
	v9 =	vld.idx.msk [tilespmem:v9+s15+$0x0], $0xffff  }
0x11a: {  	v4 =	vmul.f32 v4, v8;
	v6 =	vadd.f32 v43, v36;
	v36 =	vld.idx.msk [tilespmem:v11+s14+$0x0], $0xffff  }
0x11b: {  	v43 =	vld [tilespmem:$0x1F8C0]  }
0x11c: {  	v1 =	vadd.f32 v4, v1;
	v4 =	vadd.f32 v62, v60;
	v60 =	vld [tilespmem:$0x1F8F0]  }
0x11d: {  	v62 =	vld [tilespmem:$0x1F900];
	[tilespmem:$0x1FC40] =	vst v57  }
0x11e: {  	v7 =	vmax.f32 v7, $0.0e+00;
	[tilespmem:$0x1FC50] =	vst v12;
	v57 =	vld [tilespmem:$0x1F8E0]  }
0x11f: {  	v7 =	vmul.f32 v7, v8;
	v6 =	vmax.f32 v6, $0.0e+00;
	[tilespmem:$0x1FC60] =	vst v63;
	v12 =	vor.u32 v13, v39;
	v63 =	vld [tilespmem:$0x1F910]  }
0x120: {  	v6 =	vmul.f32 v6, v8;
	v8 =	vadd.f32 v34, v32;
	v34 =	vld [tilespmem:$0x1F920]  }
0x121: {  	v5 =	vadd.f32 v7, v5;
	v7 =	vadd.f32 v46, v43;
	v46 =	vld.idx.msk [tilespmem:v11+s15+$0x0], $0xffff  }
0x122: {  	[tilespmem:$0x1FC80] =	vst v36;
	v8 =	vmax.f32 v8, $0.0e+00;
	v36 =	vld [tilespmem:$0x1F930]  }
0x123: {  	v56 =	vmul.f32 v8, v10;
	v8 =	vld [tilespmem:$0x76A0]  }
0x124: {  	v21 =	vld.idx.msk [tilespmem:v12+s14+$0x0], $0xffff  }
0x125: {  	[tilespmem:$0x1FC70] =	vst v9;
	v9 =	vor.u32 v14, v42;
	v18 =	vld.idx.msk [tilespmem:v12+s15+$0x0], $0xffff  }
0x126: {  	v2 =	vadd.f32 v6, v2;
	v6 =	vor.u32 v13, v38;
	v3 =	vadd.f32 v56, v3;
	v56 =	vld [tilespmem:$0x1F940]  }
0x127: {  	v11 =	vadd.f32 v60, v57;
	v57 =	vld [tilespmem:$0x1F950]  }
0x128: {  	v13 =	vadd.f32 v63, v62;
	v62 =	vld [tilespmem:$0x1F960]  }
0x129: {  	v63 =	vld [tilespmem:$0x1F970]  }
0x12a: {  	v7 =	vmax.f32 v7, $0.0e+00;
	v24 =	vld.idx.msk [tilespmem:v9+s15+$0x0], $0xffff  }
0x12b: {  	v32 =	vmul.f32 v7, v10;
	v7 =	vor.u32 v14, v41;
	v26 =	vld.idx.msk [tilespmem:v6+s14+$0x0], $0xffff  }
0x12c: {  	v31 =	vld.idx.msk [tilespmem:v6+s15+$0x0], $0xffff  }
0x12d: {  	v12 =	vadd.f32 v36, v34;
	v36 =	vld.idx.msk [tilespmem:v9+s14+$0x0], $0xffff  }
0x12e: {  	v4 =	vmax.f32 v4, $0.0e+00;
	v1 =	vadd.f32 v32, v1;
	v32 =	vld [tilespmem:$0x1F990]  }
0x12f: {  	v4 =	vmul.f32 v4, v10;
	v11 =	vmax.f32 v11, $0.0e+00;
	v13 =	vmax.f32 v13, $0.0e+00;
	v34 =	vld [tilespmem:$0x1F9A0]  }
0x130: {  	v43 =	vmul.f32 v11, v10;
	v10 =	vmul.f32 v13, v10;
	v13 =	vld.idx.msk [tilespmem:v7+s14+$0x0], $0xffff  }
0x131: {  	v7 =	vld.idx.msk [tilespmem:v7+s15+$0x0], $0xffff  }
0x132: {  	v5 =	vadd.f32 v10, v5;
	v10 =	vld [tilespmem:$0x76B0]  }
0x133: {  	v9 =	vor.u32 v14, v39;
	v2 =	vadd.f32 v43, v2;
	v43 =	vld [tilespmem:$0x1F9B0]  }
0x134: {  	v60 =	vmax.f32 v12, $0.0e+00;
	v6 =	vadd.f32 v57, v56;
	v57 =	vld [tilespmem:$0x1F9C0]  }
0x135: {  	v12 =	vor.u32 v14, v40;
	v11 =	vmul.f32 v60, v8;
	v60 =	vld [tilespmem:$0x1F9D0]  }
0x136: {  	v0 =	vadd.f32 v4, v0;
	v4 =	vadd.f32 v63, v62;
	v62 =	vld [tilespmem:$0x1F9E0]  }
0x137: {  	v63 =	vld [tilespmem:$0x1F9F0]  }
0x138: {  	v25 =	vld.idx.msk [tilespmem:v9+s14+$0x0], $0xffff  }
0x139: {  	v0 =	vadd.f32 v11, v0;
	v11 =	vor.u32 v14, v38;
	v14 =	vld [tilespmem:$0x1FE60]  }
0x13a: {  	v56 =	vld.idx.msk [tilespmem:v12+s14+$0x0], $0xffff  }
0x13b: {  	v6 =	vmax.f32 v6, $0.0e+00;
	v23 =	vld.idx.msk [tilespmem:v12+s15+$0x0], $0xffff  }
0x13c: {  	v4 =	vmax.f32 v4, $0.0e+00;
	v6 =	vmul.f32 v6, v8;
	[tilespmem:$0x1FCA0] =	vst v7;
	v7 =	vadd.f32 v32, v15;
	v32 =	vld.idx.msk [tilespmem:v9+s15+$0x0], $0xffff  }
0x13d: {  	v4 =	vmul.f32 v4, v8;
	v15 =	vld [tilespmem:$0x1FA00]  }
0x13e: {  	v3 =	vadd.f32 v6, v3;
	v6 =	vadd.f32 v43, v34;
	v34 =	vld [tilespmem:$0x1FA10]  }
0x13f: {  	v1 =	vadd.f32 v4, v1;
	v4 =	vadd.f32 v60, v57;
	v57 =	vld [tilespmem:$0x1FA30]  }
0x140: {  	v60 =	vld [tilespmem:$0x1FA40]  }
0x141: {  	v17 =	vld.idx.msk [tilespmem:v11+s14+$0x0], $0xffff  }
0x142: {  	v7 =	vmax.f32 v7, $0.0e+00;
	v6 =	vmax.f32 v6, $0.0e+00;
	v12 =	vor.u32 v14, v42;
	v30 =	vld.idx.msk [tilespmem:v11+s15+$0x0], $0xffff  }
0x143: {  	v7 =	vmul.f32 v7, v8;
	v6 =	vmul.f32 v6, v8;
	v8 =	vadd.f32 v63, v62;
	v62 =	vld [tilespmem:$0x1FA50]  }
0x144: {  	[tilespmem:$0x1FCB0] =	vst v56;
	v56 =	vld [tilespmem:$0x1FA20]  }
0x145: {  	v5 =	vadd.f32 v6, v5;
	v6 =	vadd.f32 v34, v15;
	v8 =	vmax.f32 v8, $0.0e+00;
	v34 =	vld [tilespmem:$0x1FA60]  }
0x146: {  	v43 =	vmul.f32 v8, v10;
	v8 =	vld [tilespmem:$0x76C0]  }
0x147: {  	v2 =	vadd.f32 v7, v2;
	v7 =	vor.u32 v14, v41;
	v22 =	vld.idx.msk [tilespmem:v12+s14+$0x0], $0xffff  }
0x148: {  	v19 =	vld.idx.msk [tilespmem:v12+s15+$0x0], $0xffff  }
0x149: {  	v9 =	vor.u32 v14, v40;
	v3 =	vadd.f32 v43, v3;
	v43 =	vld [tilespmem:$0x1FA70]  }
0x14a: {  	[tilespmem:$0x1FC90] =	vst v13;
	v13 =	vadd.f32 v62, v60;
	v60 =	vld [tilespmem:$0x1FA80]  }
0x14b: {  	v62 =	vld [tilespmem:$0x1FA90]  }
0x14c: {  	v11 =	vadd.f32 v57, v56;
	v56 =	vld.idx.msk [tilespmem:v7+s14+$0x0], $0xffff  }
0x14d: {  	v28 =	vld.idx.msk [tilespmem:v7+s15+$0x0], $0xffff  }
0x14e: {  	v6 =	vmax.f32 v6, $0.0e+00;
	v12 =	vadd.f32 v43, v34;
	v34 =	vld.idx.msk [tilespmem:v9+s14+$0x0], $0xffff  }
0x14f: {  	v63 =	vmul.f32 v6, v10;
	v6 =	vor.u32 v14, v39;
	v11 =	vmax.f32 v11, $0.0e+00;
	v43 =	vld [tilespmem:$0x1FAA0]  }
0x150: {  	v4 =	vmax.f32 v4, $0.0e+00;
	v13 =	vmax.f32 v13, $0.0e+00;
	v57 =	vmul.f32 v11, v10;
	v9 =	vld.idx.msk [tilespmem:v9+s15+$0x0], $0xffff  }
0x151: {  	v4 =	vmul.f32 v4, v10;
	v10 =	vmul.f32 v13, v10;
	v7 =	vadd.f32 v62, v60;
	v60 =	vld [tilespmem:$0x1FAD0]  }
0x152: {  	v2 =	vadd.f32 v57, v2;
	v57 =	vld [tilespmem:$0x1FAB0]  }
0x153: {  	v5 =	vadd.f32 v10, v5;
	v10 =	vld [tilespmem:$0x76D0]  }
0x154: {  	[tilespmem:$0x1FCC0] =	vst v56;
	v56 =	vld.idx.msk [tilespmem:v6+s14+$0x0], $0xffff  }
0x155: {  	v1 =	vadd.f32 v63, v1;
	v63 =	vmax.f32 v12, $0.0e+00;
	v12 =	vor.u32 v14, v38;
	v6 =	vld.idx.msk [tilespmem:v6+s15+$0x0], $0xffff  }
0x156: {  	v14 =	vld [tilespmem:$0x1FAF0]  }
0x157: {  	v11 =	vmul.f32 v63, v8;
	v63 =	vld [tilespmem:$0x1FAE0]  }
0x158: {  	v0 =	vadd.f32 v4, v0;
	v4 =	vadd.f32 v43, v59;
	[tilespmem:$0x1FCE0] =	vst v9;
	v9 =	vor.u32 v16, v42;
	v59 =	vld [tilespmem:$0x1FAC0]  }
0x159: {  	v13 =	vor.u32 v16, v41;
	v43 =	vld [tilespmem:$0x1FB00]  }
0x15a: {  	v62 =	vld.idx.msk [tilespmem:v12+s14+$0x0], $0xffff  }
0x15b: {  	v7 =	vmax.f32 v7, $0.0e+00;
	[tilespmem:$0x1FCF0] =	vst v56;
	v56 =	vld [tilespmem:$0x1FB10]  }
0x15c: {  	v7 =	vmul.f32 v7, v8;
	[tilespmem:$0x1FD00] =	vst v6;
	v6 =	vadd.f32 v27, v57;
	v27 =	vld [tilespmem:$0x1FE90]  }
0x15d: {  	[tilespmem:$0x1FCD0] =	vst v34;
	v0 =	vadd.f32 v11, v0;
	v34 =	vadd.f32 v14, v63;
	v63 =	vld.idx.msk [tilespmem:v9+s14+$0x0], $0xffff  }
0x15e: {  	v11 =	vadd.f32 v7, v3;
	v4 =	vmax.f32 v4, $0.0e+00;
	v7 =	vadd.f32 v60, v59;
	v59 =	vld.idx.msk [tilespmem:v13+s14+$0x0], $0xffff  }
0x15f: {  	v4 =	vmul.f32 v4, v8;
	v60 =	vld [tilespmem:$0x1FB20]  }
0x160: {  	v13 =	vld.idx.msk [tilespmem:v13+s15+$0x0], $0xffff  }
0x161: {  	v15 =	vadd.f32 v4, v1;
	v4 =	vmax.f32 v34, $0.0e+00;
	v34 =	vld [tilespmem:$0x1FB30]  }
0x162: {  	[tilespmem:$0x1FD10] =	vst v62;
	v62 =	vld.idx.msk [tilespmem:v12+s15+$0x0], $0xffff;
	v7 =	vmax.f32 v7, $0.0e+00;
	v57 =	vadd.f32 v56, v43  }
0x163: {  	v6 =	vmax.f32 v6, $0.0e+00;
	v4 =	vmul.f32 v4, v10;
	v56 =	vld [tilespmem:$0x1FB40];
	v7 =	vmul.f32 v7, v8  }
0x164: {  	v6 =	vmul.f32 v6, v8;
	v12 =	vor.u32 v16, v40;
	v43 =	vld.idx.msk [tilespmem:v9+s15+$0x0], $0xffff;
	v8 =	vmax.f32 v57, $0.0e+00  }
0x165: {  	v57 =	vld [tilespmem:$0x1FB50];
	v9 =	vadd.f32 v7, v5;
	v5 =	vadd.f32 v4, v0;
	v4 =	vmul.f32 v8, v10  }
0x166: {  	v14 =	vadd.f32 v6, v2;
	v6 =	vor.u32 v16, v39;
	v3 =	vor.u32 v27, v40;
	[tilespmem:$0x1FD20] =	vst v59;
	v59 =	vld [tilespmem:$0x1FB60]  }
0x167: {  	v61 =	vadd.f32 v60, v61;
	v8 =	vor.u32 v16, v38;
	v16 =	vadd.f32 v4, v11;
	v11 =	vld [tilespmem:$0x1FB70]  }
0x168: {  	[tilespmem:$0x1FD30] =	vst v13;
	v13 =	vadd.f32 v56, v34;
	v34 =	vld [tilespmem:$0x1FB80]  }
0x169: {  	v7 =	vmax.f32 v61, $0.0e+00;
	v61 =	vld.idx.msk [tilespmem:v12+s14+$0x0], $0xffff  }
0x16a: {  	v2 =	vld [tilespmem:$0x76E0]  }
0x16b: {  	v60 =	vadd.f32 v59, v57;
	v59 =	vld.idx.msk [tilespmem:v12+s15+$0x0], $0xffff  }
0x16c: {  	v50 =	vadd.f32 v37, v50;
	v37 =	vld.idx.msk [tilespmem:v3+s15+$0x0], $0xffff  }
0x16d: {  	v56 =	vld.idx.msk [tilespmem:v8+s14+$0x0], $0xffff;
	v57 =	vadd.f32 v34, v11  }
0x16e: {  	[tilespmem:$0x1FD40] =	vst v61;
	v61 =	vld.idx.msk [tilespmem:v6+s14+$0x0], $0xffff  }
0x16f: {  	v1 =	vor.u32 v27, v42;
	v4 =	vmax.f32 v57, $0.0e+00;
	v57 =	vld [tilespmem:$0x1FB90]  }
0x170: {  	v7 =	vmul.f32 v7, v10;
	v13 =	vmax.f32 v13, $0.0e+00;
	[tilespmem:$0x1FD50] =	vst v59;
	v59 =	vld [tilespmem:$0x1FBA0]  }
0x171: {  	v11 =	vmul.f32 v13, v10;
	v13 =	vld [tilespmem:$0x1FBB0]  }
0x172: {  	v12 =	vadd.f32 v7, v15;
	v15 =	vld [tilespmem:$0x76F0]  }
0x173: {  	v34 =	vld.idx.msk [tilespmem:v6+s15+$0x0], $0xffff  }
0x174: {  	v60 =	vmax.f32 v60, $0.0e+00;
	v6 =	vld.idx.msk [tilespmem:v1+s15+$0x0], $0xffff  }
0x175: {  	v0 =	vmul.f32 v60, v10;
	[tilespmem:$0x1FD60] =	vst v61;
	v61 =	vadd.f32 v59, v57;
	v57 =	vld [tilespmem:$0x1FBC0]  }
0x176: {  	v7 =	vor.u32 v27, v41;
	[tilespmem:$0x1FD70] =	vst v56;
	v56 =	vadd.f32 v48, v13;
	v13 =	vld [tilespmem:$0x1FBD0]  }
0x177: {  	v10 =	vadd.f32 v11, v14;
	v11 =	vadd.f32 v0, v9;
	v9 =	vld.idx.msk [tilespmem:v1+s14+$0x0], $0xffff;
	v1 =	vor.u32 v27, v39  }
0x178: {  	v60 =	vld.idx.msk [tilespmem:v8+s15+$0x0], $0xffff;
	v4 =	vmul.f32 v4, v2  }
0x179: {  	v8 =	vld [tilespmem:$0x1FE70]  }
0x17a: {  	v14 =	vadd.f32 v4, v5;
	v5 =	vmax.f32 v56, $0.0e+00;
	v56 =	vld.idx.msk [tilespmem:v3+s14+$0x0], $0xffff;
	v59 =	vadd.f32 v35, v57  }
0x17b: {  	v50 =	vmax.f32 v50, $0.0e+00;
	v4 =	vmax.f32 v61, $0.0e+00;
	v61 =	vld.idx.msk [tilespmem:v7+s14+$0x0], $0xffff;
	v35 =	vadd.f32 v53, v13  }
0x17c: {  	v0 =	vor.u32 v27, v38;
	v13 =	vmul.f32 v5, v2;
	v57 =	vld.idx.msk [tilespmem:v1+s15+$0x0], $0xffff;
	v48 =	vmax.f32 v59, $0.0e+00  }
0x17d: {  	[tilespmem:$0x1FD80] =	vst v9;
	v9 =	vmax.f32 v35, $0.0e+00;
	v35 =	vmul.f32 v50, v15;
	v53 =	vmul.f32 v48, v2;
	v48 =	vld.idx.msk [tilespmem:v1+s14+$0x0], $0xffff  }
0x17e: {  	v12 =	vadd.f32 v13, v12;
	v13 =	vld [tilespmem:$0x1FBE0]  }
0x17f: {  	v4 =	vmul.f32 v4, v2;
	v2 =	vmul.f32 v9, v2;
	v9 =	vadd.f32 v35, v14;
	v14 =	vld [tilespmem:$0x1FBF0]  }
0x180: {  	v59 =	vld.idx.msk [tilespmem:v7+s15+$0x0], $0xffff  }
0x181: {  	v50 =	vadd.f32 v58, v51;
	v58 =	vld.idx.msk [tilespmem:v0+s14+$0x0], $0xffff  }
0x182: {  	v3 =	vor.u32 v8, v42;
	[tilespmem:$0x1FDA0] =	vst v48;
	v48 =	vld [tilespmem:$0x1FC10]  }
0x183: {  	v35 =	vld [tilespmem:$0x1FC00];
	v10 =	vadd.f32 v53, v10  }
0x184: {  	v11 =	vadd.f32 v2, v11;
	v53 =	vld.idx.msk [tilespmem:v0+s15+$0x0], $0xffff;
	v2 =	vadd.f32 v14, v13;
	v14 =	vor.u32 v8, v41  }
0x185: {  	v50 =	vmax.f32 v50, $0.0e+00;
	v0 =	vld [tilespmem:$0x7700]  }
0x186: {  	v13 =	vmul.f32 v50, v15;
	v50 =	vld [tilespmem:$0x1FC30]  }
0x187: {  	v5 =	vadd.f32 v54, v48;
	v54 =	vld.idx.msk [tilespmem:v3+s14+$0x0], $0xffff  }
0x188: {  	v16 =	vadd.f32 v4, v16;
	v51 =	vmax.f32 v2, $0.0e+00;
	v48 =	vld.idx.msk [tilespmem:v3+s15+$0x0], $0xffff  }
0x189: {  	v1 =	vor.u32 v8, v39;
	v4 =	vadd.f32 v35, v47;
	v35 =	vmul.f32 v51, v15;
	v51 =	vld.idx.msk [tilespmem:v14+s14+$0x0], $0xffff  }
0x18a: {  	v47 =	vadd.f32 v49, v45;
	v2 =	vor.u32 v8, v40;
	v49 =	vld.idx.msk [tilespmem:v14+s15+$0x0], $0xffff  }
0x18b: {  	v4 =	vmax.f32 v4, $0.0e+00;
	v14 =	vld [tilespmem:$0x1FC20]  }
0x18c: {  	v4 =	vmul.f32 v4, v15;
	v3 =	vld [tilespmem:$0x1FEA0];
	v7 =	vadd.f32 v52, v50  }
0x18d: {  	[tilespmem:$0x1FD90] =	vst v6;
	v16 =	vadd.f32 v13, v16;
	v47 =	vmax.f32 v47, $0.0e+00;
	v13 =	vld [tilespmem:$0x1FC40];
	v6 =	vadd.f32 v35, v12  }
0x18e: {  	v4 =	vadd.f32 v4, v10;
	v10 =	vor.u32 v8, v38;
	v50 =	vld.idx.msk [tilespmem:v1+s14+$0x0], $0xffff;
	v52 =	vmax.f32 v7, $0.0e+00  }
0x18f: {  	v12 =	vmul.f32 v47, v0;
	v5 =	vmax.f32 v5, $0.0e+00;
	v47 =	vld.idx.msk [tilespmem:v2+s15+$0x0], $0xffff;
	v7 =	vmul.f32 v52, v0  }
0x190: {  	v5 =	vmul.f32 v5, v15;
	v15 =	vadd.f32 v29, v44;
	v35 =	vadd.f32 v55, v14;
	v55 =	vld.idx.msk [tilespmem:v2+s14+$0x0], $0xffff  }
0x191: {  	v2 =	vadd.f32 v20, v33;
	v33 =	vor.u32 v3, v42;
	v6 =	vadd.f32 v7, v6;
	v7 =	vld [tilespmem:$0x1FC70]  }
0x192: {  	v5 =	vadd.f32 v5, v11;
	v11 =	vmax.f32 v35, $0.0e+00;
	v35 =	vld [tilespmem:$0x1FC60]  }
0x193: {  	v8 =	vmax.f32 v15, $0.0e+00;
	v15 =	vld [tilespmem:$0x1FC50]  }
0x194: {  	v52 =	vld.idx.msk [tilespmem:v10+s14+$0x0], $0xffff  }
0x195: {  	v29 =	vld.idx.msk [tilespmem:v10+s15+$0x0], $0xffff  }
0x196: {  	v9 =	vadd.f32 v12, v9;
	v12 =	vmul.f32 v8, v0;
	v45 =	vld.idx.msk [tilespmem:v33+s14+$0x0], $0xffff  }
0x197: {  	v10 =	vor.u32 v3, v41;
	v2 =	vmax.f32 v2, $0.0e+00;
	v8 =	vadd.f32 v7, v35;
	v35 =	vld.idx.msk [tilespmem:v33+s15+$0x0], $0xffff  }
0x198: {  	v2 =	vmul.f32 v2, v0;
	v33 =	vld [tilespmem:$0x1FC80]  }
0x199: {  	v18 =	vadd.f32 v18, v21;
	v31 =	vadd.f32 v31, v26;
	v14 =	vld [tilespmem:$0x7710]  }
0x19a: {  	v44 =	vld.idx.msk [tilespmem:v1+s15+$0x0], $0xffff;
	v1 =	vadd.f32 v24, v36;
	v2 =	vadd.f32 v2, v5;
	v5 =	vor.u32 v3, v40  }
0x19b: {  	v4 =	vadd.f32 v12, v4;
	v11 =	vmul.f32 v11, v0;
	v0 =	vld [tilespmem:$0x7720];
	v12 =	vadd.f32 v15, v13  }
0x19c: {  	v18 =	vmax.f32 v18, $0.0e+00;
	v21 =	vor.u32 v3, v39;
	v13 =	vmax.f32 v31, $0.0e+00;
	v27 =	vld.idx.msk [tilespmem:v10+s14+$0x0], $0xffff  }
0x19d: {  	v31 =	vmax.f32 v1, $0.0e+00;
	v24 =	vld.idx.msk [tilespmem:v10+s15+$0x0], $0xffff;
	v12 =	vmax.f32 v12, $0.0e+00;
	v7 =	vadd.f32 v46, v33  }
0x19e: {  	v10 =	vor.u32 v3, v38;
	v3 =	vld [tilespmem:$0x1FEB0];
	v12 =	vmul.f32 v12, v14;
	v15 =	vmax.f32 v8, $0.0e+00  }
0x19f: {  	v11 =	vadd.f32 v11, v16;
	v15 =	vmul.f32 v15, v14;
	v26 =	vld.idx.msk [tilespmem:v5+s14+$0x0], $0xffff;
	v33 =	vmax.f32 v7, $0.0e+00  }
0x1a0: {  	v9 =	vadd.f32 v12, v9;
	v36 =	vld.idx.msk [tilespmem:v5+s15+$0x0], $0xffff;
	v5 =	vmul.f32 v13, v14;
	v12 =	vmul.f32 v33, v14  }
0x1a1: {  	v20 =	vld.idx.msk [tilespmem:v21+s14+$0x0], $0xffff;
	v33 =	vmul.f32 v18, v14;
	v14 =	vmul.f32 v31, v0  }
0x1a2: {  	v11 =	vadd.f32 v15, v11;
	v15 =	vld [tilespmem:$0x1FCA0]  }
0x1a3: {  	v2 =	vadd.f32 v5, v2;
	v5 =	vadd.f32 v14, v9;
	v14 =	vld [tilespmem:$0x1FC90]  }
0x1a4: {  	v4 =	vadd.f32 v33, v4;
	v33 =	vld [tilespmem:$0x1FCB0]  }
0x1a5: {  	v8 =	vld [tilespmem:$0x1FCD0];
	v1 =	vor.u32 v3, v42  }
0x1a6: {  	v46 =	vld.idx.msk [tilespmem:v21+s15+$0x0], $0xffff;
	v6 =	vadd.f32 v12, v6;
	v12 =	vor.u32 v3, v41  }
0x1a7: {  	v21 =	vld.idx.msk [tilespmem:v10+s14+$0x0], $0xffff  }
0x1a8: {  	v9 =	vadd.f32 v15, v14;
	v15 =	vld [tilespmem:$0x7730]  }
0x1a9: {  	v31 =	vld.idx.msk [tilespmem:v10+s15+$0x0], $0xffff;
	v7 =	vadd.f32 v23, v33  }
0x1aa: {  	v19 =	vadd.f32 v19, v22;
	v18 =	vld.idx.msk [tilespmem:v1+s14+$0x0], $0xffff  }
0x1ab: {  	v23 =	vadd.f32 v32, v25;
	v25 =	vld.idx.msk [tilespmem:v12+s14+$0x0], $0xffff;
	v10 =	vmax.f32 v7, $0.0e+00  }
0x1ac: {  	v32 =	vld.idx.msk [tilespmem:v12+s15+$0x0], $0xffff;
	v12 =	vmax.f32 v19, $0.0e+00;
	v10 =	vmul.f32 v10, v0  }
0x1ad: {  	v22 =	vld.idx.msk [tilespmem:v1+s15+$0x0], $0xffff;
	v9 =	vmax.f32 v9, $0.0e+00;
	v13 =	vmul.f32 v12, v15  }
0x1ae: {  	v9 =	vmul.f32 v9, v0;
	v6 =	vadd.f32 v10, v6;
	v10 =	vld [tilespmem:$0x1FCE0]  }
0x1af: {  	v1 =	vor.u32 v3, v39;
	v7 =	vadd.f32 v13, v5;
	v5 =	vld [tilespmem:$0x1FCC0]  }
0x1b0: {  	v9 =	vadd.f32 v9, v11;
	v11 =	vld [tilespmem:$0x1FCF0]  }
0x1b1: {  	v23 =	vmax.f32 v23, $0.0e+00;
	v12 =	vld [tilespmem:$0x1FD00]  }
0x1b2: {  	v14 =	vor.u32 v3, v40;
	v23 =	vmul.f32 v23, v0;
	v13 =	vld [tilespmem:$0x1FD10]  }
0x1b3: {  	v30 =	vadd.f32 v30, v17  }
0x1b4: {  	v33 =	vor.u32 v3, v38;
	v3 =	vadd.f32 v23, v4;
	v23 =	vld.idx.msk [tilespmem:v1+s14+$0x0], $0xffff;
	v5 =	vadd.f32 v28, v5  }
0x1b5: {  	v28 =	vld.idx.msk [tilespmem:v1+s15+$0x0], $0xffff;
	v1 =	vadd.f32 v10, v8  }
0x1b6: {  	v30 =	vmax.f32 v30, $0.0e+00;
	v10 =	vadd.f32 v12, v11;
	v5 =	vmax.f32 v5, $0.0e+00  }
0x1b7: {  	v19 =	vld.idx.msk [tilespmem:v14+s14+$0x0], $0xffff;
	v12 =	vadd.f32 v62, v13;
	v1 =	vmax.f32 v1, $0.0e+00;
	v5 =	vmul.f32 v5, v15  }
0x1b8: {  	v0 =	vmul.f32 v30, v0;
	v30 =	vld.idx.msk [tilespmem:v14+s15+$0x0], $0xffff;
	v10 =	vmax.f32 v10, $0.0e+00;
	v1 =	vmul.f32 v1, v15  }
0x1b9: {  	v14 =	vld [tilespmem:$0x7740];
	v4 =	vmax.f32 v12, $0.0e+00;
	v5 =	vadd.f32 v5, v9;
	v9 =	vmul.f32 v10, v15  }
0x1ba: {  	v8 =	vadd.f32 v1, v6;
	v6 =	vmul.f32 v4, v15;
	v15 =	vld [tilespmem:$0x1FD30]  }
0x1bb: {  	v13 =	vadd.f32 v9, v3;
	v9 =	vld [tilespmem:$0x1FD20]  }
0x1bc: {  	v43 =	vadd.f32 v43, v63  }
0x1bd: {  	v16 =	vadd.f32 v0, v2;
	v0 =	vld [tilespmem:$0x1FEC0]  }
0x1be: {  	v43 =	vmax.f32 v43, $0.0e+00  }
0x1bf: {  	v10 =	vmul.f32 v43, v14;
	v43 =	vld [tilespmem:$0x1FD40]  }
0x1c0: {  	v9 =	vadd.f32 v15, v9;
	v15 =	vadd.f32 v6, v16;
	v6 =	vld [tilespmem:$0x1FD50];
	_ =	sdelay $0x1  }
0x1c1: {  	v2 =	vor.u32 v0, v41;
	v1 =	vld [tilespmem:$0x1FD70]  }
0x1c2: {  	v10 =	vadd.f32 v10, v7;
	v7 =	vmax.f32 v9, $0.0e+00;
	v9 =	vld [tilespmem:$0x1FD60];
	_ =	sdelay $0x1  }
0x1c3: {  	v6 =	vadd.f32 v6, v43  }
0x1c4: {  	v63 =	vld [tilespmem:$0x7750]  }
0x1c5: {  	v11 =	vor.u32 v0, v42;
	v16 =	vld.idx.msk [tilespmem:v2+s14+$0x0], $0xffff;
	v6 =	vmax.f32 v6, $0.0e+00  }
0x1c6: {  	v3 =	vadd.f32 v60, v1;
	v9 =	vadd.f32 v34, v9;
	v34 =	vld.idx.msk [tilespmem:v2+s15+$0x0], $0xffff;
	v6 =	vmul.f32 v6, v14  }
0x1c7: {  	v1 =	vor.u32 v0, v38;
	v43 =	vor.u32 v0, v40;
	v2 =	vor.u32 v0, v39;
	v0 =	vld [tilespmem:$0x1FD80]  }
0x1c8: {  	v6 =	vadd.f32 v6, v8;
	v8 =	vld [tilespmem:$0x1FD90]  }
0x1c9: {  	v20 =	vadd.f32 v46, v20;
	v46 =	vld [tilespmem:$0x1FFB0]  }
0x1ca: {  	v62 =	vld.idx.msk [tilespmem:v33+s14+$0x0], $0xffff  }
0x1cb: {  	v33 =	vld.idx.msk [tilespmem:v33+s15+$0x0], $0xffff  }
0x1cc: {  	v12 =	vld [tilespmem:$0x7760]  }
0x1cd: {  	v4 =	vld [tilespmem:$0x7770];
	v3 =	vmax.f32 v3, $0.0e+00;
	v7 =	vmul.f32 v7, v14;
	v0 =	vadd.f32 v8, v0  }
0x1ce: {  	v17 =	vld.idx.msk [tilespmem:v11+s14+$0x0], $0xffff;
	v3 =	vmul.f32 v3, v14  }
0x1cf: {  	v11 =	vld.idx.msk [tilespmem:v11+s15+$0x0], $0xffff;
	v5 =	vadd.f32 v7, v5;
	v9 =	vmax.f32 v9, $0.0e+00;
	v0 =	vmax.f32 v0, $0.0e+00  }
0x1d0: {  	v7 =	vmul.f32 v9, v14;
	v14 =	vadd.f32 v59, v61;
	v61 =	vld [tilespmem:$0x1FF80];
	v0 =	vmul.f32 v0, v63  }
0x1d1: {  	v48 =	vadd.f32 v48, v54;
	v49 =	vadd.f32 v49, v51;
	v60 =	vld [tilespmem:$0x7780]  }
0x1d2: {  	v47 =	vadd.f32 v47, v55;
	v0 =	vadd.f32 v0, v10;
	v10 =	vld [tilespmem:$0x1FDA0]  }
0x1d3: {  	v48 =	vmax.f32 v48, $0.0e+00;
	v29 =	vadd.f32 v29, v52;
	v13 =	vadd.f32 v7, v13;
	v7 =	vld.idx.msk [tilespmem:v43+s15+$0x0], $0xffff  }
0x1d4: {  	v26 =	vadd.f32 v36, v26;
	v15 =	vadd.f32 v3, v15;
	v59 =	vmax.f32 v14, $0.0e+00;
	v14 =	vld.idx.msk [tilespmem:v2+s15+$0x0], $0xffff  }
0x1d5: {  	v3 =	vmul.f32 v59, v63;
	v8 =	vld.idx.msk [tilespmem:v43+s14+$0x0], $0xffff;
	v43 =	vadd.f32 v37, v56;
	v59 =	vor.u32 v61, v41  }
0x1d6: {  	v47 =	vmax.f32 v47, $0.0e+00;
	v29 =	vmax.f32 v29, $0.0e+00;
	v26 =	vmax.f32 v26, $0.0e+00;
	v37 =	vld.idx.msk [tilespmem:v2+s14+$0x0], $0xffff  }
0x1d7: {  	v56 =	vor.u32 v61, v42;
	v2 =	vld.idx.msk [tilespmem:v1+s14+$0x0], $0xffff;
	v43 =	vmax.f32 v43, $0.0e+00;
	v57 =	vadd.f32 v57, v10  }
0x1d8: {  	v43 =	vmul.f32 v43, v63;
	v10 =	vld.idx.msk [tilespmem:v1+s15+$0x0], $0xffff;
	v1 =	vadd.f32 v3, v5;
	v5 =	vadd.f32 v53, v58  }
0x1d9: {  	v19 =	vadd.f32 v30, v19;
	v11 =	vadd.f32 v11, v17;
	v9 =	vld [tilespmem:$0x7790];
	v58 =	vmax.f32 v57, $0.0e+00  }
0x1da: {  	v6 =	vadd.f32 v43, v6;
	v51 =	vld.idx.msk [tilespmem:v59+s14+$0x0], $0xffff;
	v5 =	vmax.f32 v5, $0.0e+00;
	v43 =	vmul.f32 v58, v63  }
0x1db: {  	v53 =	vor.u32 v61, v40;
	v5 =	vmul.f32 v5, v63;
	v63 =	vmul.f32 v48, v12;
	v48 =	vld.idx.msk [tilespmem:v59+s15+$0x0], $0xffff  }
0x1dc: {  	v19 =	vmax.f32 v19, $0.0e+00;
	v26 =	vmul.f32 v26, v4;
	v11 =	vmax.f32 v11, $0.0e+00;
	v59 =	vld [tilespmem:$0x1FF90]  }
0x1dd: {  	v54 =	vld.idx.msk [tilespmem:v56+s14+$0x0], $0xffff;
	v7 =	vadd.f32 v7, v8;
	v14 =	vadd.f32 v14, v37;
	v57 =	vor.u32 v61, v39  }
0x1de: {  	v18 =	vadd.f32 v22, v18;
	v19 =	vmul.f32 v19, v60;
	v11 =	vmul.f32 v11, v9;
	v56 =	vld.idx.msk [tilespmem:v56+s15+$0x0], $0xffff  }
0x1df: {  	v7 =	vmax.f32 v7, $0.0e+00;
	v14 =	vmax.f32 v14, $0.0e+00;
	v3 =	vld [tilespmem:$0x77A0];
	v58 =	vor.u32 v61, v38  }
0x1e0: {  	v61 =	vmax.f32 v49, $0.0e+00;
	v13 =	vadd.f32 v43, v13;
	v49 =	vld.idx.msk [tilespmem:v53+s14+$0x0], $0xffff;
	v43 =	vadd.f32 v63, v0  }
0x1e1: {  	v63 =	vmul.f32 v61, v12;
	v61 =	vadd.f32 v44, v50;
	v44 =	vld.idx.msk [tilespmem:v53+s15+$0x0], $0xffff;
	v52 =	vor.u32 v59, v42  }
0x1e2: {  	v36 =	vadd.f32 v34, v16;
	v7 =	vmul.f32 v7, v9;
	v14 =	vmul.f32 v14, v9;
	v50 =	vld.idx.msk [tilespmem:v57+s14+$0x0], $0xffff  }
0x1e3: {  	v5 =	vadd.f32 v5, v15;
	v1 =	vadd.f32 v63, v1;
	v63 =	vmul.f32 v47, v12;
	v47 =	vld.idx.msk [tilespmem:v57+s15+$0x0], $0xffff  }
0x1e4: {  	v10 =	vadd.f32 v10, v2;
	v15 =	vmax.f32 v61, $0.0e+00;
	v53 =	vld.idx.msk [tilespmem:v58+s14+$0x0], $0xffff;
	v57 =	vor.u32 v59, v41  }
0x1e5: {  	v15 =	vmul.f32 v15, v12;
	v12 =	vmul.f32 v29, v12;
	v29 =	vadd.f32 v35, v45;
	v35 =	vld.idx.msk [tilespmem:v58+s15+$0x0], $0xffff  }
0x1e6: {  	v10 =	vmax.f32 v10, $0.0e+00;
	v58 =	vadd.f32 v24, v27;
	v24 =	vor.u32 v59, v40;
	v27 =	vld.idx.msk [tilespmem:v52+s14+$0x0], $0xffff  }
0x1e7: {  	v55 =	vor.u32 v59, v38;
	v6 =	vadd.f32 v63, v6;
	v61 =	vmax.f32 v29, $0.0e+00;
	v29 =	vld.idx.msk [tilespmem:v52+s15+$0x0], $0xffff  }
0x1e8: {  	v63 =	vor.u32 v59, v39;
	v5 =	vadd.f32 v12, v5;
	v12 =	vmul.f32 v61, v4;
	v52 =	vld [tilespmem:$0x1FFA0]  }
0x1e9: {  	v13 =	vadd.f32 v15, v13;
	v15 =	vmax.f32 v58, $0.0e+00;
	v6 =	vadd.f32 v26, v6;
	v45 =	vld.idx.msk [tilespmem:v57+s14+$0x0], $0xffff  }
0x1ea: {  	v59 =	vmax.f32 v18, $0.0e+00;
	v15 =	vmul.f32 v15, v4;
	v12 =	vadd.f32 v12, v43;
	v43 =	vld.idx.msk [tilespmem:v57+s15+$0x0], $0xffff  }
0x1eb: {  	v57 =	vmax.f32 v20, $0.0e+00;
	v20 =	vadd.f32 v31, v21;
	v21 =	vld.idx.msk [tilespmem:v24+s14+$0x0], $0xffff;
	v6 =	vadd.f32 v19, v6  }
0x1ec: {  	v15 =	vadd.f32 v15, v1;
	v22 =	vld.idx.msk [tilespmem:v24+s15+$0x0], $0xffff;
	v24 =	vadd.f32 v32, v25;
	v1 =	vmul.f32 v57, v4  }
0x1ed: {  	v0 =	vld [tilespmem:$0x77B0];
	v61 =	vadd.f32 v28, v23;
	v20 =	vmax.f32 v20, $0.0e+00;
	v6 =	vadd.f32 v7, v6  }
0x1ee: {  	v30 =	vld.idx.msk [tilespmem:v55+s15+$0x0], $0xffff;
	v13 =	vadd.f32 v1, v13;
	v58 =	vmul.f32 v20, v4;
	v20 =	vmax.f32 v24, $0.0e+00  }
0x1ef: {  	v4 =	vmul.f32 v59, v60;
	v24 =	vld.idx.msk [tilespmem:v55+s14+$0x0], $0xffff;
	v55 =	vadd.f32 v35, v53;
	v20 =	vmul.f32 v20, v60  }
0x1f0: {  	v2 =	vld [tilespmem:$0x77D0];
	v26 =	vor.u32 v52, v42;
	v31 =	vor.u32 v52, v41;
	v5 =	vadd.f32 v58, v5  }
0x1f1: {  	v25 =	vld.idx.msk [tilespmem:v63+s14+$0x0], $0xffff;
	v4 =	vadd.f32 v4, v12;
	v23 =	vor.u32 v52, v40;
	v12 =	vmax.f32 v61, $0.0e+00  }
0x1f2: {  	v18 =	vld.idx.msk [tilespmem:v63+s15+$0x0], $0xffff;
	v63 =	vor.u32 v52, v39;
	v15 =	vadd.f32 v20, v15;
	v20 =	vadd.f32 v33, v62  }
0x1f3: {  	v1 =	vld [tilespmem:$0x77C0];
	v61 =	vadd.f32 v48, v51;
	v48 =	vor.u32 v46, v38;
	v27 =	vadd.f32 v29, v27  }
0x1f4: {  	v21 =	vadd.f32 v22, v21;
	v22 =	vld [tilespmem:$0x77E0];
	v12 =	vmul.f32 v12, v60;
	v20 =	vmax.f32 v20, $0.0e+00  }
0x1f5: {  	v62 =	vadd.f32 v44, v49;
	v19 =	vmul.f32 v20, v60;
	v60 =	vadd.f32 v56, v54;
	v54 =	vld [tilespmem:$0x1FFC0]  }
0x1f6: {  	v4 =	vadd.f32 v11, v4;
	v27 =	vmax.f32 v27, $0.0e+00;
	v12 =	vadd.f32 v12, v13;
	v17 =	vld.idx.msk [tilespmem:v31+s14+$0x0], $0xffff  }
0x1f7: {  	v13 =	vmax.f32 v36, $0.0e+00;
	v51 =	vmax.f32 v62, $0.0e+00;
	v62 =	vmul.f32 v27, v0;
	v20 =	vld.idx.msk [tilespmem:v31+s15+$0x0], $0xffff  }
0x1f8: {  	v37 =	vmul.f32 v13, v9;
	v9 =	vmul.f32 v10, v9;
	v31 =	vor.u32 v52, v38;
	v16 =	vld.idx.msk [tilespmem:v23+s14+$0x0], $0xffff  }
0x1f9: {  	v13 =	vld.idx.msk [tilespmem:v63+s15+$0x0], $0xffff;
	v12 =	vadd.f32 v14, v12;
	v14 =	vmax.f32 v61, $0.0e+00;
	v5 =	vadd.f32 v19, v5  }
0x1fa: {  	v19 =	vld.idx.msk [tilespmem:v63+s14+$0x0], $0xffff;
	v11 =	vadd.f32 v37, v15;
	v7 =	vmax.f32 v60, $0.0e+00;
	v63 =	vmul.f32 v14, v3  }
0x1fb: {  	v8 =	vld.idx.msk [tilespmem:v23+s15+$0x0], $0xffff;
	v23 =	vor.u32 v46, v42;
	v60 =	vadd.f32 v43, v45;
	v7 =	vmul.f32 v7, v3  }
0x1fc: {  	v28 =	vld.idx.msk [tilespmem:v26+s14+$0x0], $0xffff;
	v52 =	vor.u32 v46, v41;
	v5 =	vadd.f32 v9, v5;
	v9 =	vadd.f32 v63, v11  }
0x1fd: {  	v26 =	vld.idx.msk [tilespmem:v26+s15+$0x0], $0xffff;
	v27 =	vmax.f32 v60, $0.0e+00;
	v4 =	vadd.f32 v7, v4;
	v7 =	vmul.f32 v51, v3  }
0x1fe: {  	v43 =	vld.idx.msk [tilespmem:v48+s14+$0x0], $0xffff;
	v58 =	vor.u32 v54, v42;
	v61 =	vor.u32 v54, v41;
	v63 =	vor.u32 v54, v40  }
0x1ff: {  	v35 =	vmul.f32 v27, v0;
	v27 =	vor.u32 v54, v39;
	v51 =	vor.u32 v54, v38;
	v54 =	vld [tilespmem:$0x1FFD0]  }
0x200: {  	v32 =	vld.idx.msk [tilespmem:v31+s14+$0x0], $0xffff  }
0x201: {  	v15 =	vld.idx.msk [tilespmem:v31+s15+$0x0], $0xffff  }
0x202: {  	v34 =	vld.idx.msk [tilespmem:v23+s14+$0x0], $0xffff  }
0x203: {  	v10 =	vld.idx.msk [tilespmem:v23+s15+$0x0], $0xffff  }
0x204: {  	v37 =	vld.idx.msk [tilespmem:v52+s14+$0x0], $0xffff  }
0x205: {  	v14 =	vld.idx.msk [tilespmem:v52+s15+$0x0], $0xffff  }
0x206: {  	v18 =	vadd.f32 v18, v25;
	v25 =	vld.idx.msk [tilespmem:v58+s14+$0x0], $0xffff  }
0x207: {  	v31 =	vor.u32 v46, v40;
	v23 =	vor.u32 v46, v39;
	v46 =	vmax.f32 v21, $0.0e+00;
	v21 =	vld.idx.msk [tilespmem:v58+s15+$0x0], $0xffff  }
0x208: {  	v52 =	vadd.f32 v47, v50;
	v50 =	vmax.f32 v18, $0.0e+00;
	v18 =	vld.idx.msk [tilespmem:v61+s14+$0x0], $0xffff  }
0x209: {  	v24 =	vadd.f32 v30, v24;
	v30 =	vld.idx.msk [tilespmem:v61+s15+$0x0], $0xffff  }
0x20a: {  	v57 =	vmax.f32 v52, $0.0e+00;
	v52 =	vadd.f32 v26, v28;
	v26 =	vld.idx.msk [tilespmem:v63+s14+$0x0], $0xffff  }
0x20b: {  	v17 =	vadd.f32 v20, v17;
	v20 =	vld.idx.msk [tilespmem:v63+s15+$0x0], $0xffff  }
0x20c: {  	v8 =	vadd.f32 v8, v16;
	v16 =	vld.idx.msk [tilespmem:v27+s14+$0x0], $0xffff  }
0x20d: {  	v11 =	vmax.f32 v55, $0.0e+00;
	v55 =	vmax.f32 v17, $0.0e+00;
	v17 =	vld.idx.msk [tilespmem:v27+s15+$0x0], $0xffff  }
0x20e: {  	v8 =	vmax.f32 v8, $0.0e+00;
	v27 =	vld.idx.msk [tilespmem:v51+s14+$0x0], $0xffff  }
0x20f: {  	v58 =	vmul.f32 v8, v1;
	v8 =	vld.idx.msk [tilespmem:v51+s15+$0x0], $0xffff  }
0x210: {  	v53 =	vmax.f32 v24, $0.0e+00;
	v63 =	vld [tilespmem:$0x1FFE0]  }
0x211: {  	v6 =	vadd.f32 v7, v6;
	v4 =	vadd.f32 v62, v4;
	v59 =	vmul.f32 v57, v3;
	v44 =	vld.idx.msk [tilespmem:v31+s14+$0x0], $0xffff  }
0x212: {  	v3 =	vmul.f32 v11, v3;
	v11 =	vmul.f32 v50, v0;
	v24 =	vor.u32 v54, v42;
	v31 =	vld.idx.msk [tilespmem:v31+s15+$0x0], $0xffff  }
0x213: {  	v28 =	vor.u32 v54, v41;
	v60 =	vor.u32 v54, v40;
	v29 =	vld.idx.msk [tilespmem:v23+s14+$0x0], $0xffff;
	v7 =	vadd.f32 v59, v12  }
0x214: {  	v12 =	vld.idx.msk [tilespmem:v48+s15+$0x0], $0xffff;
	v3 =	vadd.f32 v3, v5;
	v5 =	vadd.f32 v35, v9;
	v48 =	vmul.f32 v46, v0  }
0x215: {  	v23 =	vld.idx.msk [tilespmem:v23+s15+$0x0], $0xffff;
	v59 =	vadd.f32 v13, v19;
	v7 =	vadd.f32 v11, v7;
	v11 =	vmul.f32 v55, v1  }
0x216: {  	v0 =	vmul.f32 v53, v0;
	v61 =	vadd.f32 v15, v32;
	v10 =	vadd.f32 v10, v34;
	v35 =	vld [tilespmem:$0x7810]  }
0x217: {  	v9 =	vmax.f32 v52, $0.0e+00;
	v14 =	vadd.f32 v14, v37;
	v5 =	vadd.f32 v11, v5;
	v11 =	vld [tilespmem:$0x77F0]  }
0x218: {  	v9 =	vmul.f32 v9, v1;
	v6 =	vadd.f32 v48, v6;
	v0 =	vadd.f32 v0, v3;
	v62 =	vld.idx.msk [tilespmem:v24+s14+$0x0], $0xffff  }
0x219: {  	v45 =	vmax.f32 v10, $0.0e+00;
	v47 =	vmax.f32 v14, $0.0e+00;
	v19 =	vld.idx.msk [tilespmem:v24+s15+$0x0], $0xffff;
	v24 =	vor.u32 v54, v39  }
0x21a: {  	v57 =	vadd.f32 v9, v4;
	v9 =	vmax.f32 v59, $0.0e+00;
	v4 =	vadd.f32 v58, v6;
	v37 =	vld.idx.msk [tilespmem:v28+s14+$0x0], $0xffff  }
0x21b: {  	v9 =	vmul.f32 v9, v1;
	v6 =	vmax.f32 v61, $0.0e+00;
	v46 =	vld.idx.msk [tilespmem:v28+s15+$0x0], $0xffff;
	v28 =	vor.u32 v54, v38  }
0x21c: {  	v48 =	vld.idx.msk [tilespmem:v60+s14+$0x0], $0xffff;
	v21 =	vadd.f32 v21, v25;
	v54 =	vor.u32 v63, v40;
	v18 =	vadd.f32 v30, v18  }
0x21d: {  	v13 =	vld.idx.msk [tilespmem:v60+s15+$0x0], $0xffff;
	v20 =	vadd.f32 v20, v26;
	v51 =	vadd.f32 v23, v29;
	v29 =	vor.u32 v63, v42  }
0x21e: {  	v16 =	vadd.f32 v17, v16;
	v26 =	vor.u32 v63, v38;
	v8 =	vadd.f32 v8, v27;
	v23 =	vld.idx.msk [tilespmem:v24+s14+$0x0], $0xffff  }
0x21f: {  	v1 =	vmul.f32 v6, v1;
	v6 =	vmul.f32 v45, v2;
	v50 =	vadd.f32 v31, v44;
	v53 =	vld.idx.msk [tilespmem:v24+s15+$0x0], $0xffff  }
0x220: {  	v52 =	vadd.f32 v12, v43;
	v31 =	vor.u32 v63, v41;
	v7 =	vadd.f32 v9, v7;
	v24 =	vld.idx.msk [tilespmem:v28+s14+$0x0], $0xffff  }
0x221: {  	v9 =	vmul.f32 v47, v2;
	v55 =	vmax.f32 v21, $0.0e+00;
	v18 =	vmax.f32 v18, $0.0e+00;
	v25 =	vld.idx.msk [tilespmem:v28+s15+$0x0], $0xffff  }
0x222: {  	v20 =	vmax.f32 v20, $0.0e+00;
	v16 =	vmax.f32 v16, $0.0e+00;
	v0 =	vadd.f32 v1, v0;
	v21 =	vld.idx.msk [tilespmem:v29+s14+$0x0], $0xffff  }
0x223: {  	v3 =	vadd.f32 v6, v57;
	v1 =	vmax.f32 v50, $0.0e+00;
	v57 =	vmul.f32 v55, v22;
	v58 =	vld.idx.msk [tilespmem:v29+s15+$0x0], $0xffff  }
0x224: {  	v6 =	vmax.f32 v51, $0.0e+00;
	v59 =	vmul.f32 v18, v22;
	v60 =	vmul.f32 v20, v22;
	v29 =	vld [tilespmem:$0x1FFF0]  }
0x225: {  	v5 =	vadd.f32 v9, v5;
	v1 =	vmul.f32 v1, v2;
	v9 =	vmax.f32 v52, $0.0e+00;
	v27 =	vld.idx.msk [tilespmem:v54+s14+$0x0], $0xffff  }
0x226: {  	v8 =	vmax.f32 v8, $0.0e+00;
	v6 =	vmul.f32 v6, v2;
	v2 =	vmul.f32 v9, v2;
	v9 =	vld.idx.msk [tilespmem:v54+s15+$0x0], $0xffff  }
0x227: {  	v16 =	vmul.f32 v16, v22;
	v28 =	vor.u32 v63, v39;
	v15 =	vadd.f32 v19, v62;
	v34 =	vld.idx.msk [tilespmem:v26+s15+$0x0], $0xffff  }
0x228: {  	v62 =	vmul.f32 v8, v22;
	v10 =	vadd.f32 v46, v37;
	v1 =	vadd.f32 v1, v4;
	v4 =	vld [tilespmem:$0x7800]  }
0x229: {  	v32 =	vadd.f32 v13, v48;
	v6 =	vadd.f32 v6, v7;
	v17 =	vld.idx.msk [tilespmem:v31+s14+$0x0], $0xffff;
	v20 =	vor.u32 v29, v42  }
0x22a: {  	v18 =	vld.idx.msk [tilespmem:v31+s15+$0x0], $0xffff;
	v0 =	vadd.f32 v2, v0;
	v2 =	vadd.f32 v57, v3;
	v15 =	vmax.f32 v15, $0.0e+00  }
0x22b: {  	v10 =	vmax.f32 v10, $0.0e+00;
	v61 =	vadd.f32 v16, v6;
	v16 =	vld.idx.msk [tilespmem:v26+s14+$0x0], $0xffff;
	v22 =	vor.u32 v29, v41  }
0x22c: {  	v3 =	vadd.f32 v59, v5;
	v33 =	vmul.f32 v15, v11;
	v10 =	vmul.f32 v10, v11;
	v19 =	vld.idx.msk [tilespmem:v28+s14+$0x0], $0xffff  }
0x22d: {  	v6 =	vmax.f32 v32, $0.0e+00;
	v63 =	vld.idx.msk [tilespmem:v28+s15+$0x0], $0xffff;
	v12 =	vadd.f32 v53, v23;
	v23 =	vor.u32 v29, v40  }
0x22e: {  	v1 =	vadd.f32 v60, v1;
	v0 =	vadd.f32 v62, v0;
	v6 =	vmul.f32 v6, v11;
	v37 =	vld.idx.msk [tilespmem:v20+s14+$0x0], $0xffff  }
0x22f: {  	v2 =	vadd.f32 v33, v2;
	v3 =	vadd.f32 v10, v3;
	v26 =	vor.u32 v29, v39;
	v20 =	vld.idx.msk [tilespmem:v20+s15+$0x0], $0xffff  }
0x230: {  	v9 =	vadd.f32 v9, v27;
	v40 =	vadd.f32 v25, v24;
	v24 =	vld.idx.msk [tilespmem:v22+s14+$0x0], $0xffff  }
0x231: {  	v1 =	vadd.f32 v6, v1;
	v41 =	vadd.f32 v58, v21;
	v21 =	vor.u32 v29, v38;
	v42 =	vld.idx.msk [tilespmem:v22+s15+$0x0], $0xffff  }
0x232: {  	v44 =	vadd.f32 v18, v17;
	v12 =	vmax.f32 v12, $0.0e+00;
	v9 =	vmax.f32 v9, $0.0e+00;
	v17 =	vld.idx.msk [tilespmem:v23+s14+$0x0], $0xffff  }
0x233: {  	v39 =	vmul.f32 v12, v11;
	v43 =	vmax.f32 v40, $0.0e+00;
	v6 =	vmax.f32 v41, $0.0e+00;
	v45 =	vld.idx.msk [tilespmem:v23+s15+$0x0], $0xffff  }
0x234: {  	v12 =	vmax.f32 v44, $0.0e+00;
	v48 =	vmul.f32 v9, v4;
	v51 =	vadd.f32 v34, v16;
	v18 =	vld.idx.msk [tilespmem:v26+s14+$0x0], $0xffff  }
0x235: {  	v10 =	vmul.f32 v43, v11;
	v6 =	vmul.f32 v6, v4;
	v8 =	vadd.f32 v63, v19;
	v47 =	vld.idx.msk [tilespmem:v26+s15+$0x0], $0xffff  }
0x236: {  	v46 =	vmul.f32 v12, v4;
	v5 =	vadd.f32 v39, v61;
	v1 =	vadd.f32 v48, v1;
	v50 =	vld.idx.msk [tilespmem:v21+s14+$0x0], $0xffff  }
0x237: {  	v54 =	vmax.f32 v51, $0.0e+00;
	v0 =	vadd.f32 v10, v0;
	v52 =	vld.idx.msk [tilespmem:v21+s15+$0x0], $0xffff;
	v8 =	vmax.f32 v8, $0.0e+00  }
0x238: {  	v2 =	vadd.f32 v6, v2;
	v8 =	vmul.f32 v8, v4;
	v53 =	vadd.f32 v20, v37  }
0x239: {  	v3 =	vadd.f32 v46, v3;
	v4 =	vmul.f32 v54, v4;
	v7 =	vadd.f32 v42, v24  }
0x23a: {  	v49 =	vld [tilespmem:$0x1FF60];
	v5 =	vadd.f32 v8, v5;
	v55 =	vadd.f32 v45, v17;
	v6 =	vmax.f32 v53, $0.0e+00  }
0x23b: {  	v36 =	vld [tilespmem:$0x1FF50];
	v57 =	vadd.f32 v47, v18;
	v7 =	vmax.f32 v7, $0.0e+00;
	v6 =	vmul.f32 v6, v35  }
0x23c: {  	v56 =	vld [tilespmem:$0x1FF70];
	v9 =	vadd.f32 v52, v50;
	v8 =	vmax.f32 v55, $0.0e+00;
	v7 =	vmul.f32 v7, v35  }
0x23d: {  	s22 =	sadd.s32 $0x1, s22;
	v28 =	vld [tilespmem:$0x1FF40];
	v59 =	vmax.f32 v57, $0.0e+00;
	v58 =	vmul.f32 v8, v35;
	v2 =	vadd.f32 v6, v2  }
0x23e: {  	p0 =	sne.s32 s22, $0x7D;
	v25 =	vld [tilespmem:$0x1FF30];
	v61 =	vmax.f32 v9, $0.0e+00;
	v60 =	vmul.f32 v59, v35;
	v3 =	vadd.f32 v7, v3  }
.Ltmp0:
0x23f: {  	v22 =	vld [tilespmem:$0x1FF00];
	v0 =	vadd.f32 v4, v0;
	v62 =	vmul.f32 v61, v35;
	v1 =	vadd.f32 v58, v1;
	[tilespmem:s21+$0xFFFFFFE0] =	vst v2;
	(pc) =	sbr.rel @p0 .LBB2_2-.Ltmp0, $4  }
0x240: {  	v23 =	vld [tilespmem:$0x1FF10];
	v63 =	vadd.f32 v60, v5;
	[tilespmem:s21+$0xFFFFFFF0] =	vst v3  }
0x241: {  	v21 =	vld [tilespmem:$0x1FEF0];
	v0 =	vadd.f32 v62, v0;
	[tilespmem:s21+$0x0] =	vst v1  }
0x242: {  	v20 =	vld [tilespmem:$0x1FEE0];
	[tilespmem:s21+$0x10] =	vst v63  }
0x243: {  	s20 =	sadd.s32 $0x50, s20;
	v19 =	vlaneseq.u32;
	v24 =	vld [tilespmem:$0x1FF20];
	[tilespmem:s21+$0x20] =	vst v0;
	s21 =	sadd.s32 $0x50, s21  }
0x244: {  	s19 =	sadd.s32 $0x1, s19  }
0x245: {  	p0 =	sne.s32 s19, s8  }
.Ltmp1:
0x246: {  	_ = 	snop;
	(pc) =	sbr.rel @p0 .LBB2_1-.Ltmp1, $4  }
0x247: {  	[hbm4b:s7+s3] =	stream.linear.scatter [tilespmem:s18], [sflag:$0x3], $0x2710, $0x38;
	[tilespmem:$0x9F40] =	vst v63  }
0x248: {  	_ =	swait.ge [sflag:s10], $0x2710  }
0x249: {  	[sflag:s10] =	ssyncset.done $0x0  }
0x24a: {  	[sflag:s10] =	ssyncadd.s32 $0xFFFFD8F0  }
0x24b: {  	_ =	sfence.sel $0x180000  }
0x24c: {  	[bflag:$0x0] =	sbarrier.arrive $0xFFFF  }
0x24d: {  	p0 =	sne.s32 s0, $0x0;
	_ =	strace $0x90000047  }
0x24e: {  	s0 =	sadd.s32 @!p0 $0x100000, s1;
	[bflag:$0x2] =	sbarrier.arrive $0xFFFF  }
0x24f: {  	[sflag:s0] =	ssyncadd.tile.s32 @!p0 $0x1;
	_ =	shalt  }
.Lfunc_end2:
_tile_overlayer_lowered:
.L_overlay_start_2:
0x250: {  	(tag) =	ssettag $0x2  }
0x251: {  	s0 =	rddreg [dreg:$0x0];
	s2 =	stileid.u32  }
0x252: {  	s1 =	rddreg [dreg:$0x1];
	p0 =	sne.s32 s2, $0x0  }
0x253: {  	s3 =	rddreg [dreg:$0x2];
	[bflag:$0x3] =	sbarrier.arrive $0xFFFF;
	s2 =	simm.s32 @!p0 $0x1C03  }
0x254: {  	[timem:s3], [sflag:s2] =	dma.local @!p0 [hbm:s0], s1  }
0x255: {  	s0 =	simm.s32 @!p0 $0x3  }
0x256: {  	_ =	swait.ge @!p0 [sflag:s0], s1  }
0x257: {  	s1 =	ssub.s32 @!p0 $0x0, s1;
	[sflag:s0] =	ssyncset.done @!p0 $0x0  }
0x258: {  	[sflag:s0] =	ssyncadd.s32 @!p0 s1  }
0x259: {  	[bflag:$0x3] =	sbarrier.arrive $0xFFFF  }
0x25a: {  	_ =	shalt  }

</sc_bundles>
